<compile_context>
chip_gen: v7x
topology: tpu7x:2x2x1
jax: 0.10.2.dev20260603
libtpu: 0.0.44.dev20260713+nightly
codegen_flags: <defaults>
</compile_context>

<pallas_src>
import functools

import jax
import jax.numpy as jnp
from jax import lax
from jax.experimental import pallas as pl
from jax.experimental.pallas import tpu as pltpu
from jax.experimental.pallas import tpu_sc as plsc

N = 10000
E = 320000
D = 128
L = 5
BN_EPS = 1e-5

NC = 2
NS = 16
NW = NC * NS

NN = 10240
EP = 327680
C = 80
PER_W_E = EP // NW
CHUNKS_W = PER_W_E // C
ROWS_T = NN // NS

PER_W_N = NN // NW
EMB_C = 80

BR = 2048

@functools.lru_cache(maxsize=None)
def _sc_kernels():
    mesh = plsc.VectorSubcoreMesh(core_axis_name="c", subcore_axis_name="s",
                                  num_cores=NC, num_subcores=NS)
    emb_gather = functools.partial(
        pl.kernel,
        out_type=jax.ShapeDtypeStruct((NN, D), jnp.float32),
        mesh=mesh,
        scratch_types=[
            pltpu.VMEM((PER_W_N,), jnp.int32),
            pltpu.VMEM((EMB_C, D), jnp.float32),
            pltpu.VMEM((EMB_C, D), jnp.float32),
            pltpu.SemaphoreType.DMA,
            pltpu.SemaphoreType.DMA,
        ],
    )(_emb_gather_body)
    seg_sum = functools.partial(
        pl.kernel,
        out_type=jax.ShapeDtypeStruct((2 * NN, D), jnp.float32),
        mesh=mesh,
        scratch_types=[
            pltpu.VMEM((PER_W_E,), jnp.int32),
            pltpu.VMEM((CHUNKS_W, C), jnp.int32),
            pltpu.VMEM((C, D), jnp.float32),
            pltpu.VMEM((C, D), jnp.float32),
            pltpu.VMEM_SHARED((NN, D), jnp.float32),
            pltpu.SemaphoreType.DMA,
            pltpu.SemaphoreType.DMA,
            pltpu.SemaphoreType.DMA,
        ],
    )(_seg_sum_body)
    return emb_gather, seg_sum


def _emb_gather_body(emb_hbm, xp_hbm, out_hbm, idx_v, rows0_v, rows1_v,
                     sem0, sem1):
    c = lax.axis_index("c")
    s = lax.axis_index("s")
    wid = s * NC + c
    base = pl.multiple_of(wid * PER_W_N, 8)
    pltpu.sync_copy(xp_hbm.at[pl.ds(base, PER_W_N)], idx_v)

    NCH = PER_W_N // EMB_C

    def gat(j, buf, sem):
        off = pl.multiple_of(j * EMB_C, 8)
        pltpu.async_copy(emb_hbm.at[idx_v.at[pl.ds(off, EMB_C)]], buf, sem)

    def put(j, buf, sem):
        pltpu.make_async_copy(
            emb_hbm.at[idx_v.at[pl.ds(pl.multiple_of(0, 8), EMB_C)]], buf,
            sem).wait()
        off = pl.multiple_of(j * EMB_C, 8)
        pltpu.sync_copy(buf, out_hbm.at[pl.ds(base + off, EMB_C)])

    gat(0, rows0_v, sem0)
    gat(1, rows1_v, sem1)
    for j in range(NCH):
        buf, sem = (rows0_v, sem0) if j % 2 == 0 else (rows1_v, sem1)
        put(j, buf, sem)
        if j + 2 < NCH:
            gat(j + 2, buf, sem)


def _seg_sum_body(z_hbm, h_hbm, src_hbm, dst2_hbm, out_hbm,
                  src_v, dst_v, buf0_v, buf1_v, acc_sh, sem0, sem1, semz):
    c = lax.axis_index("c")
    s = lax.axis_index("s")
    wid = s * NC + c
    rbase = pl.multiple_of(s * ROWS_T, 8)

    with jax.named_scope("idx_load"):
        ebase = pl.multiple_of(wid * PER_W_E, 8)
        pltpu.sync_copy(src_hbm.at[pl.ds(ebase, PER_W_E)], src_v)
        cbase = pl.multiple_of(wid * CHUNKS_W, 8)
        pltpu.sync_copy(dst2_hbm.at[pl.ds(cbase, CHUNKS_W)], dst_v)

    def gather(j, buf, sem):
        off = pl.multiple_of(j * C, 8)
        pltpu.async_copy(h_hbm.at[src_v.at[pl.ds(off, C)]], buf, sem)

    def gwait(buf, sem):
        pltpu.make_async_copy(
            h_hbm.at[src_v.at[pl.ds(pl.multiple_of(0, 8), C)]], buf,
            sem).wait()

    gather(0, buf0_v, sem0)
    gather(1, buf1_v, sem1)

    with jax.named_scope("acc_zero"):
        pltpu.sync_copy(z_hbm, acc_sh.at[pl.ds(rbase, ROWS_T)])
        plsc.subcore_barrier()

    sc_edges = jax.named_scope("edge_loop")
    sc_edges.__enter__()

    def body(t, carry):
        j0 = 2 * t
        gwait(buf0_v, sem0)
        pltpu.sync_copy(buf0_v, acc_sh.at[dst_v.at[j0]], add=True)
        gather(j0 + 2, buf0_v, sem0)
        gwait(buf1_v, sem1)
        pltpu.sync_copy(buf1_v, acc_sh.at[dst_v.at[j0 + 1]], add=True)
        gather(j0 + 3, buf1_v, sem1)
        return carry

    lax.fori_loop(0, CHUNKS_W // 2 - 1, body, 0)
    gwait(buf0_v, sem0)
    pltpu.sync_copy(buf0_v, acc_sh.at[dst_v.at[CHUNKS_W - 2]], add=True)
    gwait(buf1_v, sem1)
    pltpu.sync_copy(buf1_v, acc_sh.at[dst_v.at[CHUNKS_W - 1]], add=True)

    plsc.subcore_barrier()
    sc_edges.__exit__(None, None, None)

    with jax.named_scope("acc_out"):
        obase = pl.multiple_of(c * NN + s * ROWS_T, 8)
        pltpu.sync_copy(acc_sh.at[pl.ds(rbase, ROWS_T)],
                        out_hbm.at[pl.ds(obase, ROWS_T)])


def _mlp_body(h_ref, p0_ref, p1_ref, w1_ref, b1_ref, w2_ref, b2_ref,
              wo1_ref, bo1_ref, wo2_ref, bo2_ref, o_ref, g_ref, gacc_ref):
    i = pl.program_id(0)
    u = h_ref[...] + p0_ref[...] + p1_ref[...]
    t = jnp.dot(u, w1_ref[...], preferred_element_type=jnp.float32) + b1_ref[...]
    t = jnp.maximum(t, 0.0)
    y = jnp.dot(t, w2_ref[...], preferred_element_type=jnp.float32) + b2_ref[...]
    y = jnp.maximum(y, 0.0)
    o_ref[...] = y
    rows = lax.broadcasted_iota(jnp.int32, (BR, 1), 0) + i * BR
    colsum = jnp.sum(jnp.where(rows < N, y, 0.0), axis=0, keepdims=True)

    @pl.when(i == 0)
    def _():
        gacc_ref[...] = colsum

    @pl.when(i > 0)
    def _():
        gacc_ref[...] += colsum

    @pl.when(i == NN // BR - 1)
    def _():
        g = gacc_ref[...]
        th = jnp.dot(g, wo1_ref[...],
                     preferred_element_type=jnp.float32) + bo1_ref[...]
        th = jnp.maximum(th, 0.0)
        g_ref[...] = jnp.dot(th, wo2_ref[...],
                             preferred_element_type=jnp.float32) + bo2_ref[...]


_mlp = pl.pallas_call(
    _mlp_body,
    grid=(NN // BR,),
    in_specs=[
        pl.BlockSpec((BR, D), lambda i: (i, 0)),
        pl.BlockSpec((BR, D), lambda i: (i, 0)),
        pl.BlockSpec((BR, D), lambda i: (NN // BR + i, 0)),
        pl.BlockSpec((D, D), lambda i: (0, 0)),
        pl.BlockSpec((1, D), lambda i: (0, 0)),
        pl.BlockSpec((D, D), lambda i: (0, 0)),
        pl.BlockSpec((1, D), lambda i: (0, 0)),
        pl.BlockSpec((D, D), lambda i: (0, 0)),
        pl.BlockSpec((1, D), lambda i: (0, 0)),
        pl.BlockSpec((D, D), lambda i: (0, 0)),
        pl.BlockSpec((1, D), lambda i: (0, 0)),
    ],
    out_specs=[
        pl.BlockSpec((BR, D), lambda i: (i, 0)),
        pl.BlockSpec((1, D), lambda i: (0, 0)),
    ],
    out_shape=[
        jax.ShapeDtypeStruct((NN, D), jnp.float32),
        jax.ShapeDtypeStruct((1, D), jnp.float32),
    ],
    scratch_shapes=[pltpu.VMEM((1, D), jnp.float32)],
)


def kernel(x, edge_index, batch, emb, W1, b1, g1, be1, W2, b2, g2, be2,
           Wo1, bo1, Wo2, bo2):
    scale = 1.0 / jnp.sqrt(jnp.float32(1.0 + BN_EPS))
    g1s = g1 * scale
    g2s = g2 * scale
    W1f = W1 * g1s[:, None, :]
    b1f = b1 * g1s + be1
    W2f = W2 * g2s[:, None, :]
    b2f = b2 * g2s + be2

    src = edge_index[0].astype(jnp.int32)
    dst = edge_index[1].astype(jnp.int32)
    xp = jnp.concatenate([x.astype(jnp.int32), jnp.zeros((NN - N,), jnp.int32)])
    pad_i = jnp.arange(EP - E, dtype=jnp.int32)
    srcp = jnp.concatenate([src, pad_i % N])
    dstp = jnp.concatenate([dst, N + pad_i % (NN - N)])
    dst2 = dstp.reshape(EP // C, C)

    emb_gather, seg_sum = _sc_kernels()
    zrows = jnp.zeros((ROWS_T, D), jnp.float32)
    h = emb_gather(emb, xp)
    out = None
    for i in range(L):
        p = seg_sum(zrows, h, srcp, dst2)
        h, out = _mlp(h, p, p, W1f[i], b1f[i].reshape(1, D),
                      W2f[i], b2f[i].reshape(1, D),
                      Wo1, bo1.reshape(1, D), Wo2, bo2.reshape(1, D))
    return out

# --- scband reference (transcript-rebuilt; emitter-appended) ---
"""Pipeline reference for scband-graph-encoder-4123168604559 (READ-ONLY COPY).

The authoritative reference and input builder live on the scoring server;
editing this copy changes nothing except your own understanding.
"""

import jax, jax.numpy as jnp
import numpy as np

N = 10000
E = 320000
D = 128
L = 5
BN_EPS = 1e-5


def setup_inputs(seed: int = 0) -> dict:
    key = jax.random.key(seed)
    ks = jax.random.split(key, 16)
    x = jax.random.randint(ks[0], (N,), 0, N)
    edge_index = jax.random.randint(ks[1], (2, E), 0, N)
    batch = jnp.zeros((N,), dtype=jnp.int32)
    s = 1.0 / np.sqrt(D)
    emb = jax.random.normal(ks[2], (N, D), dtype=jnp.float32) * 0.02
    W1 = jax.random.normal(ks[3], (L, D, D), dtype=jnp.float32) * s
    b1 = jnp.zeros((L, D), dtype=jnp.float32)
    g1 = jnp.ones((L, D), dtype=jnp.float32)
    be1 = jnp.zeros((L, D), dtype=jnp.float32)
    W2 = jax.random.normal(ks[4], (L, D, D), dtype=jnp.float32) * s
    b2 = jnp.zeros((L, D), dtype=jnp.float32)
    g2 = jnp.ones((L, D), dtype=jnp.float32)
    be2 = jnp.zeros((L, D), dtype=jnp.float32)
    Wo1 = jax.random.normal(ks[5], (D, D), dtype=jnp.float32) * s
    bo1 = jnp.zeros((D,), dtype=jnp.float32)
    Wo2 = jax.random.normal(ks[6], (D, D), dtype=jnp.float32) * s
    bo2 = jnp.zeros((D,), dtype=jnp.float32)
    return {"x": x, "edge_index": edge_index, "batch": batch, "emb": emb,
            "W1": W1, "b1": b1, "g1": g1, "be1": be1,
            "W2": W2, "b2": b2, "g2": g2, "be2": be2,
            "Wo1": Wo1, "bo1": bo1, "Wo2": Wo2, "bo2": bo2}


def _bn_eval(h, gamma, beta):
    # BatchNorm1d in eval mode with running_mean=0, running_var=1
    return h / jnp.sqrt(1.0 + BN_EPS) * gamma + beta


def reference(x, edge_index, batch, emb, W1, b1, g1, be1, W2, b2, g2, be2, Wo1, bo1, Wo2, bo2):
    src = edge_index[0]
    dst = edge_index[1]
    h = jnp.take(emb, x, axis=0)  # embedding lookup
    for i in range(L):
        # GINConv with eps=0: h' = MLP((1+eps)*h + sum_{j->i} h_j)
        agg = jax.ops.segment_sum(jnp.take(h, src, axis=0), dst, num_segments=N)
        h = h + agg
        h = h @ W1[i] + b1[i]
        h = _bn_eval(h, g1[i], be1[i])
        h = jax.nn.relu(h)
        # dropout is identity at inference
        h = h @ W2[i] + b2[i]
        h = _bn_eval(h, g2[i], be2[i])
        h = jax.nn.relu(h)
    # global_add_pool: batch is all zeros -> single graph
    g = jax.ops.segment_sum(h, batch, num_segments=1)
    out = jax.nn.relu(g @ Wo1 + bo1) @ Wo2 + bo2
    return out

if __name__ == "__main__":
    import jax
    _d = setup_inputs()
    print(jax.jit(kernel)(*tuple(_d.values())))

</pallas_src>

<mosaic_0001>
#map = affine_map<(d0, d1) -> (0, 0)>
#map1 = affine_map<(d0, d1) -> (0)>
module attributes {stable_mosaic.version = 14 : i64} {
  func.func @_emb_gather_body(%arg0: i32, %arg1: i32, %arg2: memref<10000x128xf32, #tpu.memory_space<hbm>>, %arg3: memref<10240xi32, #tpu.memory_space<hbm>>, %arg4: memref<10240x128xf32, #tpu.memory_space<hbm>>, %arg5: memref<320xi32, #tpu.memory_space<vmem>>, %arg6: memref<80x128xf32, #tpu.memory_space<vmem>>, %arg7: memref<80x128xf32, #tpu.memory_space<vmem>>, %arg8: memref<!tpu.dma_semaphore, #tpu.memory_space<semaphore_mem>>, %arg9: memref<!tpu.dma_semaphore, #tpu.memory_space<semaphore_mem>>) attributes {dimension_semantics = [#tpu.dimension_semantics<core_parallel>, #tpu.dimension_semantics<subcore_parallel>], iteration_bounds = array<i64: 2, 16>, scalar_prefetch = 0 : i64, scratch_operands = 5 : i64, tpu.core_type = #tpu.core_type<sc_vector_subcore>, window_params = [{transform_indices = #map}, {transform_indices = #map1}, {transform_indices = #map}]} {
    %mul3A = arith.constant 2 : i32
    %mul3A_0 = arith.muli %arg1, %mul3A : i32
    %add3A = arith.addi %mul3A_0, %arg0 : i32
    %mul3A_1 = arith.constant 320 : i32
    %mul3A_2 = arith.muli %add3A, %mul3A_1 : i32
    %multiple_of3A = tpu.assume_multiple %mul3A_2, 8 : i32
    "tpu.region"() ({
      %run_scoped3A = tpu.sem_alloc : memref<!tpu.dma_semaphore, #tpu.memory_space<semaphore_mem>>
      %dma_start3A_61 = tpu.memref_slice %arg3[%multiple_of3A] : memref<10240xi32, #tpu.memory_space<hbm>> -> memref<320xi32, #tpu.memory_space<hbm>>
      %dma_start3A_62 = tpu.memref_slice %arg3[%multiple_of3A] : memref<10240xi32, #tpu.memory_space<hbm>> -> memref<320xi32, #tpu.memory_space<hbm>>
      tpu.enqueue_dma source(%dma_start3A_62 : memref<320xi32, #tpu.memory_space<hbm>>) target(%arg5 : memref<320xi32, #tpu.memory_space<vmem>>) target_semaphore(%run_scoped3A : memref<!tpu.dma_semaphore, #tpu.memory_space<semaphore_mem>>)
      %dma_wait3A_63 = tpu.memref_slice %arg3[%multiple_of3A] : memref<10240xi32, #tpu.memory_space<hbm>> -> memref<320xi32, #tpu.memory_space<hbm>>
      %dma_wait3A_64 = tpu.memref_slice %arg3[%multiple_of3A] : memref<10240xi32, #tpu.memory_space<hbm>> -> memref<320xi32, #tpu.memory_space<hbm>>
      tpu.wait_dma2 semaphore(%run_scoped3A : memref<!tpu.dma_semaphore, #tpu.memory_space<semaphore_mem>>) src(%dma_wait3A_64 : memref<320xi32, #tpu.memory_space<hbm>>) dst(%arg5 : memref<320xi32, #tpu.memory_space<vmem>>)
      tpu.yield
    }) : () -> ()
    %multiple_of3A_3 = arith.constant 0 : i32
    %multiple_of3A_4 = tpu.assume_multiple %multiple_of3A_3, 8 : i32
    %dma_start3A = tpu.memref_slice %arg5[%multiple_of3A_4] : memref<320xi32, #tpu.memory_space<vmem>> -> memref<80xi32, #tpu.memory_space<vmem>>
    %dma_start3A_5 = arith.constant 0 : i32
    %dma_start3A_6 = arith.constant 0 : i32
    %dma_start3A_7 = tpu.memref_slice %arg2[%dma_start3A_5, %dma_start3A_6] : memref<10000x128xf32, #tpu.memory_space<hbm>> -> memref<10000x128xf32, #tpu.memory_space<hbm>>
    tpu.enqueue_indirect_dma source(%dma_start3A_7 : memref<10000x128xf32, #tpu.memory_space<hbm>>) target(%arg6 : memref<80x128xf32, #tpu.memory_space<vmem>>) offsets(%dma_start3A : memref<80xi32, #tpu.memory_space<vmem>>) semaphore(%arg8 : memref<!tpu.dma_semaphore, #tpu.memory_space<semaphore_mem>>)
    %multiple_of3A_8 = arith.constant 80 : i32
    %multiple_of3A_9 = tpu.assume_multiple %multiple_of3A_8, 8 : i32
    %dma_start3A_10 = tpu.memref_slice %arg5[%multiple_of3A_9] : memref<320xi32, #tpu.memory_space<vmem>> -> memref<80xi32, #tpu.memory_space<vmem>>
    %dma_start3A_11 = arith.constant 0 : i32
    %dma_start3A_12 = arith.constant 0 : i32
    %dma_start3A_13 = tpu.memref_slice %arg2[%dma_start3A_11, %dma_start3A_12] : memref<10000x128xf32, #tpu.memory_space<hbm>> -> memref<10000x128xf32, #tpu.memory_space<hbm>>
    tpu.enqueue_indirect_dma source(%dma_start3A_13 : memref<10000x128xf32, #tpu.memory_space<hbm>>) target(%arg7 : memref<80x128xf32, #tpu.memory_space<vmem>>) offsets(%dma_start3A_10 : memref<80xi32, #tpu.memory_space<vmem>>) semaphore(%arg9 : memref<!tpu.dma_semaphore, #tpu.memory_space<semaphore_mem>>)
    %multiple_of3A_14 = arith.constant 0 : i32
    %multiple_of3A_15 = tpu.assume_multiple %multiple_of3A_14, 8 : i32
    %dma_wait3A = tpu.memref_slice %arg5[%multiple_of3A_15] : memref<320xi32, #tpu.memory_space<vmem>> -> memref<80xi32, #tpu.memory_space<vmem>>
    %dma_wait3A_16 = arith.constant 0 : i32
    %dma_wait3A_17 = arith.constant 0 : i32
    %dma_wait3A_18 = tpu.memref_slice %arg2[%dma_wait3A_16, %dma_wait3A_17] : memref<10000x128xf32, #tpu.memory_space<hbm>> -> memref<10000x128xf32, #tpu.memory_space<hbm>>
    tpu.wait_indirect_dma semaphore(%arg8 : memref<!tpu.dma_semaphore, #tpu.memory_space<semaphore_mem>>) src(%dma_wait3A_18 : memref<10000x128xf32, #tpu.memory_space<hbm>>) dst(%arg6 : memref<80x128xf32, #tpu.memory_space<vmem>>)
    %multiple_of3A_19 = arith.constant 0 : i32
    %multiple_of3A_20 = tpu.assume_multiple %multiple_of3A_19, 8 : i32
    %add3A_21 = arith.addi %multiple_of3A, %multiple_of3A_20 : i32
    "tpu.region"() ({
      %run_scoped3A = tpu.sem_alloc : memref<!tpu.dma_semaphore, #tpu.memory_space<semaphore_mem>>
      %dma_start3A_61 = arith.constant 0 : i32
      %dma_start3A_62 = tpu.memref_slice %arg4[%add3A_21, %dma_start3A_61] : memref<10240x128xf32, #tpu.memory_space<hbm>> -> memref<80x128xf32, #tpu.memory_space<hbm>>
      %dma_start3A_63 = arith.constant 0 : i32
      %dma_start3A_64 = tpu.memref_slice %arg4[%add3A_21, %dma_start3A_63] : memref<10240x128xf32, #tpu.memory_space<hbm>> -> memref<80x128xf32, #tpu.memory_space<hbm>>
      tpu.enqueue_dma source(%arg6 : memref<80x128xf32, #tpu.memory_space<vmem>>) target(%dma_start3A_64 : memref<80x128xf32, #tpu.memory_space<hbm>>) target_semaphore(%run_scoped3A : memref<!tpu.dma_semaphore, #tpu.memory_space<semaphore_mem>>)
      %dma_wait3A_65 = arith.constant 0 : i32
      %dma_wait3A_66 = tpu.memref_slice %arg4[%add3A_21, %dma_wait3A_65] : memref<10240x128xf32, #tpu.memory_space<hbm>> -> memref<80x128xf32, #tpu.memory_space<hbm>>
      %dma_wait3A_67 = arith.constant 0 : i32
      %dma_wait3A_68 = tpu.memref_slice %arg4[%add3A_21, %dma_wait3A_67] : memref<10240x128xf32, #tpu.memory_space<hbm>> -> memref<80x128xf32, #tpu.memory_space<hbm>>
      tpu.wait_dma2 semaphore(%run_scoped3A : memref<!tpu.dma_semaphore, #tpu.memory_space<semaphore_mem>>) src(%arg6 : memref<80x128xf32, #tpu.memory_space<vmem>>) dst(%dma_wait3A_68 : memref<80x128xf32, #tpu.memory_space<hbm>>)
      tpu.yield
    }) : () -> ()
    %multiple_of3A_22 = arith.constant 160 : i32
    %multiple_of3A_23 = tpu.assume_multiple %multiple_of3A_22, 8 : i32
    %dma_start3A_24 = tpu.memref_slice %arg5[%multiple_of3A_23] : memref<320xi32, #tpu.memory_space<vmem>> -> memref<80xi32, #tpu.memory_space<vmem>>
    %dma_start3A_25 = arith.constant 0 : i32
    %dma_start3A_26 = arith.constant 0 : i32
    %dma_start3A_27 = tpu.memref_slice %arg2[%dma_start3A_25, %dma_start3A_26] : memref<10000x128xf32, #tpu.memory_space<hbm>> -> memref<10000x128xf32, #tpu.memory_space<hbm>>
    tpu.enqueue_indirect_dma source(%dma_start3A_27 : memref<10000x128xf32, #tpu.memory_space<hbm>>) target(%arg6 : memref<80x128xf32, #tpu.memory_space<vmem>>) offsets(%dma_start3A_24 : memref<80xi32, #tpu.memory_space<vmem>>) semaphore(%arg8 : memref<!tpu.dma_semaphore, #tpu.memory_space<semaphore_mem>>)
    %multiple_of3A_28 = arith.constant 0 : i32
    %multiple_of3A_29 = tpu.assume_multiple %multiple_of3A_28, 8 : i32
    %dma_wait3A_30 = tpu.memref_slice %arg5[%multiple_of3A_29] : memref<320xi32, #tpu.memory_space<vmem>> -> memref<80xi32, #tpu.memory_space<vmem>>
    %dma_wait3A_31 = arith.constant 0 : i32
    %dma_wait3A_32 = arith.constant 0 : i32
    %dma_wait3A_33 = tpu.memref_slice %arg2[%dma_wait3A_31, %dma_wait3A_32] : memref<10000x128xf32, #tpu.memory_space<hbm>> -> memref<10000x128xf32, #tpu.memory_space<hbm>>
    tpu.wait_indirect_dma semaphore(%arg9 : memref<!tpu.dma_semaphore, #tpu.memory_space<semaphore_mem>>) src(%dma_wait3A_33 : memref<10000x128xf32, #tpu.memory_space<hbm>>) dst(%arg7 : memref<80x128xf32, #tpu.memory_space<vmem>>)
    %multiple_of3A_34 = arith.constant 80 : i32
    %multiple_of3A_35 = tpu.assume_multiple %multiple_of3A_34, 8 : i32
    %add3A_36 = arith.addi %multiple_of3A, %multiple_of3A_35 : i32
    "tpu.region"() ({
      %run_scoped3A = tpu.sem_alloc : memref<!tpu.dma_semaphore, #tpu.memory_space<semaphore_mem>>
      %dma_start3A_61 = arith.constant 0 : i32
      %dma_start3A_62 = tpu.memref_slice %arg4[%add3A_36, %dma_start3A_61] : memref<10240x128xf32, #tpu.memory_space<hbm>> -> memref<80x128xf32, #tpu.memory_space<hbm>>
      %dma_start3A_63 = arith.constant 0 : i32
      %dma_start3A_64 = tpu.memref_slice %arg4[%add3A_36, %dma_start3A_63] : memref<10240x128xf32, #tpu.memory_space<hbm>> -> memref<80x128xf32, #tpu.memory_space<hbm>>
      tpu.enqueue_dma source(%arg7 : memref<80x128xf32, #tpu.memory_space<vmem>>) target(%dma_start3A_64 : memref<80x128xf32, #tpu.memory_space<hbm>>) target_semaphore(%run_scoped3A : memref<!tpu.dma_semaphore, #tpu.memory_space<semaphore_mem>>)
      %dma_wait3A_65 = arith.constant 0 : i32
      %dma_wait3A_66 = tpu.memref_slice %arg4[%add3A_36, %dma_wait3A_65] : memref<10240x128xf32, #tpu.memory_space<hbm>> -> memref<80x128xf32, #tpu.memory_space<hbm>>
      %dma_wait3A_67 = arith.constant 0 : i32
      %dma_wait3A_68 = tpu.memref_slice %arg4[%add3A_36, %dma_wait3A_67] : memref<10240x128xf32, #tpu.memory_space<hbm>> -> memref<80x128xf32, #tpu.memory_space<hbm>>
      tpu.wait_dma2 semaphore(%run_scoped3A : memref<!tpu.dma_semaphore, #tpu.memory_space<semaphore_mem>>) src(%arg7 : memref<80x128xf32, #tpu.memory_space<vmem>>) dst(%dma_wait3A_68 : memref<80x128xf32, #tpu.memory_space<hbm>>)
      tpu.yield
    }) : () -> ()
    %multiple_of3A_37 = arith.constant 240 : i32
    %multiple_of3A_38 = tpu.assume_multiple %multiple_of3A_37, 8 : i32
    %dma_start3A_39 = tpu.memref_slice %arg5[%multiple_of3A_38] : memref<320xi32, #tpu.memory_space<vmem>> -> memref<80xi32, #tpu.memory_space<vmem>>
    %dma_start3A_40 = arith.constant 0 : i32
    %dma_start3A_41 = arith.constant 0 : i32
    %dma_start3A_42 = tpu.memref_slice %arg2[%dma_start3A_40, %dma_start3A_41] : memref<10000x128xf32, #tpu.memory_space<hbm>> -> memref<10000x128xf32, #tpu.memory_space<hbm>>
    tpu.enqueue_indirect_dma source(%dma_start3A_42 : memref<10000x128xf32, #tpu.memory_space<hbm>>) target(%arg7 : memref<80x128xf32, #tpu.memory_space<vmem>>) offsets(%dma_start3A_39 : memref<80xi32, #tpu.memory_space<vmem>>) semaphore(%arg9 : memref<!tpu.dma_semaphore, #tpu.memory_space<semaphore_mem>>)
    %multiple_of3A_43 = arith.constant 0 : i32
    %multiple_of3A_44 = tpu.assume_multiple %multiple_of3A_43, 8 : i32
    %dma_wait3A_45 = tpu.memref_slice %arg5[%multiple_of3A_44] : memref<320xi32, #tpu.memory_space<vmem>> -> memref<80xi32, #tpu.memory_space<vmem>>
    %dma_wait3A_46 = arith.constant 0 : i32
    %dma_wait3A_47 = arith.constant 0 : i32
    %dma_wait3A_48 = tpu.memref_slice %arg2[%dma_wait3A_46, %dma_wait3A_47] : memref<10000x128xf32, #tpu.memory_space<hbm>> -> memref<10000x128xf32, #tpu.memory_space<hbm>>
    tpu.wait_indirect_dma semaphore(%arg8 : memref<!tpu.dma_semaphore, #tpu.memory_space<semaphore_mem>>) src(%dma_wait3A_48 : memref<10000x128xf32, #tpu.memory_space<hbm>>) dst(%arg6 : memref<80x128xf32, #tpu.memory_space<vmem>>)
    %multiple_of3A_49 = arith.constant 160 : i32
    %multiple_of3A_50 = tpu.assume_multiple %multiple_of3A_49, 8 : i32
    %add3A_51 = arith.addi %multiple_of3A, %multiple_of3A_50 : i32
    "tpu.region"() ({
      %run_scoped3A = tpu.sem_alloc : memref<!tpu.dma_semaphore, #tpu.memory_space<semaphore_mem>>
      %dma_start3A_61 = arith.constant 0 : i32
      %dma_start3A_62 = tpu.memref_slice %arg4[%add3A_51, %dma_start3A_61] : memref<10240x128xf32, #tpu.memory_space<hbm>> -> memref<80x128xf32, #tpu.memory_space<hbm>>
      %dma_start3A_63 = arith.constant 0 : i32
      %dma_start3A_64 = tpu.memref_slice %arg4[%add3A_51, %dma_start3A_63] : memref<10240x128xf32, #tpu.memory_space<hbm>> -> memref<80x128xf32, #tpu.memory_space<hbm>>
      tpu.enqueue_dma source(%arg6 : memref<80x128xf32, #tpu.memory_space<vmem>>) target(%dma_start3A_64 : memref<80x128xf32, #tpu.memory_space<hbm>>) target_semaphore(%run_scoped3A : memref<!tpu.dma_semaphore, #tpu.memory_space<semaphore_mem>>)
      %dma_wait3A_65 = arith.constant 0 : i32
      %dma_wait3A_66 = tpu.memref_slice %arg4[%add3A_51, %dma_wait3A_65] : memref<10240x128xf32, #tpu.memory_space<hbm>> -> memref<80x128xf32, #tpu.memory_space<hbm>>
      %dma_wait3A_67 = arith.constant 0 : i32
      %dma_wait3A_68 = tpu.memref_slice %arg4[%add3A_51, %dma_wait3A_67] : memref<10240x128xf32, #tpu.memory_space<hbm>> -> memref<80x128xf32, #tpu.memory_space<hbm>>
      tpu.wait_dma2 semaphore(%run_scoped3A : memref<!tpu.dma_semaphore, #tpu.memory_space<semaphore_mem>>) src(%arg6 : memref<80x128xf32, #tpu.memory_space<vmem>>) dst(%dma_wait3A_68 : memref<80x128xf32, #tpu.memory_space<hbm>>)
      tpu.yield
    }) : () -> ()
    %multiple_of3A_52 = arith.constant 0 : i32
    %multiple_of3A_53 = tpu.assume_multiple %multiple_of3A_52, 8 : i32
    %dma_wait3A_54 = tpu.memref_slice %arg5[%multiple_of3A_53] : memref<320xi32, #tpu.memory_space<vmem>> -> memref<80xi32, #tpu.memory_space<vmem>>
    %dma_wait3A_55 = arith.constant 0 : i32
    %dma_wait3A_56 = arith.constant 0 : i32
    %dma_wait3A_57 = tpu.memref_slice %arg2[%dma_wait3A_55, %dma_wait3A_56] : memref<10000x128xf32, #tpu.memory_space<hbm>> -> memref<10000x128xf32, #tpu.memory_space<hbm>>
    tpu.wait_indirect_dma semaphore(%arg9 : memref<!tpu.dma_semaphore, #tpu.memory_space<semaphore_mem>>) src(%dma_wait3A_57 : memref<10000x128xf32, #tpu.memory_space<hbm>>) dst(%arg7 : memref<80x128xf32, #tpu.memory_space<vmem>>)
    %multiple_of3A_58 = arith.constant 240 : i32
    %multiple_of3A_59 = tpu.assume_multiple %multiple_of3A_58, 8 : i32
    %add3A_60 = arith.addi %multiple_of3A, %multiple_of3A_59 : i32
    "tpu.region"() ({
      %run_scoped3A = tpu.sem_alloc : memref<!tpu.dma_semaphore, #tpu.memory_space<semaphore_mem>>
      %dma_start3A_61 = arith.constant 0 : i32
      %dma_start3A_62 = tpu.memref_slice %arg4[%add3A_60, %dma_start3A_61] : memref<10240x128xf32, #tpu.memory_space<hbm>> -> memref<80x128xf32, #tpu.memory_space<hbm>>
      %dma_start3A_63 = arith.constant 0 : i32
      %dma_start3A_64 = tpu.memref_slice %arg4[%add3A_60, %dma_start3A_63] : memref<10240x128xf32, #tpu.memory_space<hbm>> -> memref<80x128xf32, #tpu.memory_space<hbm>>
      tpu.enqueue_dma source(%arg7 : memref<80x128xf32, #tpu.memory_space<vmem>>) target(%dma_start3A_64 : memref<80x128xf32, #tpu.memory_space<hbm>>) target_semaphore(%run_scoped3A : memref<!tpu.dma_semaphore, #tpu.memory_space<semaphore_mem>>)
      %dma_wait3A_65 = arith.constant 0 : i32
      %dma_wait3A_66 = tpu.memref_slice %arg4[%add3A_60, %dma_wait3A_65] : memref<10240x128xf32, #tpu.memory_space<hbm>> -> memref<80x128xf32, #tpu.memory_space<hbm>>
      %dma_wait3A_67 = arith.constant 0 : i32
      %dma_wait3A_68 = tpu.memref_slice %arg4[%add3A_60, %dma_wait3A_67] : memref<10240x128xf32, #tpu.memory_space<hbm>> -> memref<80x128xf32, #tpu.memory_space<hbm>>
      tpu.wait_dma2 semaphore(%run_scoped3A : memref<!tpu.dma_semaphore, #tpu.memory_space<semaphore_mem>>) src(%arg7 : memref<80x128xf32, #tpu.memory_space<vmem>>) dst(%dma_wait3A_68 : memref<80x128xf32, #tpu.memory_space<hbm>>)
      tpu.yield
    }) : () -> ()
    return
  }
}

#map = affine_map<(d0, d1) -> (0, 0)>
#map1 = affine_map<(d0, d1) -> (0)>
module attributes {stable_mosaic.version = 14 : i64} {
  func.func @_seg_sum_body(%arg0: i32, %arg1: i32, %arg2: memref<640x128xf32, #tpu.memory_space<hbm>>, %arg3: memref<10240x128xf32, #tpu.memory_space<hbm>>, %arg4: memref<327680xi32, #tpu.memory_space<hbm>>, %arg5: memref<4096x80xi32, #tpu.memory_space<hbm>>, %arg6: memref<20480x128xf32, #tpu.memory_space<hbm>>, %arg7: memref<10240xi32, #tpu.memory_space<vmem>>, %arg8: memref<128x80xi32, #tpu.memory_space<vmem>>, %arg9: memref<80x128xf32, #tpu.memory_space<vmem>>, %arg10: memref<80x128xf32, #tpu.memory_space<vmem>>, %arg11: memref<10240x128xf32, #tpu.memory_space<vmem_shared>>, %arg12: memref<!tpu.dma_semaphore, #tpu.memory_space<semaphore_mem>>, %arg13: memref<!tpu.dma_semaphore, #tpu.memory_space<semaphore_mem>>, %arg14: memref<!tpu.dma_semaphore, #tpu.memory_space<semaphore_mem>>) attributes {dimension_semantics = [#tpu.dimension_semantics<core_parallel>, #tpu.dimension_semantics<subcore_parallel>], iteration_bounds = array<i64: 2, 16>, scalar_prefetch = 0 : i64, scratch_operands = 8 : i64, tpu.core_type = #tpu.core_type<sc_vector_subcore>, window_params = [{transform_indices = #map}, {transform_indices = #map}, {transform_indices = #map1}, {transform_indices = #map}, {transform_indices = #map}]} {
    %mul3A = arith.constant 2 : i32
    %mul3A_0 = arith.muli %arg1, %mul3A : i32
    %add3A = arith.addi %mul3A_0, %arg0 : i32
    %mul3A_1 = arith.constant 640 : i32
    %mul3A_2 = arith.muli %arg1, %mul3A_1 : i32
    %multiple_of3A = tpu.assume_multiple %mul3A_2, 8 : i32
    "tpu.trace_start"() <{level = 10 : i32, message = "idx_load"}> : () -> ()
    %mul3A_3 = arith.constant 10240 : i32
    %mul3A_4 = arith.muli %add3A, %mul3A_3 : i32
    %multiple_of3A_5 = tpu.assume_multiple %mul3A_4, 8 : i32
    "tpu.region"() ({
      %run_scoped3A_44 = tpu.sem_alloc : memref<!tpu.dma_semaphore, #tpu.memory_space<semaphore_mem>>
      %dma_start3A_45 = tpu.memref_slice %arg4[%multiple_of3A_5] : memref<327680xi32, #tpu.memory_space<hbm>> -> memref<10240xi32, #tpu.memory_space<hbm>>
      %dma_start3A_46 = tpu.memref_slice %arg4[%multiple_of3A_5] : memref<327680xi32, #tpu.memory_space<hbm>> -> memref<10240xi32, #tpu.memory_space<hbm>>
      tpu.enqueue_dma source(%dma_start3A_46 : memref<10240xi32, #tpu.memory_space<hbm>>) target(%arg7 : memref<10240xi32, #tpu.memory_space<vmem>>) target_semaphore(%run_scoped3A_44 : memref<!tpu.dma_semaphore, #tpu.memory_space<semaphore_mem>>)
      %dma_wait3A_47 = tpu.memref_slice %arg4[%multiple_of3A_5] : memref<327680xi32, #tpu.memory_space<hbm>> -> memref<10240xi32, #tpu.memory_space<hbm>>
      %dma_wait3A_48 = tpu.memref_slice %arg4[%multiple_of3A_5] : memref<327680xi32, #tpu.memory_space<hbm>> -> memref<10240xi32, #tpu.memory_space<hbm>>
      tpu.wait_dma2 semaphore(%run_scoped3A_44 : memref<!tpu.dma_semaphore, #tpu.memory_space<semaphore_mem>>) src(%dma_wait3A_48 : memref<10240xi32, #tpu.memory_space<hbm>>) dst(%arg7 : memref<10240xi32, #tpu.memory_space<vmem>>)
      tpu.yield
    }) : () -> ()
    %mul3A_6 = arith.constant 128 : i32
    %mul3A_7 = arith.muli %add3A, %mul3A_6 : i32
    %multiple_of3A_8 = tpu.assume_multiple %mul3A_7, 8 : i32
    "tpu.region"() ({
      %run_scoped3A_44 = tpu.sem_alloc : memref<!tpu.dma_semaphore, #tpu.memory_space<semaphore_mem>>
      %dma_start3A_45 = arith.constant 0 : i32
      %dma_start3A_46 = tpu.memref_slice %arg5[%multiple_of3A_8, %dma_start3A_45] : memref<4096x80xi32, #tpu.memory_space<hbm>> -> memref<128x80xi32, #tpu.memory_space<hbm>>
      %dma_start3A_47 = arith.constant 0 : i32
      %dma_start3A_48 = tpu.memref_slice %arg5[%multiple_of3A_8, %dma_start3A_47] : memref<4096x80xi32, #tpu.memory_space<hbm>> -> memref<128x80xi32, #tpu.memory_space<hbm>>
      tpu.enqueue_dma source(%dma_start3A_48 : memref<128x80xi32, #tpu.memory_space<hbm>>) target(%arg8 : memref<128x80xi32, #tpu.memory_space<vmem>>) target_semaphore(%run_scoped3A_44 : memref<!tpu.dma_semaphore, #tpu.memory_space<semaphore_mem>>)
      %dma_wait3A_49 = arith.constant 0 : i32
      %dma_wait3A_50 = tpu.memref_slice %arg5[%multiple_of3A_8, %dma_wait3A_49] : memref<4096x80xi32, #tpu.memory_space<hbm>> -> memref<128x80xi32, #tpu.memory_space<hbm>>
      %dma_wait3A_51 = arith.constant 0 : i32
      %dma_wait3A_52 = tpu.memref_slice %arg5[%multiple_of3A_8, %dma_wait3A_51] : memref<4096x80xi32, #tpu.memory_space<hbm>> -> memref<128x80xi32, #tpu.memory_space<hbm>>
      tpu.wait_dma2 semaphore(%run_scoped3A_44 : memref<!tpu.dma_semaphore, #tpu.memory_space<semaphore_mem>>) src(%dma_wait3A_52 : memref<128x80xi32, #tpu.memory_space<hbm>>) dst(%arg8 : memref<128x80xi32, #tpu.memory_space<vmem>>)
      tpu.yield
    }) : () -> ()
    %multiple_of3A_9 = arith.constant 0 : i32
    "tpu.trace_stop"() : () -> ()
    %multiple_of3A_10 = tpu.assume_multiple %multiple_of3A_9, 8 : i32
    %dma_start3A = tpu.memref_slice %arg7[%multiple_of3A_10] : memref<10240xi32, #tpu.memory_space<vmem>> -> memref<80xi32, #tpu.memory_space<vmem>>
    %dma_start3A_11 = arith.constant 0 : i32
    %dma_start3A_12 = arith.constant 0 : i32
    %dma_start3A_13 = tpu.memref_slice %arg3[%dma_start3A_11, %dma_start3A_12] : memref<10240x128xf32, #tpu.memory_space<hbm>> -> memref<10240x128xf32, #tpu.memory_space<hbm>>
    tpu.enqueue_indirect_dma source(%dma_start3A_13 : memref<10240x128xf32, #tpu.memory_space<hbm>>) target(%arg9 : memref<80x128xf32, #tpu.memory_space<vmem>>) offsets(%dma_start3A : memref<80xi32, #tpu.memory_space<vmem>>) semaphore(%arg12 : memref<!tpu.dma_semaphore, #tpu.memory_space<semaphore_mem>>)
    %multiple_of3A_14 = arith.constant 80 : i32
    %multiple_of3A_15 = tpu.assume_multiple %multiple_of3A_14, 8 : i32
    %dma_start3A_16 = tpu.memref_slice %arg7[%multiple_of3A_15] : memref<10240xi32, #tpu.memory_space<vmem>> -> memref<80xi32, #tpu.memory_space<vmem>>
    %dma_start3A_17 = arith.constant 0 : i32
    %dma_start3A_18 = arith.constant 0 : i32
    %dma_start3A_19 = tpu.memref_slice %arg3[%dma_start3A_17, %dma_start3A_18] : memref<10240x128xf32, #tpu.memory_space<hbm>> -> memref<10240x128xf32, #tpu.memory_space<hbm>>
    tpu.enqueue_indirect_dma source(%dma_start3A_19 : memref<10240x128xf32, #tpu.memory_space<hbm>>) target(%arg10 : memref<80x128xf32, #tpu.memory_space<vmem>>) offsets(%dma_start3A_16 : memref<80xi32, #tpu.memory_space<vmem>>) semaphore(%arg13 : memref<!tpu.dma_semaphore, #tpu.memory_space<semaphore_mem>>)
    "tpu.trace_start"() <{level = 10 : i32, message = "acc_zero"}> : () -> ()
    "tpu.region"() ({
      %run_scoped3A_44 = tpu.sem_alloc : memref<!tpu.dma_semaphore, #tpu.memory_space<semaphore_mem>>
      %dma_start3A_45 = arith.constant 0 : i32
      %dma_start3A_46 = tpu.memref_slice %arg11[%multiple_of3A, %dma_start3A_45] : memref<10240x128xf32, #tpu.memory_space<vmem_shared>> -> memref<640x128xf32, #tpu.memory_space<vmem_shared>>
      tpu.enqueue_dma source(%arg2 : memref<640x128xf32, #tpu.memory_space<hbm>>) target(%dma_start3A_46 : memref<640x128xf32, #tpu.memory_space<vmem_shared>>) target_semaphore(%run_scoped3A_44 : memref<!tpu.dma_semaphore, #tpu.memory_space<semaphore_mem>>)
      %dma_wait3A_47 = arith.constant 0 : i32
      %dma_wait3A_48 = tpu.memref_slice %arg11[%multiple_of3A, %dma_wait3A_47] : memref<10240x128xf32, #tpu.memory_space<vmem_shared>> -> memref<640x128xf32, #tpu.memory_space<vmem_shared>>
      tpu.wait_dma2 semaphore(%run_scoped3A_44 : memref<!tpu.dma_semaphore, #tpu.memory_space<semaphore_mem>>) src(%arg2 : memref<640x128xf32, #tpu.memory_space<hbm>>) dst(%dma_wait3A_48 : memref<640x128xf32, #tpu.memory_space<vmem_shared>>)
      tpu.yield
    }) : () -> ()
    %barrier3A = arith.constant 0 : index
    tpu.barrier barrier_id(%barrier3A)
    "tpu.trace_stop"() : () -> ()
    "tpu.trace_start"() <{level = 10 : i32, message = "edge_loop"}> : () -> ()
    %scan3A = arith.constant 0 : i32
    %scan3A_20 = arith.constant 0 : i32
    %scan3A_21 = arith.constant 63 : i32
    %scan3A_22 = arith.addi %scan3A_20, %scan3A_21 : i32
    %scan3A_23 = arith.constant 1 : i32
    scf.for %scan3A_44 = %scan3A_20 to %scan3A_22 step %scan3A_23  : i32 {
      %mul3A_45 = arith.constant 2 : i32
      %mul3A_46 = arith.muli %mul3A_45, %scan3A_44 : i32
      %multiple_of3A_47 = arith.constant 0 : i32
      %multiple_of3A_48 = tpu.assume_multiple %multiple_of3A_47, 8 : i32
      %dma_wait3A_49 = tpu.memref_slice %arg7[%multiple_of3A_48] : memref<10240xi32, #tpu.memory_space<vmem>> -> memref<80xi32, #tpu.memory_space<vmem>>
      %dma_wait3A_50 = arith.constant 0 : i32
      %dma_wait3A_51 = arith.constant 0 : i32
      %dma_wait3A_52 = tpu.memref_slice %arg3[%dma_wait3A_50, %dma_wait3A_51] : memref<10240x128xf32, #tpu.memory_space<hbm>> -> memref<10240x128xf32, #tpu.memory_space<hbm>>
      tpu.wait_indirect_dma semaphore(%arg12 : memref<!tpu.dma_semaphore, #tpu.memory_space<semaphore_mem>>) src(%dma_wait3A_52 : memref<10240x128xf32, #tpu.memory_space<hbm>>) dst(%arg9 : memref<80x128xf32, #tpu.memory_space<vmem>>)
      "tpu.region"() ({
        %run_scoped3A_79 = tpu.sem_alloc : memref<!tpu.dma_semaphore, #tpu.memory_space<semaphore_mem>>
        %dma_start3A_80 = arith.constant 0 : i32
        %dma_start3A_81 = tpu.memref_slice %arg8[%mul3A_46, %dma_start3A_80] : memref<128x80xi32, #tpu.memory_space<vmem>> -> memref<1x80xi32, #tpu.memory_space<vmem>>
        %dma_start3A_82 = tpu.memref_squeeze %dma_start3A_81 : memref<1x80xi32, #tpu.memory_space<vmem>> -> memref<80xi32, #tpu.memory_space<vmem>>
        %dma_start3A_83 = arith.constant 0 : i32
        %dma_start3A_84 = arith.constant 0 : i32
        %dma_start3A_85 = tpu.memref_slice %arg11[%dma_start3A_83, %dma_start3A_84] : memref<10240x128xf32, #tpu.memory_space<vmem_shared>> -> memref<10240x128xf32, #tpu.memory_space<vmem_shared>>
        tpu.enqueue_indirect_dma source(%arg9 : memref<80x128xf32, #tpu.memory_space<vmem>>) target(%dma_start3A_85 : memref<10240x128xf32, #tpu.memory_space<vmem_shared>>) offsets(%dma_start3A_82 : memref<80xi32, #tpu.memory_space<vmem>>) semaphore(%run_scoped3A_79 : memref<!tpu.dma_semaphore, #tpu.memory_space<semaphore_mem>>) {add = true}
        %dma_wait3A_86 = arith.constant 0 : i32
        %dma_wait3A_87 = tpu.memref_slice %arg8[%mul3A_46, %dma_wait3A_86] : memref<128x80xi32, #tpu.memory_space<vmem>> -> memref<1x80xi32, #tpu.memory_space<vmem>>
        %dma_wait3A_88 = tpu.memref_squeeze %dma_wait3A_87 : memref<1x80xi32, #tpu.memory_space<vmem>> -> memref<80xi32, #tpu.memory_space<vmem>>
        %dma_wait3A_89 = arith.constant 0 : i32
        %dma_wait3A_90 = arith.constant 0 : i32
        %dma_wait3A_91 = tpu.memref_slice %arg11[%dma_wait3A_89, %dma_wait3A_90] : memref<10240x128xf32, #tpu.memory_space<vmem_shared>> -> memref<10240x128xf32, #tpu.memory_space<vmem_shared>>
        tpu.wait_indirect_dma semaphore(%run_scoped3A_79 : memref<!tpu.dma_semaphore, #tpu.memory_space<semaphore_mem>>) src(%arg9 : memref<80x128xf32, #tpu.memory_space<vmem>>) dst(%dma_wait3A_91 : memref<10240x128xf32, #tpu.memory_space<vmem_shared>>)
        tpu.yield
      }) : () -> ()
      %add3A_53 = arith.constant 2 : i32
      %add3A_54 = arith.addi %mul3A_46, %add3A_53 : i32
      %mul3A_55 = arith.constant 80 : i32
      %mul3A_56 = arith.muli %add3A_54, %mul3A_55 : i32
      %multiple_of3A_57 = tpu.assume_multiple %mul3A_56, 8 : i32
      %dma_start3A_58 = tpu.memref_slice %arg7[%multiple_of3A_57] : memref<10240xi32, #tpu.memory_space<vmem>> -> memref<80xi32, #tpu.memory_space<vmem>>
      %dma_start3A_59 = arith.constant 0 : i32
      %dma_start3A_60 = arith.constant 0 : i32
      %dma_start3A_61 = tpu.memref_slice %arg3[%dma_start3A_59, %dma_start3A_60] : memref<10240x128xf32, #tpu.memory_space<hbm>> -> memref<10240x128xf32, #tpu.memory_space<hbm>>
      tpu.enqueue_indirect_dma source(%dma_start3A_61 : memref<10240x128xf32, #tpu.memory_space<hbm>>) target(%arg9 : memref<80x128xf32, #tpu.memory_space<vmem>>) offsets(%dma_start3A_58 : memref<80xi32, #tpu.memory_space<vmem>>) semaphore(%arg12 : memref<!tpu.dma_semaphore, #tpu.memory_space<semaphore_mem>>)
      %multiple_of3A_62 = arith.constant 0 : i32
      %multiple_of3A_63 = tpu.assume_multiple %multiple_of3A_62, 8 : i32
      %dma_wait3A_64 = tpu.memref_slice %arg7[%multiple_of3A_63] : memref<10240xi32, #tpu.memory_space<vmem>> -> memref<80xi32, #tpu.memory_space<vmem>>
      %dma_wait3A_65 = arith.constant 0 : i32
      %dma_wait3A_66 = arith.constant 0 : i32
      %dma_wait3A_67 = tpu.memref_slice %arg3[%dma_wait3A_65, %dma_wait3A_66] : memref<10240x128xf32, #tpu.memory_space<hbm>> -> memref<10240x128xf32, #tpu.memory_space<hbm>>
      tpu.wait_indirect_dma semaphore(%arg13 : memref<!tpu.dma_semaphore, #tpu.memory_space<semaphore_mem>>) src(%dma_wait3A_67 : memref<10240x128xf32, #tpu.memory_space<hbm>>) dst(%arg10 : memref<80x128xf32, #tpu.memory_space<vmem>>)
      %add3A_68 = arith.constant 1 : i32
      %add3A_69 = arith.addi %mul3A_46, %add3A_68 : i32
      "tpu.region"() ({
        %run_scoped3A_79 = tpu.sem_alloc : memref<!tpu.dma_semaphore, #tpu.memory_space<semaphore_mem>>
        %dma_start3A_80 = arith.constant 0 : i32
        %dma_start3A_81 = tpu.memref_slice %arg8[%add3A_69, %dma_start3A_80] : memref<128x80xi32, #tpu.memory_space<vmem>> -> memref<1x80xi32, #tpu.memory_space<vmem>>
        %dma_start3A_82 = tpu.memref_squeeze %dma_start3A_81 : memref<1x80xi32, #tpu.memory_space<vmem>> -> memref<80xi32, #tpu.memory_space<vmem>>
        %dma_start3A_83 = arith.constant 0 : i32
        %dma_start3A_84 = arith.constant 0 : i32
        %dma_start3A_85 = tpu.memref_slice %arg11[%dma_start3A_83, %dma_start3A_84] : memref<10240x128xf32, #tpu.memory_space<vmem_shared>> -> memref<10240x128xf32, #tpu.memory_space<vmem_shared>>
        tpu.enqueue_indirect_dma source(%arg10 : memref<80x128xf32, #tpu.memory_space<vmem>>) target(%dma_start3A_85 : memref<10240x128xf32, #tpu.memory_space<vmem_shared>>) offsets(%dma_start3A_82 : memref<80xi32, #tpu.memory_space<vmem>>) semaphore(%run_scoped3A_79 : memref<!tpu.dma_semaphore, #tpu.memory_space<semaphore_mem>>) {add = true}
        %dma_wait3A_86 = arith.constant 0 : i32
        %dma_wait3A_87 = tpu.memref_slice %arg8[%add3A_69, %dma_wait3A_86] : memref<128x80xi32, #tpu.memory_space<vmem>> -> memref<1x80xi32, #tpu.memory_space<vmem>>
        %dma_wait3A_88 = tpu.memref_squeeze %dma_wait3A_87 : memref<1x80xi32, #tpu.memory_space<vmem>> -> memref<80xi32, #tpu.memory_space<vmem>>
        %dma_wait3A_89 = arith.constant 0 : i32
        %dma_wait3A_90 = arith.constant 0 : i32
        %dma_wait3A_91 = tpu.memref_slice %arg11[%dma_wait3A_89, %dma_wait3A_90] : memref<10240x128xf32, #tpu.memory_space<vmem_shared>> -> memref<10240x128xf32, #tpu.memory_space<vmem_shared>>
        tpu.wait_indirect_dma semaphore(%run_scoped3A_79 : memref<!tpu.dma_semaphore, #tpu.memory_space<semaphore_mem>>) src(%arg10 : memref<80x128xf32, #tpu.memory_space<vmem>>) dst(%dma_wait3A_91 : memref<10240x128xf32, #tpu.memory_space<vmem_shared>>)
        tpu.yield
      }) : () -> ()
      %add3A_70 = arith.constant 3 : i32
      %add3A_71 = arith.addi %mul3A_46, %add3A_70 : i32
      %mul3A_72 = arith.constant 80 : i32
      %mul3A_73 = arith.muli %add3A_71, %mul3A_72 : i32
      %multiple_of3A_74 = tpu.assume_multiple %mul3A_73, 8 : i32
      %dma_start3A_75 = tpu.memref_slice %arg7[%multiple_of3A_74] : memref<10240xi32, #tpu.memory_space<vmem>> -> memref<80xi32, #tpu.memory_space<vmem>>
      %dma_start3A_76 = arith.constant 0 : i32
      %dma_start3A_77 = arith.constant 0 : i32
      %dma_start3A_78 = tpu.memref_slice %arg3[%dma_start3A_76, %dma_start3A_77] : memref<10240x128xf32, #tpu.memory_space<hbm>> -> memref<10240x128xf32, #tpu.memory_space<hbm>>
      tpu.enqueue_indirect_dma source(%dma_start3A_78 : memref<10240x128xf32, #tpu.memory_space<hbm>>) target(%arg10 : memref<80x128xf32, #tpu.memory_space<vmem>>) offsets(%dma_start3A_75 : memref<80xi32, #tpu.memory_space<vmem>>) semaphore(%arg13 : memref<!tpu.dma_semaphore, #tpu.memory_space<semaphore_mem>>)
    }
    %scan3A_24 = arith.constant 63 : i32
    %multiple_of3A_25 = arith.constant 0 : i32
    %multiple_of3A_26 = tpu.assume_multiple %multiple_of3A_25, 8 : i32
    %dma_wait3A = tpu.memref_slice %arg7[%multiple_of3A_26] : memref<10240xi32, #tpu.memory_space<vmem>> -> memref<80xi32, #tpu.memory_space<vmem>>
    %dma_wait3A_27 = arith.constant 0 : i32
    %dma_wait3A_28 = arith.constant 0 : i32
    %dma_wait3A_29 = tpu.memref_slice %arg3[%dma_wait3A_27, %dma_wait3A_28] : memref<10240x128xf32, #tpu.memory_space<hbm>> -> memref<10240x128xf32, #tpu.memory_space<hbm>>
    tpu.wait_indirect_dma semaphore(%arg12 : memref<!tpu.dma_semaphore, #tpu.memory_space<semaphore_mem>>) src(%dma_wait3A_29 : memref<10240x128xf32, #tpu.memory_space<hbm>>) dst(%arg9 : memref<80x128xf32, #tpu.memory_space<vmem>>)
    %run_scoped3A = arith.constant 126 : i32
    "tpu.region"() ({
      %run_scoped3A_44 = tpu.sem_alloc : memref<!tpu.dma_semaphore, #tpu.memory_space<semaphore_mem>>
      %dma_start3A_45 = arith.constant 0 : i32
      %dma_start3A_46 = tpu.memref_slice %arg8[%run_scoped3A, %dma_start3A_45] : memref<128x80xi32, #tpu.memory_space<vmem>> -> memref<1x80xi32, #tpu.memory_space<vmem>>
      %dma_start3A_47 = tpu.memref_squeeze %dma_start3A_46 : memref<1x80xi32, #tpu.memory_space<vmem>> -> memref<80xi32, #tpu.memory_space<vmem>>
      %dma_start3A_48 = arith.constant 0 : i32
      %dma_start3A_49 = arith.constant 0 : i32
      %dma_start3A_50 = tpu.memref_slice %arg11[%dma_start3A_48, %dma_start3A_49] : memref<10240x128xf32, #tpu.memory_space<vmem_shared>> -> memref<10240x128xf32, #tpu.memory_space<vmem_shared>>
      tpu.enqueue_indirect_dma source(%arg9 : memref<80x128xf32, #tpu.memory_space<vmem>>) target(%dma_start3A_50 : memref<10240x128xf32, #tpu.memory_space<vmem_shared>>) offsets(%dma_start3A_47 : memref<80xi32, #tpu.memory_space<vmem>>) semaphore(%run_scoped3A_44 : memref<!tpu.dma_semaphore, #tpu.memory_space<semaphore_mem>>) {add = true}
      %dma_wait3A_51 = arith.constant 0 : i32
      %dma_wait3A_52 = tpu.memref_slice %arg8[%run_scoped3A, %dma_wait3A_51] : memref<128x80xi32, #tpu.memory_space<vmem>> -> memref<1x80xi32, #tpu.memory_space<vmem>>
      %dma_wait3A_53 = tpu.memref_squeeze %dma_wait3A_52 : memref<1x80xi32, #tpu.memory_space<vmem>> -> memref<80xi32, #tpu.memory_space<vmem>>
      %dma_wait3A_54 = arith.constant 0 : i32
      %dma_wait3A_55 = arith.constant 0 : i32
      %dma_wait3A_56 = tpu.memref_slice %arg11[%dma_wait3A_54, %dma_wait3A_55] : memref<10240x128xf32, #tpu.memory_space<vmem_shared>> -> memref<10240x128xf32, #tpu.memory_space<vmem_shared>>
      tpu.wait_indirect_dma semaphore(%run_scoped3A_44 : memref<!tpu.dma_semaphore, #tpu.memory_space<semaphore_mem>>) src(%arg9 : memref<80x128xf32, #tpu.memory_space<vmem>>) dst(%dma_wait3A_56 : memref<10240x128xf32, #tpu.memory_space<vmem_shared>>)
      tpu.yield
    }) : () -> ()
    %multiple_of3A_30 = arith.constant 0 : i32
    %multiple_of3A_31 = tpu.assume_multiple %multiple_of3A_30, 8 : i32
    %dma_wait3A_32 = tpu.memref_slice %arg7[%multiple_of3A_31] : memref<10240xi32, #tpu.memory_space<vmem>> -> memref<80xi32, #tpu.memory_space<vmem>>
    %dma_wait3A_33 = arith.constant 0 : i32
    %dma_wait3A_34 = arith.constant 0 : i32
    %dma_wait3A_35 = tpu.memref_slice %arg3[%dma_wait3A_33, %dma_wait3A_34] : memref<10240x128xf32, #tpu.memory_space<hbm>> -> memref<10240x128xf32, #tpu.memory_space<hbm>>
    tpu.wait_indirect_dma semaphore(%arg13 : memref<!tpu.dma_semaphore, #tpu.memory_space<semaphore_mem>>) src(%dma_wait3A_35 : memref<10240x128xf32, #tpu.memory_space<hbm>>) dst(%arg10 : memref<80x128xf32, #tpu.memory_space<vmem>>)
    %run_scoped3A_36 = arith.constant 127 : i32
    "tpu.region"() ({
      %run_scoped3A_44 = tpu.sem_alloc : memref<!tpu.dma_semaphore, #tpu.memory_space<semaphore_mem>>
      %dma_start3A_45 = arith.constant 0 : i32
      %dma_start3A_46 = tpu.memref_slice %arg8[%run_scoped3A_36, %dma_start3A_45] : memref<128x80xi32, #tpu.memory_space<vmem>> -> memref<1x80xi32, #tpu.memory_space<vmem>>
      %dma_start3A_47 = tpu.memref_squeeze %dma_start3A_46 : memref<1x80xi32, #tpu.memory_space<vmem>> -> memref<80xi32, #tpu.memory_space<vmem>>
      %dma_start3A_48 = arith.constant 0 : i32
      %dma_start3A_49 = arith.constant 0 : i32
      %dma_start3A_50 = tpu.memref_slice %arg11[%dma_start3A_48, %dma_start3A_49] : memref<10240x128xf32, #tpu.memory_space<vmem_shared>> -> memref<10240x128xf32, #tpu.memory_space<vmem_shared>>
      tpu.enqueue_indirect_dma source(%arg10 : memref<80x128xf32, #tpu.memory_space<vmem>>) target(%dma_start3A_50 : memref<10240x128xf32, #tpu.memory_space<vmem_shared>>) offsets(%dma_start3A_47 : memref<80xi32, #tpu.memory_space<vmem>>) semaphore(%run_scoped3A_44 : memref<!tpu.dma_semaphore, #tpu.memory_space<semaphore_mem>>) {add = true}
      %dma_wait3A_51 = arith.constant 0 : i32
      %dma_wait3A_52 = tpu.memref_slice %arg8[%run_scoped3A_36, %dma_wait3A_51] : memref<128x80xi32, #tpu.memory_space<vmem>> -> memref<1x80xi32, #tpu.memory_space<vmem>>
      %dma_wait3A_53 = tpu.memref_squeeze %dma_wait3A_52 : memref<1x80xi32, #tpu.memory_space<vmem>> -> memref<80xi32, #tpu.memory_space<vmem>>
      %dma_wait3A_54 = arith.constant 0 : i32
      %dma_wait3A_55 = arith.constant 0 : i32
      %dma_wait3A_56 = tpu.memref_slice %arg11[%dma_wait3A_54, %dma_wait3A_55] : memref<10240x128xf32, #tpu.memory_space<vmem_shared>> -> memref<10240x128xf32, #tpu.memory_space<vmem_shared>>
      tpu.wait_indirect_dma semaphore(%run_scoped3A_44 : memref<!tpu.dma_semaphore, #tpu.memory_space<semaphore_mem>>) src(%arg10 : memref<80x128xf32, #tpu.memory_space<vmem>>) dst(%dma_wait3A_56 : memref<10240x128xf32, #tpu.memory_space<vmem_shared>>)
      tpu.yield
    }) : () -> ()
    %barrier3A_37 = arith.constant 0 : index
    tpu.barrier barrier_id(%barrier3A_37)
    "tpu.trace_stop"() : () -> ()
    "tpu.trace_start"() <{level = 10 : i32, message = "acc_out"}> : () -> ()
    %mul3A_38 = arith.constant 10240 : i32
    %mul3A_39 = arith.muli %arg0, %mul3A_38 : i32
    %mul3A_40 = arith.constant 640 : i32
    %mul3A_41 = arith.muli %arg1, %mul3A_40 : i32
    %add3A_42 = arith.addi %mul3A_39, %mul3A_41 : i32
    %multiple_of3A_43 = tpu.assume_multiple %add3A_42, 8 : i32
    "tpu.region"() ({
      %run_scoped3A_44 = tpu.sem_alloc : memref<!tpu.dma_semaphore, #tpu.memory_space<semaphore_mem>>
      %dma_start3A_45 = arith.constant 0 : i32
      %dma_start3A_46 = tpu.memref_slice %arg6[%multiple_of3A_43, %dma_start3A_45] : memref<20480x128xf32, #tpu.memory_space<hbm>> -> memref<640x128xf32, #tpu.memory_space<hbm>>
      %dma_start3A_47 = arith.constant 0 : i32
      %dma_start3A_48 = tpu.memref_slice %arg11[%multiple_of3A, %dma_start3A_47] : memref<10240x128xf32, #tpu.memory_space<vmem_shared>> -> memref<640x128xf32, #tpu.memory_space<vmem_shared>>
      tpu.enqueue_dma source(%dma_start3A_48 : memref<640x128xf32, #tpu.memory_space<vmem_shared>>) target(%dma_start3A_46 : memref<640x128xf32, #tpu.memory_space<hbm>>) target_semaphore(%run_scoped3A_44 : memref<!tpu.dma_semaphore, #tpu.memory_space<semaphore_mem>>)
      %dma_wait3A_49 = arith.constant 0 : i32
      %dma_wait3A_50 = tpu.memref_slice %arg6[%multiple_of3A_43, %dma_wait3A_49] : memref<20480x128xf32, #tpu.memory_space<hbm>> -> memref<640x128xf32, #tpu.memory_space<hbm>>
      %dma_wait3A_51 = arith.constant 0 : i32
      %dma_wait3A_52 = tpu.memref_slice %arg11[%multiple_of3A, %dma_wait3A_51] : memref<10240x128xf32, #tpu.memory_space<vmem_shared>> -> memref<640x128xf32, #tpu.memory_space<vmem_shared>>
      tpu.wait_dma2 semaphore(%run_scoped3A_44 : memref<!tpu.dma_semaphore, #tpu.memory_space<semaphore_mem>>) src(%dma_wait3A_52 : memref<640x128xf32, #tpu.memory_space<vmem_shared>>) dst(%dma_wait3A_50 : memref<640x128xf32, #tpu.memory_space<hbm>>)
      tpu.yield
    }) : () -> ()
    "tpu.trace_stop"() : () -> ()
    return
  }
}

#map = affine_map<(d0, d1) -> (0, 0)>
#map1 = affine_map<(d0, d1) -> (0)>
module attributes {stable_mosaic.version = 14 : i64} {
  func.func @_seg_sum_body(%arg0: i32, %arg1: i32, %arg2: memref<640x128xf32, #tpu.memory_space<hbm>>, %arg3: memref<10240x128xf32, #tpu.memory_space<hbm>>, %arg4: memref<327680xi32, #tpu.memory_space<hbm>>, %arg5: memref<4096x80xi32, #tpu.memory_space<hbm>>, %arg6: memref<20480x128xf32, #tpu.memory_space<hbm>>, %arg7: memref<10240xi32, #tpu.memory_space<vmem>>, %arg8: memref<128x80xi32, #tpu.memory_space<vmem>>, %arg9: memref<80x128xf32, #tpu.memory_space<vmem>>, %arg10: memref<80x128xf32, #tpu.memory_space<vmem>>, %arg11: memref<10240x128xf32, #tpu.memory_space<vmem_shared>>, %arg12: memref<!tpu.dma_semaphore, #tpu.memory_space<semaphore_mem>>, %arg13: memref<!tpu.dma_semaphore, #tpu.memory_space<semaphore_mem>>, %arg14: memref<!tpu.dma_semaphore, #tpu.memory_space<semaphore_mem>>) attributes {dimension_semantics = [#tpu.dimension_semantics<core_parallel>, #tpu.dimension_semantics<subcore_parallel>], iteration_bounds = array<i64: 2, 16>, scalar_prefetch = 0 : i64, scratch_operands = 8 : i64, tpu.core_type = #tpu.core_type<sc_vector_subcore>, window_params = [{transform_indices = #map}, {transform_indices = #map}, {transform_indices = #map1}, {transform_indices = #map}, {transform_indices = #map}]} {
    %mul3A = arith.constant 2 : i32
    %mul3A_0 = arith.muli %arg1, %mul3A : i32
    %add3A = arith.addi %mul3A_0, %arg0 : i32
    %mul3A_1 = arith.constant 640 : i32
    %mul3A_2 = arith.muli %arg1, %mul3A_1 : i32
    %multiple_of3A = tpu.assume_multiple %mul3A_2, 8 : i32
    "tpu.trace_start"() <{level = 10 : i32, message = "idx_load"}> : () -> ()
    %mul3A_3 = arith.constant 10240 : i32
    %mul3A_4 = arith.muli %add3A, %mul3A_3 : i32
    %multiple_of3A_5 = tpu.assume_multiple %mul3A_4, 8 : i32
    "tpu.region"() ({
      %run_scoped3A_44 = tpu.sem_alloc : memref<!tpu.dma_semaphore, #tpu.memory_space<semaphore_mem>>
      %dma_start3A_45 = tpu.memref_slice %arg4[%multiple_of3A_5] : memref<327680xi32, #tpu.memory_space<hbm>> -> memref<10240xi32, #tpu.memory_space<hbm>>
      %dma_start3A_46 = tpu.memref_slice %arg4[%multiple_of3A_5] : memref<327680xi32, #tpu.memory_space<hbm>> -> memref<10240xi32, #tpu.memory_space<hbm>>
      tpu.enqueue_dma source(%dma_start3A_46 : memref<10240xi32, #tpu.memory_space<hbm>>) target(%arg7 : memref<10240xi32, #tpu.memory_space<vmem>>) target_semaphore(%run_scoped3A_44 : memref<!tpu.dma_semaphore, #tpu.memory_space<semaphore_mem>>)
      %dma_wait3A_47 = tpu.memref_slice %arg4[%multiple_of3A_5] : memref<327680xi32, #tpu.memory_space<hbm>> -> memref<10240xi32, #tpu.memory_space<hbm>>
      %dma_wait3A_48 = tpu.memref_slice %arg4[%multiple_of3A_5] : memref<327680xi32, #tpu.memory_space<hbm>> -> memref<10240xi32, #tpu.memory_space<hbm>>
      tpu.wait_dma2 semaphore(%run_scoped3A_44 : memref<!tpu.dma_semaphore, #tpu.memory_space<semaphore_mem>>) src(%dma_wait3A_48 : memref<10240xi32, #tpu.memory_space<hbm>>) dst(%arg7 : memref<10240xi32, #tpu.memory_space<vmem>>)
      tpu.yield
    }) : () -> ()
    %mul3A_6 = arith.constant 128 : i32
    %mul3A_7 = arith.muli %add3A, %mul3A_6 : i32
    %multiple_of3A_8 = tpu.assume_multiple %mul3A_7, 8 : i32
    "tpu.region"() ({
      %run_scoped3A_44 = tpu.sem_alloc : memref<!tpu.dma_semaphore, #tpu.memory_space<semaphore_mem>>
      %dma_start3A_45 = arith.constant 0 : i32
      %dma_start3A_46 = tpu.memref_slice %arg5[%multiple_of3A_8, %dma_start3A_45] : memref<4096x80xi32, #tpu.memory_space<hbm>> -> memref<128x80xi32, #tpu.memory_space<hbm>>
      %dma_start3A_47 = arith.constant 0 : i32
      %dma_start3A_48 = tpu.memref_slice %arg5[%multiple_of3A_8, %dma_start3A_47] : memref<4096x80xi32, #tpu.memory_space<hbm>> -> memref<128x80xi32, #tpu.memory_space<hbm>>
      tpu.enqueue_dma source(%dma_start3A_48 : memref<128x80xi32, #tpu.memory_space<hbm>>) target(%arg8 : memref<128x80xi32, #tpu.memory_space<vmem>>) target_semaphore(%run_scoped3A_44 : memref<!tpu.dma_semaphore, #tpu.memory_space<semaphore_mem>>)
      %dma_wait3A_49 = arith.constant 0 : i32
      %dma_wait3A_50 = tpu.memref_slice %arg5[%multiple_of3A_8, %dma_wait3A_49] : memref<4096x80xi32, #tpu.memory_space<hbm>> -> memref<128x80xi32, #tpu.memory_space<hbm>>
      %dma_wait3A_51 = arith.constant 0 : i32
      %dma_wait3A_52 = tpu.memref_slice %arg5[%multiple_of3A_8, %dma_wait3A_51] : memref<4096x80xi32, #tpu.memory_space<hbm>> -> memref<128x80xi32, #tpu.memory_space<hbm>>
      tpu.wait_dma2 semaphore(%run_scoped3A_44 : memref<!tpu.dma_semaphore, #tpu.memory_space<semaphore_mem>>) src(%dma_wait3A_52 : memref<128x80xi32, #tpu.memory_space<hbm>>) dst(%arg8 : memref<128x80xi32, #tpu.memory_space<vmem>>)
      tpu.yield
    }) : () -> ()
    %multiple_of3A_9 = arith.constant 0 : i32
    "tpu.trace_stop"() : () -> ()
    %multiple_of3A_10 = tpu.assume_multiple %multiple_of3A_9, 8 : i32
    %dma_start3A = tpu.memref_slice %arg7[%multiple_of3A_10] : memref<10240xi32, #tpu.memory_space<vmem>> -> memref<80xi32, #tpu.memory_space<vmem>>
    %dma_start3A_11 = arith.constant 0 : i32
    %dma_start3A_12 = arith.constant 0 : i32
    %dma_start3A_13 = tpu.memref_slice %arg3[%dma_start3A_11, %dma_start3A_12] : memref<10240x128xf32, #tpu.memory_space<hbm>> -> memref<10240x128xf32, #tpu.memory_space<hbm>>
    tpu.enqueue_indirect_dma source(%dma_start3A_13 : memref<10240x128xf32, #tpu.memory_space<hbm>>) target(%arg9 : memref<80x128xf32, #tpu.memory_space<vmem>>) offsets(%dma_start3A : memref<80xi32, #tpu.memory_space<vmem>>) semaphore(%arg12 : memref<!tpu.dma_semaphore, #tpu.memory_space<semaphore_mem>>)
    %multiple_of3A_14 = arith.constant 80 : i32
    %multiple_of3A_15 = tpu.assume_multiple %multiple_of3A_14, 8 : i32
    %dma_start3A_16 = tpu.memref_slice %arg7[%multiple_of3A_15] : memref<10240xi32, #tpu.memory_space<vmem>> -> memref<80xi32, #tpu.memory_space<vmem>>
    %dma_start3A_17 = arith.constant 0 : i32
    %dma_start3A_18 = arith.constant 0 : i32
    %dma_start3A_19 = tpu.memref_slice %arg3[%dma_start3A_17, %dma_start3A_18] : memref<10240x128xf32, #tpu.memory_space<hbm>> -> memref<10240x128xf32, #tpu.memory_space<hbm>>
    tpu.enqueue_indirect_dma source(%dma_start3A_19 : memref<10240x128xf32, #tpu.memory_space<hbm>>) target(%arg10 : memref<80x128xf32, #tpu.memory_space<vmem>>) offsets(%dma_start3A_16 : memref<80xi32, #tpu.memory_space<vmem>>) semaphore(%arg13 : memref<!tpu.dma_semaphore, #tpu.memory_space<semaphore_mem>>)
    "tpu.trace_start"() <{level = 10 : i32, message = "acc_zero"}> : () -> ()
    "tpu.region"() ({
      %run_scoped3A_44 = tpu.sem_alloc : memref<!tpu.dma_semaphore, #tpu.memory_space<semaphore_mem>>
      %dma_start3A_45 = arith.constant 0 : i32
      %dma_start3A_46 = tpu.memref_slice %arg11[%multiple_of3A, %dma_start3A_45] : memref<10240x128xf32, #tpu.memory_space<vmem_shared>> -> memref<640x128xf32, #tpu.memory_space<vmem_shared>>
      tpu.enqueue_dma source(%arg2 : memref<640x128xf32, #tpu.memory_space<hbm>>) target(%dma_start3A_46 : memref<640x128xf32, #tpu.memory_space<vmem_shared>>) target_semaphore(%run_scoped3A_44 : memref<!tpu.dma_semaphore, #tpu.memory_space<semaphore_mem>>)
      %dma_wait3A_47 = arith.constant 0 : i32
      %dma_wait3A_48 = tpu.memref_slice %arg11[%multiple_of3A, %dma_wait3A_47] : memref<10240x128xf32, #tpu.memory_space<vmem_shared>> -> memref<640x128xf32, #tpu.memory_space<vmem_shared>>
      tpu.wait_dma2 semaphore(%run_scoped3A_44 : memref<!tpu.dma_semaphore, #tpu.memory_space<semaphore_mem>>) src(%arg2 : memref<640x128xf32, #tpu.memory_space<hbm>>) dst(%dma_wait3A_48 : memref<640x128xf32, #tpu.memory_space<vmem_shared>>)
      tpu.yield
    }) : () -> ()
    %barrier3A = arith.constant 0 : index
    tpu.barrier barrier_id(%barrier3A)
    "tpu.trace_stop"() : () -> ()
    "tpu.trace_start"() <{level = 10 : i32, message = "edge_loop"}> : () -> ()
    %scan3A = arith.constant 0 : i32
    %scan3A_20 = arith.constant 0 : i32
    %scan3A_21 = arith.constant 63 : i32
    %scan3A_22 = arith.addi %scan3A_20, %scan3A_21 : i32
    %scan3A_23 = arith.constant 1 : i32
    scf.for %scan3A_44 = %scan3A_20 to %scan3A_22 step %scan3A_23  : i32 {
      %mul3A_45 = arith.constant 2 : i32
      %mul3A_46 = arith.muli %mul3A_45, %scan3A_44 : i32
      %multiple_of3A_47 = arith.constant 0 : i32
      %multiple_of3A_48 = tpu.assume_multiple %multiple_of3A_47, 8 : i32
      %dma_wait3A_49 = tpu.memref_slice %arg7[%multiple_of3A_48] : memref<10240xi32, #tpu.memory_space<vmem>> -> memref<80xi32, #tpu.memory_space<vmem>>
      %dma_wait3A_50 = arith.constant 0 : i32
      %dma_wait3A_51 = arith.constant 0 : i32
      %dma_wait3A_52 = tpu.memref_slice %arg3[%dma_wait3A_50, %dma_wait3A_51] : memref<10240x128xf32, #tpu.memory_space<hbm>> -> memref<10240x128xf32, #tpu.memory_space<hbm>>
      tpu.wait_indirect_dma semaphore(%arg12 : memref<!tpu.dma_semaphore, #tpu.memory_space<semaphore_mem>>) src(%dma_wait3A_52 : memref<10240x128xf32, #tpu.memory_space<hbm>>) dst(%arg9 : memref<80x128xf32, #tpu.memory_space<vmem>>)
      "tpu.region"() ({
        %run_scoped3A_79 = tpu.sem_alloc : memref<!tpu.dma_semaphore, #tpu.memory_space<semaphore_mem>>
        %dma_start3A_80 = arith.constant 0 : i32
        %dma_start3A_81 = tpu.memref_slice %arg8[%mul3A_46, %dma_start3A_80] : memref<128x80xi32, #tpu.memory_space<vmem>> -> memref<1x80xi32, #tpu.memory_space<vmem>>
        %dma_start3A_82 = tpu.memref_squeeze %dma_start3A_81 : memref<1x80xi32, #tpu.memory_space<vmem>> -> memref<80xi32, #tpu.memory_space<vmem>>
        %dma_start3A_83 = arith.constant 0 : i32
        %dma_start3A_84 = arith.constant 0 : i32
        %dma_start3A_85 = tpu.memref_slice %arg11[%dma_start3A_83, %dma_start3A_84] : memref<10240x128xf32, #tpu.memory_space<vmem_shared>> -> memref<10240x128xf32, #tpu.memory_space<vmem_shared>>
        tpu.enqueue_indirect_dma source(%arg9 : memref<80x128xf32, #tpu.memory_space<vmem>>) target(%dma_start3A_85 : memref<10240x128xf32, #tpu.memory_space<vmem_shared>>) offsets(%dma_start3A_82 : memref<80xi32, #tpu.memory_space<vmem>>) semaphore(%run_scoped3A_79 : memref<!tpu.dma_semaphore, #tpu.memory_space<semaphore_mem>>) {add = true}
        %dma_wait3A_86 = arith.constant 0 : i32
        %dma_wait3A_87 = tpu.memref_slice %arg8[%mul3A_46, %dma_wait3A_86] : memref<128x80xi32, #tpu.memory_space<vmem>> -> memref<1x80xi32, #tpu.memory_space<vmem>>
        %dma_wait3A_88 = tpu.memref_squeeze %dma_wait3A_87 : memref<1x80xi32, #tpu.memory_space<vmem>> -> memref<80xi32, #tpu.memory_space<vmem>>
        %dma_wait3A_89 = arith.constant 0 : i32
        %dma_wait3A_90 = arith.constant 0 : i32
        %dma_wait3A_91 = tpu.memref_slice %arg11[%dma_wait3A_89, %dma_wait3A_90] : memref<10240x128xf32, #tpu.memory_space<vmem_shared>> -> memref<10240x128xf32, #tpu.memory_space<vmem_shared>>
        tpu.wait_indirect_dma semaphore(%run_scoped3A_79 : memref<!tpu.dma_semaphore, #tpu.memory_space<semaphore_mem>>) src(%arg9 : memref<80x128xf32, #tpu.memory_space<vmem>>) dst(%dma_wait3A_91 : memref<10240x128xf32, #tpu.memory_space<vmem_shared>>)
        tpu.yield
      }) : () -> ()
      %add3A_53 = arith.constant 2 : i32
      %add3A_54 = arith.addi %mul3A_46, %add3A_53 : i32
      %mul3A_55 = arith.constant 80 : i32
      %mul3A_56 = arith.muli %add3A_54, %mul3A_55 : i32
      %multiple_of3A_57 = tpu.assume_multiple %mul3A_56, 8 : i32
      %dma_start3A_58 = tpu.memref_slice %arg7[%multiple_of3A_57] : memref<10240xi32, #tpu.memory_space<vmem>> -> memref<80xi32, #tpu.memory_space<vmem>>
      %dma_start3A_59 = arith.constant 0 : i32
      %dma_start3A_60 = arith.constant 0 : i32
      %dma_start3A_61 = tpu.memref_slice %arg3[%dma_start3A_59, %dma_start3A_60] : memref<10240x128xf32, #tpu.memory_space<hbm>> -> memref<10240x128xf32, #tpu.memory_space<hbm>>
      tpu.enqueue_indirect_dma source(%dma_start3A_61 : memref<10240x128xf32, #tpu.memory_space<hbm>>) target(%arg9 : memref<80x128xf32, #tpu.memory_space<vmem>>) offsets(%dma_start3A_58 : memref<80xi32, #tpu.memory_space<vmem>>) semaphore(%arg12 : memref<!tpu.dma_semaphore, #tpu.memory_space<semaphore_mem>>)
      %multiple_of3A_62 = arith.constant 0 : i32
      %multiple_of3A_63 = tpu.assume_multiple %multiple_of3A_62, 8 : i32
      %dma_wait3A_64 = tpu.memref_slice %arg7[%multiple_of3A_63] : memref<10240xi32, #tpu.memory_space<vmem>> -> memref<80xi32, #tpu.memory_space<vmem>>
      %dma_wait3A_65 = arith.constant 0 : i32
      %dma_wait3A_66 = arith.constant 0 : i32
      %dma_wait3A_67 = tpu.memref_slice %arg3[%dma_wait3A_65, %dma_wait3A_66] : memref<10240x128xf32, #tpu.memory_space<hbm>> -> memref<10240x128xf32, #tpu.memory_space<hbm>>
      tpu.wait_indirect_dma semaphore(%arg13 : memref<!tpu.dma_semaphore, #tpu.memory_space<semaphore_mem>>) src(%dma_wait3A_67 : memref<10240x128xf32, #tpu.memory_space<hbm>>) dst(%arg10 : memref<80x128xf32, #tpu.memory_space<vmem>>)
      %add3A_68 = arith.constant 1 : i32
      %add3A_69 = arith.addi %mul3A_46, %add3A_68 : i32
      "tpu.region"() ({
        %run_scoped3A_79 = tpu.sem_alloc : memref<!tpu.dma_semaphore, #tpu.memory_space<semaphore_mem>>
        %dma_start3A_80 = arith.constant 0 : i32
        %dma_start3A_81 = tpu.memref_slice %arg8[%add3A_69, %dma_start3A_80] : memref<128x80xi32, #tpu.memory_space<vmem>> -> memref<1x80xi32, #tpu.memory_space<vmem>>
        %dma_start3A_82 = tpu.memref_squeeze %dma_start3A_81 : memref<1x80xi32, #tpu.memory_space<vmem>> -> memref<80xi32, #tpu.memory_space<vmem>>
        %dma_start3A_83 = arith.constant 0 : i32
        %dma_start3A_84 = arith.constant 0 : i32
        %dma_start3A_85 = tpu.memref_slice %arg11[%dma_start3A_83, %dma_start3A_84] : memref<10240x128xf32, #tpu.memory_space<vmem_shared>> -> memref<10240x128xf32, #tpu.memory_space<vmem_shared>>
        tpu.enqueue_indirect_dma source(%arg10 : memref<80x128xf32, #tpu.memory_space<vmem>>) target(%dma_start3A_85 : memref<10240x128xf32, #tpu.memory_space<vmem_shared>>) offsets(%dma_start3A_82 : memref<80xi32, #tpu.memory_space<vmem>>) semaphore(%run_scoped3A_79 : memref<!tpu.dma_semaphore, #tpu.memory_space<semaphore_mem>>) {add = true}
        %dma_wait3A_86 = arith.constant 0 : i32
        %dma_wait3A_87 = tpu.memref_slice %arg8[%add3A_69, %dma_wait3A_86] : memref<128x80xi32, #tpu.memory_space<vmem>> -> memref<1x80xi32, #tpu.memory_space<vmem>>
        %dma_wait3A_88 = tpu.memref_squeeze %dma_wait3A_87 : memref<1x80xi32, #tpu.memory_space<vmem>> -> memref<80xi32, #tpu.memory_space<vmem>>
        %dma_wait3A_89 = arith.constant 0 : i32
        %dma_wait3A_90 = arith.constant 0 : i32
        %dma_wait3A_91 = tpu.memref_slice %arg11[%dma_wait3A_89, %dma_wait3A_90] : memref<10240x128xf32, #tpu.memory_space<vmem_shared>> -> memref<10240x128xf32, #tpu.memory_space<vmem_shared>>
        tpu.wait_indirect_dma semaphore(%run_scoped3A_79 : memref<!tpu.dma_semaphore, #tpu.memory_space<semaphore_mem>>) src(%arg10 : memref<80x128xf32, #tpu.memory_space<vmem>>) dst(%dma_wait3A_91 : memref<10240x128xf32, #tpu.memory_space<vmem_shared>>)
        tpu.yield
      }) : () -> ()
      %add3A_70 = arith.constant 3 : i32
      %add3A_71 = arith.addi %mul3A_46, %add3A_70 : i32
      %mul3A_72 = arith.constant 80 : i32
      %mul3A_73 = arith.muli %add3A_71, %mul3A_72 : i32
      %multiple_of3A_74 = tpu.assume_multiple %mul3A_73, 8 : i32
      %dma_start3A_75 = tpu.memref_slice %arg7[%multiple_of3A_74] : memref<10240xi32, #tpu.memory_space<vmem>> -> memref<80xi32, #tpu.memory_space<vmem>>
      %dma_start3A_76 = arith.constant 0 : i32
      %dma_start3A_77 = arith.constant 0 : i32
      %dma_start3A_78 = tpu.memref_slice %arg3[%dma_start3A_76, %dma_start3A_77] : memref<10240x128xf32, #tpu.memory_space<hbm>> -> memref<10240x128xf32, #tpu.memory_space<hbm>>
      tpu.enqueue_indirect_dma source(%dma_start3A_78 : memref<10240x128xf32, #tpu.memory_space<hbm>>) target(%arg10 : memref<80x128xf32, #tpu.memory_space<vmem>>) offsets(%dma_start3A_75 : memref<80xi32, #tpu.memory_space<vmem>>) semaphore(%arg13 : memref<!tpu.dma_semaphore, #tpu.memory_space<semaphore_mem>>)
    }
    %scan3A_24 = arith.constant 63 : i32
    %multiple_of3A_25 = arith.constant 0 : i32
    %multiple_of3A_26 = tpu.assume_multiple %multiple_of3A_25, 8 : i32
    %dma_wait3A = tpu.memref_slice %arg7[%multiple_of3A_26] : memref<10240xi32, #tpu.memory_space<vmem>> -> memref<80xi32, #tpu.memory_space<vmem>>
    %dma_wait3A_27 = arith.constant 0 : i32
    %dma_wait3A_28 = arith.constant 0 : i32
    %dma_wait3A_29 = tpu.memref_slice %arg3[%dma_wait3A_27, %dma_wait3A_28] : memref<10240x128xf32, #tpu.memory_space<hbm>> -> memref<10240x128xf32, #tpu.memory_space<hbm>>
    tpu.wait_indirect_dma semaphore(%arg12 : memref<!tpu.dma_semaphore, #tpu.memory_space<semaphore_mem>>) src(%dma_wait3A_29 : memref<10240x128xf32, #tpu.memory_space<hbm>>) dst(%arg9 : memref<80x128xf32, #tpu.memory_space<vmem>>)
    %run_scoped3A = arith.constant 126 : i32
    "tpu.region"() ({
      %run_scoped3A_44 = tpu.sem_alloc : memref<!tpu.dma_semaphore, #tpu.memory_space<semaphore_mem>>
      %dma_start3A_45 = arith.constant 0 : i32
      %dma_start3A_46 = tpu.memref_slice %arg8[%run_scoped3A, %dma_start3A_45] : memref<128x80xi32, #tpu.memory_space<vmem>> -> memref<1x80xi32, #tpu.memory_space<vmem>>
      %dma_start3A_47 = tpu.memref_squeeze %dma_start3A_46 : memref<1x80xi32, #tpu.memory_space<vmem>> -> memref<80xi32, #tpu.memory_space<vmem>>
      %dma_start3A_48 = arith.constant 0 : i32
      %dma_start3A_49 = arith.constant 0 : i32
      %dma_start3A_50 = tpu.memref_slice %arg11[%dma_start3A_48, %dma_start3A_49] : memref<10240x128xf32, #tpu.memory_space<vmem_shared>> -> memref<10240x128xf32, #tpu.memory_space<vmem_shared>>
      tpu.enqueue_indirect_dma source(%arg9 : memref<80x128xf32, #tpu.memory_space<vmem>>) target(%dma_start3A_50 : memref<10240x128xf32, #tpu.memory_space<vmem_shared>>) offsets(%dma_start3A_47 : memref<80xi32, #tpu.memory_space<vmem>>) semaphore(%run_scoped3A_44 : memref<!tpu.dma_semaphore, #tpu.memory_space<semaphore_mem>>) {add = true}
      %dma_wait3A_51 = arith.constant 0 : i32
      %dma_wait3A_52 = tpu.memref_slice %arg8[%run_scoped3A, %dma_wait3A_51] : memref<128x80xi32, #tpu.memory_space<vmem>> -> memref<1x80xi32, #tpu.memory_space<vmem>>
      %dma_wait3A_53 = tpu.memref_squeeze %dma_wait3A_52 : memref<1x80xi32, #tpu.memory_space<vmem>> -> memref<80xi32, #tpu.memory_space<vmem>>
      %dma_wait3A_54 = arith.constant 0 : i32
      %dma_wait3A_55 = arith.constant 0 : i32
      %dma_wait3A_56 = tpu.memref_slice %arg11[%dma_wait3A_54, %dma_wait3A_55] : memref<10240x128xf32, #tpu.memory_space<vmem_shared>> -> memref<10240x128xf32, #tpu.memory_space<vmem_shared>>
      tpu.wait_indirect_dma semaphore(%run_scoped3A_44 : memref<!tpu.dma_semaphore, #tpu.memory_space<semaphore_mem>>) src(%arg9 : memref<80x128xf32, #tpu.memory_space<vmem>>) dst(%dma_wait3A_56 : memref<10240x128xf32, #tpu.memory_space<vmem_shared>>)
      tpu.yield
    }) : () -> ()
    %multiple_of3A_30 = arith.constant 0 : i32
    %multiple_of3A_31 = tpu.assume_multiple %multiple_of3A_30, 8 : i32
    %dma_wait3A_32 = tpu.memref_slice %arg7[%multiple_of3A_31] : memref<10240xi32, #tpu.memory_space<vmem>> -> memref<80xi32, #tpu.memory_space<vmem>>
    %dma_wait3A_33 = arith.constant 0 : i32
    %dma_wait3A_34 = arith.constant 0 : i32
    %dma_wait3A_35 = tpu.memref_slice %arg3[%dma_wait3A_33, %dma_wait3A_34] : memref<10240x128xf32, #tpu.memory_space<hbm>> -> memref<10240x128xf32, #tpu.memory_space<hbm>>
    tpu.wait_indirect_dma semaphore(%arg13 : memref<!tpu.dma_semaphore, #tpu.memory_space<semaphore_mem>>) src(%dma_wait3A_35 : memref<10240x128xf32, #tpu.memory_space<hbm>>) dst(%arg10 : memref<80x128xf32, #tpu.memory_space<vmem>>)
    %run_scoped3A_36 = arith.constant 127 : i32
    "tpu.region"() ({
      %run_scoped3A_44 = tpu.sem_alloc : memref<!tpu.dma_semaphore, #tpu.memory_space<semaphore_mem>>
      %dma_start3A_45 = arith.constant 0 : i32
      %dma_start3A_46 = tpu.memref_slice %arg8[%run_scoped3A_36, %dma_start3A_45] : memref<128x80xi32, #tpu.memory_space<vmem>> -> memref<1x80xi32, #tpu.memory_space<vmem>>
      %dma_start3A_47 = tpu.memref_squeeze %dma_start3A_46 : memref<1x80xi32, #tpu.memory_space<vmem>> -> memref<80xi32, #tpu.memory_space<vmem>>
      %dma_start3A_48 = arith.constant 0 : i32
      %dma_start3A_49 = arith.constant 0 : i32
      %dma_start3A_50 = tpu.memref_slice %arg11[%dma_start3A_48, %dma_start3A_49] : memref<10240x128xf32, #tpu.memory_space<vmem_shared>> -> memref<10240x128xf32, #tpu.memory_space<vmem_shared>>
      tpu.enqueue_indirect_dma source(%arg10 : memref<80x128xf32, #tpu.memory_space<vmem>>) target(%dma_start3A_50 : memref<10240x128xf32, #tpu.memory_space<vmem_shared>>) offsets(%dma_start3A_47 : memref<80xi32, #tpu.memory_space<vmem>>) semaphore(%run_scoped3A_44 : memref<!tpu.dma_semaphore, #tpu.memory_space<semaphore_mem>>) {add = true}
      %dma_wait3A_51 = arith.constant 0 : i32
      %dma_wait3A_52 = tpu.memref_slice %arg8[%run_scoped3A_36, %dma_wait3A_51] : memref<128x80xi32, #tpu.memory_space<vmem>> -> memref<1x80xi32, #tpu.memory_space<vmem>>
      %dma_wait3A_53 = tpu.memref_squeeze %dma_wait3A_52 : memref<1x80xi32, #tpu.memory_space<vmem>> -> memref<80xi32, #tpu.memory_space<vmem>>
      %dma_wait3A_54 = arith.constant 0 : i32
      %dma_wait3A_55 = arith.constant 0 : i32
      %dma_wait3A_56 = tpu.memref_slice %arg11[%dma_wait3A_54, %dma_wait3A_55] : memref<10240x128xf32, #tpu.memory_space<vmem_shared>> -> memref<10240x128xf32, #tpu.memory_space<vmem_shared>>
      tpu.wait_indirect_dma semaphore(%run_scoped3A_44 : memref<!tpu.dma_semaphore, #tpu.memory_space<semaphore_mem>>) src(%arg10 : memref<80x128xf32, #tpu.memory_space<vmem>>) dst(%dma_wait3A_56 : memref<10240x128xf32, #tpu.memory_space<vmem_shared>>)
      tpu.yield
    }) : () -> ()
    %barrier3A_37 = arith.constant 0 : index
    tpu.barrier barrier_id(%barrier3A_37)
    "tpu.trace_stop"() : () -> ()
    "tpu.trace_start"() <{level = 10 : i32, message = "acc_out"}> : () -> ()
    %mul3A_38 = arith.constant 10240 : i32
    %mul3A_39 = arith.muli %arg0, %mul3A_38 : i32
    %mul3A_40 = arith.constant 640 : i32
    %mul3A_41 = arith.muli %arg1, %mul3A_40 : i32
    %add3A_42 = arith.addi %mul3A_39, %mul3A_41 : i32
    %multiple_of3A_43 = tpu.assume_multiple %add3A_42, 8 : i32
    "tpu.region"() ({
      %run_scoped3A_44 = tpu.sem_alloc : memref<!tpu.dma_semaphore, #tpu.memory_space<semaphore_mem>>
      %dma_start3A_45 = arith.constant 0 : i32
      %dma_start3A_46 = tpu.memref_slice %arg6[%multiple_of3A_43, %dma_start3A_45] : memref<20480x128xf32, #tpu.memory_space<hbm>> -> memref<640x128xf32, #tpu.memory_space<hbm>>
      %dma_start3A_47 = arith.constant 0 : i32
      %dma_start3A_48 = tpu.memref_slice %arg11[%multiple_of3A, %dma_start3A_47] : memref<10240x128xf32, #tpu.memory_space<vmem_shared>> -> memref<640x128xf32, #tpu.memory_space<vmem_shared>>
      tpu.enqueue_dma source(%dma_start3A_48 : memref<640x128xf32, #tpu.memory_space<vmem_shared>>) target(%dma_start3A_46 : memref<640x128xf32, #tpu.memory_space<hbm>>) target_semaphore(%run_scoped3A_44 : memref<!tpu.dma_semaphore, #tpu.memory_space<semaphore_mem>>)
      %dma_wait3A_49 = arith.constant 0 : i32
      %dma_wait3A_50 = tpu.memref_slice %arg6[%multiple_of3A_43, %dma_wait3A_49] : memref<20480x128xf32, #tpu.memory_space<hbm>> -> memref<640x128xf32, #tpu.memory_space<hbm>>
      %dma_wait3A_51 = arith.constant 0 : i32
      %dma_wait3A_52 = tpu.memref_slice %arg11[%multiple_of3A, %dma_wait3A_51] : memref<10240x128xf32, #tpu.memory_space<vmem_shared>> -> memref<640x128xf32, #tpu.memory_space<vmem_shared>>
      tpu.wait_dma2 semaphore(%run_scoped3A_44 : memref<!tpu.dma_semaphore, #tpu.memory_space<semaphore_mem>>) src(%dma_wait3A_52 : memref<640x128xf32, #tpu.memory_space<vmem_shared>>) dst(%dma_wait3A_50 : memref<640x128xf32, #tpu.memory_space<hbm>>)
      tpu.yield
    }) : () -> ()
    "tpu.trace_stop"() : () -> ()
    return
  }
}

#map = affine_map<(d0, d1) -> (0, 0)>
#map1 = affine_map<(d0, d1) -> (0)>
module attributes {stable_mosaic.version = 14 : i64} {
  func.func @_seg_sum_body(%arg0: i32, %arg1: i32, %arg2: memref<640x128xf32, #tpu.memory_space<hbm>>, %arg3: memref<10240x128xf32, #tpu.memory_space<hbm>>, %arg4: memref<327680xi32, #tpu.memory_space<hbm>>, %arg5: memref<4096x80xi32, #tpu.memory_space<hbm>>, %arg6: memref<20480x128xf32, #tpu.memory_space<hbm>>, %arg7: memref<10240xi32, #tpu.memory_space<vmem>>, %arg8: memref<128x80xi32, #tpu.memory_space<vmem>>, %arg9: memref<80x128xf32, #tpu.memory_space<vmem>>, %arg10: memref<80x128xf32, #tpu.memory_space<vmem>>, %arg11: memref<10240x128xf32, #tpu.memory_space<vmem_shared>>, %arg12: memref<!tpu.dma_semaphore, #tpu.memory_space<semaphore_mem>>, %arg13: memref<!tpu.dma_semaphore, #tpu.memory_space<semaphore_mem>>, %arg14: memref<!tpu.dma_semaphore, #tpu.memory_space<semaphore_mem>>) attributes {dimension_semantics = [#tpu.dimension_semantics<core_parallel>, #tpu.dimension_semantics<subcore_parallel>], iteration_bounds = array<i64: 2, 16>, scalar_prefetch = 0 : i64, scratch_operands = 8 : i64, tpu.core_type = #tpu.core_type<sc_vector_subcore>, window_params = [{transform_indices = #map}, {transform_indices = #map}, {transform_indices = #map1}, {transform_indices = #map}, {transform_indices = #map}]} {
    %mul3A = arith.constant 2 : i32
    %mul3A_0 = arith.muli %arg1, %mul3A : i32
    %add3A = arith.addi %mul3A_0, %arg0 : i32
    %mul3A_1 = arith.constant 640 : i32
    %mul3A_2 = arith.muli %arg1, %mul3A_1 : i32
    %multiple_of3A = tpu.assume_multiple %mul3A_2, 8 : i32
    "tpu.trace_start"() <{level = 10 : i32, message = "idx_load"}> : () -> ()
    %mul3A_3 = arith.constant 10240 : i32
    %mul3A_4 = arith.muli %add3A, %mul3A_3 : i32
    %multiple_of3A_5 = tpu.assume_multiple %mul3A_4, 8 : i32
    "tpu.region"() ({
      %run_scoped3A_44 = tpu.sem_alloc : memref<!tpu.dma_semaphore, #tpu.memory_space<semaphore_mem>>
      %dma_start3A_45 = tpu.memref_slice %arg4[%multiple_of3A_5] : memref<327680xi32, #tpu.memory_space<hbm>> -> memref<10240xi32, #tpu.memory_space<hbm>>
      %dma_start3A_46 = tpu.memref_slice %arg4[%multiple_of3A_5] : memref<327680xi32, #tpu.memory_space<hbm>> -> memref<10240xi32, #tpu.memory_space<hbm>>
      tpu.enqueue_dma source(%dma_start3A_46 : memref<10240xi32, #tpu.memory_space<hbm>>) target(%arg7 : memref<10240xi32, #tpu.memory_space<vmem>>) target_semaphore(%run_scoped3A_44 : memref<!tpu.dma_semaphore, #tpu.memory_space<semaphore_mem>>)
      %dma_wait3A_47 = tpu.memref_slice %arg4[%multiple_of3A_5] : memref<327680xi32, #tpu.memory_space<hbm>> -> memref<10240xi32, #tpu.memory_space<hbm>>
      %dma_wait3A_48 = tpu.memref_slice %arg4[%multiple_of3A_5] : memref<327680xi32, #tpu.memory_space<hbm>> -> memref<10240xi32, #tpu.memory_space<hbm>>
      tpu.wait_dma2 semaphore(%run_scoped3A_44 : memref<!tpu.dma_semaphore, #tpu.memory_space<semaphore_mem>>) src(%dma_wait3A_48 : memref<10240xi32, #tpu.memory_space<hbm>>) dst(%arg7 : memref<10240xi32, #tpu.memory_space<vmem>>)
      tpu.yield
    }) : () -> ()
    %mul3A_6 = arith.constant 128 : i32
    %mul3A_7 = arith.muli %add3A, %mul3A_6 : i32
    %multiple_of3A_8 = tpu.assume_multiple %mul3A_7, 8 : i32
    "tpu.region"() ({
      %run_scoped3A_44 = tpu.sem_alloc : memref<!tpu.dma_semaphore, #tpu.memory_space<semaphore_mem>>
      %dma_start3A_45 = arith.constant 0 : i32
      %dma_start3A_46 = tpu.memref_slice %arg5[%multiple_of3A_8, %dma_start3A_45] : memref<4096x80xi32, #tpu.memory_space<hbm>> -> memref<128x80xi32, #tpu.memory_space<hbm>>
      %dma_start3A_47 = arith.constant 0 : i32
      %dma_start3A_48 = tpu.memref_slice %arg5[%multiple_of3A_8, %dma_start3A_47] : memref<4096x80xi32, #tpu.memory_space<hbm>> -> memref<128x80xi32, #tpu.memory_space<hbm>>
      tpu.enqueue_dma source(%dma_start3A_48 : memref<128x80xi32, #tpu.memory_space<hbm>>) target(%arg8 : memref<128x80xi32, #tpu.memory_space<vmem>>) target_semaphore(%run_scoped3A_44 : memref<!tpu.dma_semaphore, #tpu.memory_space<semaphore_mem>>)
      %dma_wait3A_49 = arith.constant 0 : i32
      %dma_wait3A_50 = tpu.memref_slice %arg5[%multiple_of3A_8, %dma_wait3A_49] : memref<4096x80xi32, #tpu.memory_space<hbm>> -> memref<128x80xi32, #tpu.memory_space<hbm>>
      %dma_wait3A_51 = arith.constant 0 : i32
      %dma_wait3A_52 = tpu.memref_slice %arg5[%multiple_of3A_8, %dma_wait3A_51] : memref<4096x80xi32, #tpu.memory_space<hbm>> -> memref<128x80xi32, #tpu.memory_space<hbm>>
      tpu.wait_dma2 semaphore(%run_scoped3A_44 : memref<!tpu.dma_semaphore, #tpu.memory_space<semaphore_mem>>) src(%dma_wait3A_52 : memref<128x80xi32, #tpu.memory_space<hbm>>) dst(%arg8 : memref<128x80xi32, #tpu.memory_space<vmem>>)
      tpu.yield
    }) : () -> ()
    %multiple_of3A_9 = arith.constant 0 : i32
    "tpu.trace_stop"() : () -> ()
    %multiple_of3A_10 = tpu.assume_multiple %multiple_of3A_9, 8 : i32
    %dma_start3A = tpu.memref_slice %arg7[%multiple_of3A_10] : memref<10240xi32, #tpu.memory_space<vmem>> -> memref<80xi32, #tpu.memory_space<vmem>>
    %dma_start3A_11 = arith.constant 0 : i32
    %dma_start3A_12 = arith.constant 0 : i32
    %dma_start3A_13 = tpu.memref_slice %arg3[%dma_start3A_11, %dma_start3A_12] : memref<10240x128xf32, #tpu.memory_space<hbm>> -> memref<10240x128xf32, #tpu.memory_space<hbm>>
    tpu.enqueue_indirect_dma source(%dma_start3A_13 : memref<10240x128xf32, #tpu.memory_space<hbm>>) target(%arg9 : memref<80x128xf32, #tpu.memory_space<vmem>>) offsets(%dma_start3A : memref<80xi32, #tpu.memory_space<vmem>>) semaphore(%arg12 : memref<!tpu.dma_semaphore, #tpu.memory_space<semaphore_mem>>)
    %multiple_of3A_14 = arith.constant 80 : i32
    %multiple_of3A_15 = tpu.assume_multiple %multiple_of3A_14, 8 : i32
    %dma_start3A_16 = tpu.memref_slice %arg7[%multiple_of3A_15] : memref<10240xi32, #tpu.memory_space<vmem>> -> memref<80xi32, #tpu.memory_space<vmem>>
    %dma_start3A_17 = arith.constant 0 : i32
    %dma_start3A_18 = arith.constant 0 : i32
    %dma_start3A_19 = tpu.memref_slice %arg3[%dma_start3A_17, %dma_start3A_18] : memref<10240x128xf32, #tpu.memory_space<hbm>> -> memref<10240x128xf32, #tpu.memory_space<hbm>>
    tpu.enqueue_indirect_dma source(%dma_start3A_19 : memref<10240x128xf32, #tpu.memory_space<hbm>>) target(%arg10 : memref<80x128xf32, #tpu.memory_space<vmem>>) offsets(%dma_start3A_16 : memref<80xi32, #tpu.memory_space<vmem>>) semaphore(%arg13 : memref<!tpu.dma_semaphore, #tpu.memory_space<semaphore_mem>>)
    "tpu.trace_start"() <{level = 10 : i32, message = "acc_zero"}> : () -> ()
    "tpu.region"() ({
      %run_scoped3A_44 = tpu.sem_alloc : memref<!tpu.dma_semaphore, #tpu.memory_space<semaphore_mem>>
      %dma_start3A_45 = arith.constant 0 : i32
      %dma_start3A_46 = tpu.memref_slice %arg11[%multiple_of3A, %dma_start3A_45] : memref<10240x128xf32, #tpu.memory_space<vmem_shared>> -> memref<640x128xf32, #tpu.memory_space<vmem_shared>>
      tpu.enqueue_dma source(%arg2 : memref<640x128xf32, #tpu.memory_space<hbm>>) target(%dma_start3A_46 : memref<640x128xf32, #tpu.memory_space<vmem_shared>>) target_semaphore(%run_scoped3A_44 : memref<!tpu.dma_semaphore, #tpu.memory_space<semaphore_mem>>)
      %dma_wait3A_47 = arith.constant 0 : i32
      %dma_wait3A_48 = tpu.memref_slice %arg11[%multiple_of3A, %dma_wait3A_47] : memref<10240x128xf32, #tpu.memory_space<vmem_shared>> -> memref<640x128xf32, #tpu.memory_space<vmem_shared>>
      tpu.wait_dma2 semaphore(%run_scoped3A_44 : memref<!tpu.dma_semaphore, #tpu.memory_space<semaphore_mem>>) src(%arg2 : memref<640x128xf32, #tpu.memory_space<hbm>>) dst(%dma_wait3A_48 : memref<640x128xf32, #tpu.memory_space<vmem_shared>>)
      tpu.yield
    }) : () -> ()
    %barrier3A = arith.constant 0 : index
    tpu.barrier barrier_id(%barrier3A)
    "tpu.trace_stop"() : () -> ()
    "tpu.trace_start"() <{level = 10 : i32, message = "edge_loop"}> : () -> ()
    %scan3A = arith.constant 0 : i32
    %scan3A_20 = arith.constant 0 : i32
    %scan3A_21 = arith.constant 63 : i32
    %scan3A_22 = arith.addi %scan3A_20, %scan3A_21 : i32
    %scan3A_23 = arith.constant 1 : i32
    scf.for %scan3A_44 = %scan3A_20 to %scan3A_22 step %scan3A_23  : i32 {
      %mul3A_45 = arith.constant 2 : i32
      %mul3A_46 = arith.muli %mul3A_45, %scan3A_44 : i32
      %multiple_of3A_47 = arith.constant 0 : i32
      %multiple_of3A_48 = tpu.assume_multiple %multiple_of3A_47, 8 : i32
      %dma_wait3A_49 = tpu.memref_slice %arg7[%multiple_of3A_48] : memref<10240xi32, #tpu.memory_space<vmem>> -> memref<80xi32, #tpu.memory_space<vmem>>
      %dma_wait3A_50 = arith.constant 0 : i32
      %dma_wait3A_51 = arith.constant 0 : i32
      %dma_wait3A_52 = tpu.memref_slice %arg3[%dma_wait3A_50, %dma_wait3A_51] : memref<10240x128xf32, #tpu.memory_space<hbm>> -> memref<10240x128xf32, #tpu.memory_space<hbm>>
      tpu.wait_indirect_dma semaphore(%arg12 : memref<!tpu.dma_semaphore, #tpu.memory_space<semaphore_mem>>) src(%dma_wait3A_52 : memref<10240x128xf32, #tpu.memory_space<hbm>>) dst(%arg9 : memref<80x128xf32, #tpu.memory_space<vmem>>)
      "tpu.region"() ({
        %run_scoped3A_79 = tpu.sem_alloc : memref<!tpu.dma_semaphore, #tpu.memory_space<semaphore_mem>>
        %dma_start3A_80 = arith.constant 0 : i32
        %dma_start3A_81 = tpu.memref_slice %arg8[%mul3A_46, %dma_start3A_80] : memref<128x80xi32, #tpu.memory_space<vmem>> -> memref<1x80xi32, #tpu.memory_space<vmem>>
        %dma_start3A_82 = tpu.memref_squeeze %dma_start3A_81 : memref<1x80xi32, #tpu.memory_space<vmem>> -> memref<80xi32, #tpu.memory_space<vmem>>
        %dma_start3A_83 = arith.constant 0 : i32
        %dma_start3A_84 = arith.constant 0 : i32
        %dma_start3A_85 = tpu.memref_slice %arg11[%dma_start3A_83, %dma_start3A_84] : memref<10240x128xf32, #tpu.memory_space<vmem_shared>> -> memref<10240x128xf32, #tpu.memory_space<vmem_shared>>
        tpu.enqueue_indirect_dma source(%arg9 : memref<80x128xf32, #tpu.memory_space<vmem>>) target(%dma_start3A_85 : memref<10240x128xf32, #tpu.memory_space<vmem_shared>>) offsets(%dma_start3A_82 : memref<80xi32, #tpu.memory_space<vmem>>) semaphore(%run_scoped3A_79 : memref<!tpu.dma_semaphore, #tpu.memory_space<semaphore_mem>>) {add = true}
        %dma_wait3A_86 = arith.constant 0 : i32
        %dma_wait3A_87 = tpu.memref_slice %arg8[%mul3A_46, %dma_wait3A_86] : memref<128x80xi32, #tpu.memory_space<vmem>> -> memref<1x80xi32, #tpu.memory_space<vmem>>
        %dma_wait3A_88 = tpu.memref_squeeze %dma_wait3A_87 : memref<1x80xi32, #tpu.memory_space<vmem>> -> memref<80xi32, #tpu.memory_space<vmem>>
        %dma_wait3A_89 = arith.constant 0 : i32
        %dma_wait3A_90 = arith.constant 0 : i32
        %dma_wait3A_91 = tpu.memref_slice %arg11[%dma_wait3A_89, %dma_wait3A_90] : memref<10240x128xf32, #tpu.memory_space<vmem_shared>> -> memref<10240x128xf32, #tpu.memory_space<vmem_shared>>
        tpu.wait_indirect_dma semaphore(%run_scoped3A_79 : memref<!tpu.dma_semaphore, #tpu.memory_space<semaphore_mem>>) src(%arg9 : memref<80x128xf32, #tpu.memory_space<vmem>>) dst(%dma_wait3A_91 : memref<10240x128xf32, #tpu.memory_space<vmem_shared>>)
        tpu.yield
      }) : () -> ()
      %add3A_53 = arith.constant 2 : i32
      %add3A_54 = arith.addi %mul3A_46, %add3A_53 : i32
      %mul3A_55 = arith.constant 80 : i32
      %mul3A_56 = arith.muli %add3A_54, %mul3A_55 : i32
      %multiple_of3A_57 = tpu.assume_multiple %mul3A_56, 8 : i32
      %dma_start3A_58 = tpu.memref_slice %arg7[%multiple_of3A_57] : memref<10240xi32, #tpu.memory_space<vmem>> -> memref<80xi32, #tpu.memory_space<vmem>>
      %dma_start3A_59 = arith.constant 0 : i32
      %dma_start3A_60 = arith.constant 0 : i32
      %dma_start3A_61 = tpu.memref_slice %arg3[%dma_start3A_59, %dma_start3A_60] : memref<10240x128xf32, #tpu.memory_space<hbm>> -> memref<10240x128xf32, #tpu.memory_space<hbm>>
      tpu.enqueue_indirect_dma source(%dma_start3A_61 : memref<10240x128xf32, #tpu.memory_space<hbm>>) target(%arg9 : memref<80x128xf32, #tpu.memory_space<vmem>>) offsets(%dma_start3A_58 : memref<80xi32, #tpu.memory_space<vmem>>) semaphore(%arg12 : memref<!tpu.dma_semaphore, #tpu.memory_space<semaphore_mem>>)
      %multiple_of3A_62 = arith.constant 0 : i32
      %multiple_of3A_63 = tpu.assume_multiple %multiple_of3A_62, 8 : i32
      %dma_wait3A_64 = tpu.memref_slice %arg7[%multiple_of3A_63] : memref<10240xi32, #tpu.memory_space<vmem>> -> memref<80xi32, #tpu.memory_space<vmem>>
      %dma_wait3A_65 = arith.constant 0 : i32
      %dma_wait3A_66 = arith.constant 0 : i32
      %dma_wait3A_67 = tpu.memref_slice %arg3[%dma_wait3A_65, %dma_wait3A_66] : memref<10240x128xf32, #tpu.memory_space<hbm>> -> memref<10240x128xf32, #tpu.memory_space<hbm>>
      tpu.wait_indirect_dma semaphore(%arg13 : memref<!tpu.dma_semaphore, #tpu.memory_space<semaphore_mem>>) src(%dma_wait3A_67 : memref<10240x128xf32, #tpu.memory_space<hbm>>) dst(%arg10 : memref<80x128xf32, #tpu.memory_space<vmem>>)
      %add3A_68 = arith.constant 1 : i32
      %add3A_69 = arith.addi %mul3A_46, %add3A_68 : i32
      "tpu.region"() ({
        %run_scoped3A_79 = tpu.sem_alloc : memref<!tpu.dma_semaphore, #tpu.memory_space<semaphore_mem>>
        %dma_start3A_80 = arith.constant 0 : i32
        %dma_start3A_81 = tpu.memref_slice %arg8[%add3A_69, %dma_start3A_80] : memref<128x80xi32, #tpu.memory_space<vmem>> -> memref<1x80xi32, #tpu.memory_space<vmem>>
        %dma_start3A_82 = tpu.memref_squeeze %dma_start3A_81 : memref<1x80xi32, #tpu.memory_space<vmem>> -> memref<80xi32, #tpu.memory_space<vmem>>
        %dma_start3A_83 = arith.constant 0 : i32
        %dma_start3A_84 = arith.constant 0 : i32
        %dma_start3A_85 = tpu.memref_slice %arg11[%dma_start3A_83, %dma_start3A_84] : memref<10240x128xf32, #tpu.memory_space<vmem_shared>> -> memref<10240x128xf32, #tpu.memory_space<vmem_shared>>
        tpu.enqueue_indirect_dma source(%arg10 : memref<80x128xf32, #tpu.memory_space<vmem>>) target(%dma_start3A_85 : memref<10240x128xf32, #tpu.memory_space<vmem_shared>>) offsets(%dma_start3A_82 : memref<80xi32, #tpu.memory_space<vmem>>) semaphore(%run_scoped3A_79 : memref<!tpu.dma_semaphore, #tpu.memory_space<semaphore_mem>>) {add = true}
        %dma_wait3A_86 = arith.constant 0 : i32
        %dma_wait3A_87 = tpu.memref_slice %arg8[%add3A_69, %dma_wait3A_86] : memref<128x80xi32, #tpu.memory_space<vmem>> -> memref<1x80xi32, #tpu.memory_space<vmem>>
        %dma_wait3A_88 = tpu.memref_squeeze %dma_wait3A_87 : memref<1x80xi32, #tpu.memory_space<vmem>> -> memref<80xi32, #tpu.memory_space<vmem>>
        %dma_wait3A_89 = arith.constant 0 : i32
        %dma_wait3A_90 = arith.constant 0 : i32
        %dma_wait3A_91 = tpu.memref_slice %arg11[%dma_wait3A_89, %dma_wait3A_90] : memref<10240x128xf32, #tpu.memory_space<vmem_shared>> -> memref<10240x128xf32, #tpu.memory_space<vmem_shared>>
        tpu.wait_indirect_dma semaphore(%run_scoped3A_79 : memref<!tpu.dma_semaphore, #tpu.memory_space<semaphore_mem>>) src(%arg10 : memref<80x128xf32, #tpu.memory_space<vmem>>) dst(%dma_wait3A_91 : memref<10240x128xf32, #tpu.memory_space<vmem_shared>>)
        tpu.yield
      }) : () -> ()
      %add3A_70 = arith.constant 3 : i32
      %add3A_71 = arith.addi %mul3A_46, %add3A_70 : i32
      %mul3A_72 = arith.constant 80 : i32
      %mul3A_73 = arith.muli %add3A_71, %mul3A_72 : i32
      %multiple_of3A_74 = tpu.assume_multiple %mul3A_73, 8 : i32
      %dma_start3A_75 = tpu.memref_slice %arg7[%multiple_of3A_74] : memref<10240xi32, #tpu.memory_space<vmem>> -> memref<80xi32, #tpu.memory_space<vmem>>
      %dma_start3A_76 = arith.constant 0 : i32
      %dma_start3A_77 = arith.constant 0 : i32
      %dma_start3A_78 = tpu.memref_slice %arg3[%dma_start3A_76, %dma_start3A_77] : memref<10240x128xf32, #tpu.memory_space<hbm>> -> memref<10240x128xf32, #tpu.memory_space<hbm>>
      tpu.enqueue_indirect_dma source(%dma_start3A_78 : memref<10240x128xf32, #tpu.memory_space<hbm>>) target(%arg10 : memref<80x128xf32, #tpu.memory_space<vmem>>) offsets(%dma_start3A_75 : memref<80xi32, #tpu.memory_space<vmem>>) semaphore(%arg13 : memref<!tpu.dma_semaphore, #tpu.memory_space<semaphore_mem>>)
    }
    %scan3A_24 = arith.constant 63 : i32
    %multiple_of3A_25 = arith.constant 0 : i32
    %multiple_of3A_26 = tpu.assume_multiple %multiple_of3A_25, 8 : i32
    %dma_wait3A = tpu.memref_slice %arg7[%multiple_of3A_26] : memref<10240xi32, #tpu.memory_space<vmem>> -> memref<80xi32, #tpu.memory_space<vmem>>
    %dma_wait3A_27 = arith.constant 0 : i32
    %dma_wait3A_28 = arith.constant 0 : i32
    %dma_wait3A_29 = tpu.memref_slice %arg3[%dma_wait3A_27, %dma_wait3A_28] : memref<10240x128xf32, #tpu.memory_space<hbm>> -> memref<10240x128xf32, #tpu.memory_space<hbm>>
    tpu.wait_indirect_dma semaphore(%arg12 : memref<!tpu.dma_semaphore, #tpu.memory_space<semaphore_mem>>) src(%dma_wait3A_29 : memref<10240x128xf32, #tpu.memory_space<hbm>>) dst(%arg9 : memref<80x128xf32, #tpu.memory_space<vmem>>)
    %run_scoped3A = arith.constant 126 : i32
    "tpu.region"() ({
      %run_scoped3A_44 = tpu.sem_alloc : memref<!tpu.dma_semaphore, #tpu.memory_space<semaphore_mem>>
      %dma_start3A_45 = arith.constant 0 : i32
      %dma_start3A_46 = tpu.memref_slice %arg8[%run_scoped3A, %dma_start3A_45] : memref<128x80xi32, #tpu.memory_space<vmem>> -> memref<1x80xi32, #tpu.memory_space<vmem>>
      %dma_start3A_47 = tpu.memref_squeeze %dma_start3A_46 : memref<1x80xi32, #tpu.memory_space<vmem>> -> memref<80xi32, #tpu.memory_space<vmem>>
      %dma_start3A_48 = arith.constant 0 : i32
      %dma_start3A_49 = arith.constant 0 : i32
      %dma_start3A_50 = tpu.memref_slice %arg11[%dma_start3A_48, %dma_start3A_49] : memref<10240x128xf32, #tpu.memory_space<vmem_shared>> -> memref<10240x128xf32, #tpu.memory_space<vmem_shared>>
      tpu.enqueue_indirect_dma source(%arg9 : memref<80x128xf32, #tpu.memory_space<vmem>>) target(%dma_start3A_50 : memref<10240x128xf32, #tpu.memory_space<vmem_shared>>) offsets(%dma_start3A_47 : memref<80xi32, #tpu.memory_space<vmem>>) semaphore(%run_scoped3A_44 : memref<!tpu.dma_semaphore, #tpu.memory_space<semaphore_mem>>) {add = true}
      %dma_wait3A_51 = arith.constant 0 : i32
      %dma_wait3A_52 = tpu.memref_slice %arg8[%run_scoped3A, %dma_wait3A_51] : memref<128x80xi32, #tpu.memory_space<vmem>> -> memref<1x80xi32, #tpu.memory_space<vmem>>
      %dma_wait3A_53 = tpu.memref_squeeze %dma_wait3A_52 : memref<1x80xi32, #tpu.memory_space<vmem>> -> memref<80xi32, #tpu.memory_space<vmem>>
      %dma_wait3A_54 = arith.constant 0 : i32
      %dma_wait3A_55 = arith.constant 0 : i32
      %dma_wait3A_56 = tpu.memref_slice %arg11[%dma_wait3A_54, %dma_wait3A_55] : memref<10240x128xf32, #tpu.memory_space<vmem_shared>> -> memref<10240x128xf32, #tpu.memory_space<vmem_shared>>
      tpu.wait_indirect_dma semaphore(%run_scoped3A_44 : memref<!tpu.dma_semaphore, #tpu.memory_space<semaphore_mem>>) src(%arg9 : memref<80x128xf32, #tpu.memory_space<vmem>>) dst(%dma_wait3A_56 : memref<10240x128xf32, #tpu.memory_space<vmem_shared>>)
      tpu.yield
    }) : () -> ()
    %multiple_of3A_30 = arith.constant 0 : i32
    %multiple_of3A_31 = tpu.assume_multiple %multiple_of3A_30, 8 : i32
    %dma_wait3A_32 = tpu.memref_slice %arg7[%multiple_of3A_31] : memref<10240xi32, #tpu.memory_space<vmem>> -> memref<80xi32, #tpu.memory_space<vmem>>
    %dma_wait3A_33 = arith.constant 0 : i32
    %dma_wait3A_34 = arith.constant 0 : i32
    %dma_wait3A_35 = tpu.memref_slice %arg3[%dma_wait3A_33, %dma_wait3A_34] : memref<10240x128xf32, #tpu.memory_space<hbm>> -> memref<10240x128xf32, #tpu.memory_space<hbm>>
    tpu.wait_indirect_dma semaphore(%arg13 : memref<!tpu.dma_semaphore, #tpu.memory_space<semaphore_mem>>) src(%dma_wait3A_35 : memref<10240x128xf32, #tpu.memory_space<hbm>>) dst(%arg10 : memref<80x128xf32, #tpu.memory_space<vmem>>)
    %run_scoped3A_36 = arith.constant 127 : i32
    "tpu.region"() ({
      %run_scoped3A_44 = tpu.sem_alloc : memref<!tpu.dma_semaphore, #tpu.memory_space<semaphore_mem>>
      %dma_start3A_45 = arith.constant 0 : i32
      %dma_start3A_46 = tpu.memref_slice %arg8[%run_scoped3A_36, %dma_start3A_45] : memref<128x80xi32, #tpu.memory_space<vmem>> -> memref<1x80xi32, #tpu.memory_space<vmem>>
      %dma_start3A_47 = tpu.memref_squeeze %dma_start3A_46 : memref<1x80xi32, #tpu.memory_space<vmem>> -> memref<80xi32, #tpu.memory_space<vmem>>
      %dma_start3A_48 = arith.constant 0 : i32
      %dma_start3A_49 = arith.constant 0 : i32
      %dma_start3A_50 = tpu.memref_slice %arg11[%dma_start3A_48, %dma_start3A_49] : memref<10240x128xf32, #tpu.memory_space<vmem_shared>> -> memref<10240x128xf32, #tpu.memory_space<vmem_shared>>
      tpu.enqueue_indirect_dma source(%arg10 : memref<80x128xf32, #tpu.memory_space<vmem>>) target(%dma_start3A_50 : memref<10240x128xf32, #tpu.memory_space<vmem_shared>>) offsets(%dma_start3A_47 : memref<80xi32, #tpu.memory_space<vmem>>) semaphore(%run_scoped3A_44 : memref<!tpu.dma_semaphore, #tpu.memory_space<semaphore_mem>>) {add = true}
      %dma_wait3A_51 = arith.constant 0 : i32
      %dma_wait3A_52 = tpu.memref_slice %arg8[%run_scoped3A_36, %dma_wait3A_51] : memref<128x80xi32, #tpu.memory_space<vmem>> -> memref<1x80xi32, #tpu.memory_space<vmem>>
      %dma_wait3A_53 = tpu.memref_squeeze %dma_wait3A_52 : memref<1x80xi32, #tpu.memory_space<vmem>> -> memref<80xi32, #tpu.memory_space<vmem>>
      %dma_wait3A_54 = arith.constant 0 : i32
      %dma_wait3A_55 = arith.constant 0 : i32
      %dma_wait3A_56 = tpu.memref_slice %arg11[%dma_wait3A_54, %dma_wait3A_55] : memref<10240x128xf32, #tpu.memory_space<vmem_shared>> -> memref<10240x128xf32, #tpu.memory_space<vmem_shared>>
      tpu.wait_indirect_dma semaphore(%run_scoped3A_44 : memref<!tpu.dma_semaphore, #tpu.memory_space<semaphore_mem>>) src(%arg10 : memref<80x128xf32, #tpu.memory_space<vmem>>) dst(%dma_wait3A_56 : memref<10240x128xf32, #tpu.memory_space<vmem_shared>>)
      tpu.yield
    }) : () -> ()
    %barrier3A_37 = arith.constant 0 : index
    tpu.barrier barrier_id(%barrier3A_37)
    "tpu.trace_stop"() : () -> ()
    "tpu.trace_start"() <{level = 10 : i32, message = "acc_out"}> : () -> ()
    %mul3A_38 = arith.constant 10240 : i32
    %mul3A_39 = arith.muli %arg0, %mul3A_38 : i32
    %mul3A_40 = arith.constant 640 : i32
    %mul3A_41 = arith.muli %arg1, %mul3A_40 : i32
    %add3A_42 = arith.addi %mul3A_39, %mul3A_41 : i32
    %multiple_of3A_43 = tpu.assume_multiple %add3A_42, 8 : i32
    "tpu.region"() ({
      %run_scoped3A_44 = tpu.sem_alloc : memref<!tpu.dma_semaphore, #tpu.memory_space<semaphore_mem>>
      %dma_start3A_45 = arith.constant 0 : i32
      %dma_start3A_46 = tpu.memref_slice %arg6[%multiple_of3A_43, %dma_start3A_45] : memref<20480x128xf32, #tpu.memory_space<hbm>> -> memref<640x128xf32, #tpu.memory_space<hbm>>
      %dma_start3A_47 = arith.constant 0 : i32
      %dma_start3A_48 = tpu.memref_slice %arg11[%multiple_of3A, %dma_start3A_47] : memref<10240x128xf32, #tpu.memory_space<vmem_shared>> -> memref<640x128xf32, #tpu.memory_space<vmem_shared>>
      tpu.enqueue_dma source(%dma_start3A_48 : memref<640x128xf32, #tpu.memory_space<vmem_shared>>) target(%dma_start3A_46 : memref<640x128xf32, #tpu.memory_space<hbm>>) target_semaphore(%run_scoped3A_44 : memref<!tpu.dma_semaphore, #tpu.memory_space<semaphore_mem>>)
      %dma_wait3A_49 = arith.constant 0 : i32
      %dma_wait3A_50 = tpu.memref_slice %arg6[%multiple_of3A_43, %dma_wait3A_49] : memref<20480x128xf32, #tpu.memory_space<hbm>> -> memref<640x128xf32, #tpu.memory_space<hbm>>
      %dma_wait3A_51 = arith.constant 0 : i32
      %dma_wait3A_52 = tpu.memref_slice %arg11[%multiple_of3A, %dma_wait3A_51] : memref<10240x128xf32, #tpu.memory_space<vmem_shared>> -> memref<640x128xf32, #tpu.memory_space<vmem_shared>>
      tpu.wait_dma2 semaphore(%run_scoped3A_44 : memref<!tpu.dma_semaphore, #tpu.memory_space<semaphore_mem>>) src(%dma_wait3A_52 : memref<640x128xf32, #tpu.memory_space<vmem_shared>>) dst(%dma_wait3A_50 : memref<640x128xf32, #tpu.memory_space<hbm>>)
      tpu.yield
    }) : () -> ()
    "tpu.trace_stop"() : () -> ()
    return
  }
}

#map = affine_map<(d0, d1) -> (0, 0)>
#map1 = affine_map<(d0, d1) -> (0)>
module attributes {stable_mosaic.version = 14 : i64} {
  func.func @_seg_sum_body(%arg0: i32, %arg1: i32, %arg2: memref<640x128xf32, #tpu.memory_space<hbm>>, %arg3: memref<10240x128xf32, #tpu.memory_space<hbm>>, %arg4: memref<327680xi32, #tpu.memory_space<hbm>>, %arg5: memref<4096x80xi32, #tpu.memory_space<hbm>>, %arg6: memref<20480x128xf32, #tpu.memory_space<hbm>>, %arg7: memref<10240xi32, #tpu.memory_space<vmem>>, %arg8: memref<128x80xi32, #tpu.memory_space<vmem>>, %arg9: memref<80x128xf32, #tpu.memory_space<vmem>>, %arg10: memref<80x128xf32, #tpu.memory_space<vmem>>, %arg11: memref<10240x128xf32, #tpu.memory_space<vmem_shared>>, %arg12: memref<!tpu.dma_semaphore, #tpu.memory_space<semaphore_mem>>, %arg13: memref<!tpu.dma_semaphore, #tpu.memory_space<semaphore_mem>>, %arg14: memref<!tpu.dma_semaphore, #tpu.memory_space<semaphore_mem>>) attributes {dimension_semantics = [#tpu.dimension_semantics<core_parallel>, #tpu.dimension_semantics<subcore_parallel>], iteration_bounds = array<i64: 2, 16>, scalar_prefetch = 0 : i64, scratch_operands = 8 : i64, tpu.core_type = #tpu.core_type<sc_vector_subcore>, window_params = [{transform_indices = #map}, {transform_indices = #map}, {transform_indices = #map1}, {transform_indices = #map}, {transform_indices = #map}]} {
    %mul3A = arith.constant 2 : i32
    %mul3A_0 = arith.muli %arg1, %mul3A : i32
    %add3A = arith.addi %mul3A_0, %arg0 : i32
    %mul3A_1 = arith.constant 640 : i32
    %mul3A_2 = arith.muli %arg1, %mul3A_1 : i32
    %multiple_of3A = tpu.assume_multiple %mul3A_2, 8 : i32
    "tpu.trace_start"() <{level = 10 : i32, message = "idx_load"}> : () -> ()
    %mul3A_3 = arith.constant 10240 : i32
    %mul3A_4 = arith.muli %add3A, %mul3A_3 : i32
    %multiple_of3A_5 = tpu.assume_multiple %mul3A_4, 8 : i32
    "tpu.region"() ({
      %run_scoped3A_44 = tpu.sem_alloc : memref<!tpu.dma_semaphore, #tpu.memory_space<semaphore_mem>>
      %dma_start3A_45 = tpu.memref_slice %arg4[%multiple_of3A_5] : memref<327680xi32, #tpu.memory_space<hbm>> -> memref<10240xi32, #tpu.memory_space<hbm>>
      %dma_start3A_46 = tpu.memref_slice %arg4[%multiple_of3A_5] : memref<327680xi32, #tpu.memory_space<hbm>> -> memref<10240xi32, #tpu.memory_space<hbm>>
      tpu.enqueue_dma source(%dma_start3A_46 : memref<10240xi32, #tpu.memory_space<hbm>>) target(%arg7 : memref<10240xi32, #tpu.memory_space<vmem>>) target_semaphore(%run_scoped3A_44 : memref<!tpu.dma_semaphore, #tpu.memory_space<semaphore_mem>>)
      %dma_wait3A_47 = tpu.memref_slice %arg4[%multiple_of3A_5] : memref<327680xi32, #tpu.memory_space<hbm>> -> memref<10240xi32, #tpu.memory_space<hbm>>
      %dma_wait3A_48 = tpu.memref_slice %arg4[%multiple_of3A_5] : memref<327680xi32, #tpu.memory_space<hbm>> -> memref<10240xi32, #tpu.memory_space<hbm>>
      tpu.wait_dma2 semaphore(%run_scoped3A_44 : memref<!tpu.dma_semaphore, #tpu.memory_space<semaphore_mem>>) src(%dma_wait3A_48 : memref<10240xi32, #tpu.memory_space<hbm>>) dst(%arg7 : memref<10240xi32, #tpu.memory_space<vmem>>)
      tpu.yield
    }) : () -> ()
    %mul3A_6 = arith.constant 128 : i32
    %mul3A_7 = arith.muli %add3A, %mul3A_6 : i32
    %multiple_of3A_8 = tpu.assume_multiple %mul3A_7, 8 : i32
    "tpu.region"() ({
      %run_scoped3A_44 = tpu.sem_alloc : memref<!tpu.dma_semaphore, #tpu.memory_space<semaphore_mem>>
      %dma_start3A_45 = arith.constant 0 : i32
      %dma_start3A_46 = tpu.memref_slice %arg5[%multiple_of3A_8, %dma_start3A_45] : memref<4096x80xi32, #tpu.memory_space<hbm>> -> memref<128x80xi32, #tpu.memory_space<hbm>>
      %dma_start3A_47 = arith.constant 0 : i32
      %dma_start3A_48 = tpu.memref_slice %arg5[%multiple_of3A_8, %dma_start3A_47] : memref<4096x80xi32, #tpu.memory_space<hbm>> -> memref<128x80xi32, #tpu.memory_space<hbm>>
      tpu.enqueue_dma source(%dma_start3A_48 : memref<128x80xi32, #tpu.memory_space<hbm>>) target(%arg8 : memref<128x80xi32, #tpu.memory_space<vmem>>) target_semaphore(%run_scoped3A_44 : memref<!tpu.dma_semaphore, #tpu.memory_space<semaphore_mem>>)
      %dma_wait3A_49 = arith.constant 0 : i32
      %dma_wait3A_50 = tpu.memref_slice %arg5[%multiple_of3A_8, %dma_wait3A_49] : memref<4096x80xi32, #tpu.memory_space<hbm>> -> memref<128x80xi32, #tpu.memory_space<hbm>>
      %dma_wait3A_51 = arith.constant 0 : i32
      %dma_wait3A_52 = tpu.memref_slice %arg5[%multiple_of3A_8, %dma_wait3A_51] : memref<4096x80xi32, #tpu.memory_space<hbm>> -> memref<128x80xi32, #tpu.memory_space<hbm>>
      tpu.wait_dma2 semaphore(%run_scoped3A_44 : memref<!tpu.dma_semaphore, #tpu.memory_space<semaphore_mem>>) src(%dma_wait3A_52 : memref<128x80xi32, #tpu.memory_space<hbm>>) dst(%arg8 : memref<128x80xi32, #tpu.memory_space<vmem>>)
      tpu.yield
    }) : () -> ()
    %multiple_of3A_9 = arith.constant 0 : i32
    "tpu.trace_stop"() : () -> ()
    %multiple_of3A_10 = tpu.assume_multiple %multiple_of3A_9, 8 : i32
    %dma_start3A = tpu.memref_slice %arg7[%multiple_of3A_10] : memref<10240xi32, #tpu.memory_space<vmem>> -> memref<80xi32, #tpu.memory_space<vmem>>
    %dma_start3A_11 = arith.constant 0 : i32
    %dma_start3A_12 = arith.constant 0 : i32
    %dma_start3A_13 = tpu.memref_slice %arg3[%dma_start3A_11, %dma_start3A_12] : memref<10240x128xf32, #tpu.memory_space<hbm>> -> memref<10240x128xf32, #tpu.memory_space<hbm>>
    tpu.enqueue_indirect_dma source(%dma_start3A_13 : memref<10240x128xf32, #tpu.memory_space<hbm>>) target(%arg9 : memref<80x128xf32, #tpu.memory_space<vmem>>) offsets(%dma_start3A : memref<80xi32, #tpu.memory_space<vmem>>) semaphore(%arg12 : memref<!tpu.dma_semaphore, #tpu.memory_space<semaphore_mem>>)
    %multiple_of3A_14 = arith.constant 80 : i32
    %multiple_of3A_15 = tpu.assume_multiple %multiple_of3A_14, 8 : i32
    %dma_start3A_16 = tpu.memref_slice %arg7[%multiple_of3A_15] : memref<10240xi32, #tpu.memory_space<vmem>> -> memref<80xi32, #tpu.memory_space<vmem>>
    %dma_start3A_17 = arith.constant 0 : i32
    %dma_start3A_18 = arith.constant 0 : i32
    %dma_start3A_19 = tpu.memref_slice %arg3[%dma_start3A_17, %dma_start3A_18] : memref<10240x128xf32, #tpu.memory_space<hbm>> -> memref<10240x128xf32, #tpu.memory_space<hbm>>
    tpu.enqueue_indirect_dma source(%dma_start3A_19 : memref<10240x128xf32, #tpu.memory_space<hbm>>) target(%arg10 : memref<80x128xf32, #tpu.memory_space<vmem>>) offsets(%dma_start3A_16 : memref<80xi32, #tpu.memory_space<vmem>>) semaphore(%arg13 : memref<!tpu.dma_semaphore, #tpu.memory_space<semaphore_mem>>)
    "tpu.trace_start"() <{level = 10 : i32, message = "acc_zero"}> : () -> ()
    "tpu.region"() ({
      %run_scoped3A_44 = tpu.sem_alloc : memref<!tpu.dma_semaphore, #tpu.memory_space<semaphore_mem>>
      %dma_start3A_45 = arith.constant 0 : i32
      %dma_start3A_46 = tpu.memref_slice %arg11[%multiple_of3A, %dma_start3A_45] : memref<10240x128xf32, #tpu.memory_space<vmem_shared>> -> memref<640x128xf32, #tpu.memory_space<vmem_shared>>
      tpu.enqueue_dma source(%arg2 : memref<640x128xf32, #tpu.memory_space<hbm>>) target(%dma_start3A_46 : memref<640x128xf32, #tpu.memory_space<vmem_shared>>) target_semaphore(%run_scoped3A_44 : memref<!tpu.dma_semaphore, #tpu.memory_space<semaphore_mem>>)
      %dma_wait3A_47 = arith.constant 0 : i32
      %dma_wait3A_48 = tpu.memref_slice %arg11[%multiple_of3A, %dma_wait3A_47] : memref<10240x128xf32, #tpu.memory_space<vmem_shared>> -> memref<640x128xf32, #tpu.memory_space<vmem_shared>>
      tpu.wait_dma2 semaphore(%run_scoped3A_44 : memref<!tpu.dma_semaphore, #tpu.memory_space<semaphore_mem>>) src(%arg2 : memref<640x128xf32, #tpu.memory_space<hbm>>) dst(%dma_wait3A_48 : memref<640x128xf32, #tpu.memory_space<vmem_shared>>)
      tpu.yield
    }) : () -> ()
    %barrier3A = arith.constant 0 : index
    tpu.barrier barrier_id(%barrier3A)
    "tpu.trace_stop"() : () -> ()
    "tpu.trace_start"() <{level = 10 : i32, message = "edge_loop"}> : () -> ()
    %scan3A = arith.constant 0 : i32
    %scan3A_20 = arith.constant 0 : i32
    %scan3A_21 = arith.constant 63 : i32
    %scan3A_22 = arith.addi %scan3A_20, %scan3A_21 : i32
    %scan3A_23 = arith.constant 1 : i32
    scf.for %scan3A_44 = %scan3A_20 to %scan3A_22 step %scan3A_23  : i32 {
      %mul3A_45 = arith.constant 2 : i32
      %mul3A_46 = arith.muli %mul3A_45, %scan3A_44 : i32
      %multiple_of3A_47 = arith.constant 0 : i32
      %multiple_of3A_48 = tpu.assume_multiple %multiple_of3A_47, 8 : i32
      %dma_wait3A_49 = tpu.memref_slice %arg7[%multiple_of3A_48] : memref<10240xi32, #tpu.memory_space<vmem>> -> memref<80xi32, #tpu.memory_space<vmem>>
      %dma_wait3A_50 = arith.constant 0 : i32
      %dma_wait3A_51 = arith.constant 0 : i32
      %dma_wait3A_52 = tpu.memref_slice %arg3[%dma_wait3A_50, %dma_wait3A_51] : memref<10240x128xf32, #tpu.memory_space<hbm>> -> memref<10240x128xf32, #tpu.memory_space<hbm>>
      tpu.wait_indirect_dma semaphore(%arg12 : memref<!tpu.dma_semaphore, #tpu.memory_space<semaphore_mem>>) src(%dma_wait3A_52 : memref<10240x128xf32, #tpu.memory_space<hbm>>) dst(%arg9 : memref<80x128xf32, #tpu.memory_space<vmem>>)
      "tpu.region"() ({
        %run_scoped3A_79 = tpu.sem_alloc : memref<!tpu.dma_semaphore, #tpu.memory_space<semaphore_mem>>
        %dma_start3A_80 = arith.constant 0 : i32
        %dma_start3A_81 = tpu.memref_slice %arg8[%mul3A_46, %dma_start3A_80] : memref<128x80xi32, #tpu.memory_space<vmem>> -> memref<1x80xi32, #tpu.memory_space<vmem>>
        %dma_start3A_82 = tpu.memref_squeeze %dma_start3A_81 : memref<1x80xi32, #tpu.memory_space<vmem>> -> memref<80xi32, #tpu.memory_space<vmem>>
        %dma_start3A_83 = arith.constant 0 : i32
        %dma_start3A_84 = arith.constant 0 : i32
        %dma_start3A_85 = tpu.memref_slice %arg11[%dma_start3A_83, %dma_start3A_84] : memref<10240x128xf32, #tpu.memory_space<vmem_shared>> -> memref<10240x128xf32, #tpu.memory_space<vmem_shared>>
        tpu.enqueue_indirect_dma source(%arg9 : memref<80x128xf32, #tpu.memory_space<vmem>>) target(%dma_start3A_85 : memref<10240x128xf32, #tpu.memory_space<vmem_shared>>) offsets(%dma_start3A_82 : memref<80xi32, #tpu.memory_space<vmem>>) semaphore(%run_scoped3A_79 : memref<!tpu.dma_semaphore, #tpu.memory_space<semaphore_mem>>) {add = true}
        %dma_wait3A_86 = arith.constant 0 : i32
        %dma_wait3A_87 = tpu.memref_slice %arg8[%mul3A_46, %dma_wait3A_86] : memref<128x80xi32, #tpu.memory_space<vmem>> -> memref<1x80xi32, #tpu.memory_space<vmem>>
        %dma_wait3A_88 = tpu.memref_squeeze %dma_wait3A_87 : memref<1x80xi32, #tpu.memory_space<vmem>> -> memref<80xi32, #tpu.memory_space<vmem>>
        %dma_wait3A_89 = arith.constant 0 : i32
        %dma_wait3A_90 = arith.constant 0 : i32
        %dma_wait3A_91 = tpu.memref_slice %arg11[%dma_wait3A_89, %dma_wait3A_90] : memref<10240x128xf32, #tpu.memory_space<vmem_shared>> -> memref<10240x128xf32, #tpu.memory_space<vmem_shared>>
        tpu.wait_indirect_dma semaphore(%run_scoped3A_79 : memref<!tpu.dma_semaphore, #tpu.memory_space<semaphore_mem>>) src(%arg9 : memref<80x128xf32, #tpu.memory_space<vmem>>) dst(%dma_wait3A_91 : memref<10240x128xf32, #tpu.memory_space<vmem_shared>>)
        tpu.yield
      }) : () -> ()
      %add3A_53 = arith.constant 2 : i32
      %add3A_54 = arith.addi %mul3A_46, %add3A_53 : i32
      %mul3A_55 = arith.constant 80 : i32
      %mul3A_56 = arith.muli %add3A_54, %mul3A_55 : i32
      %multiple_of3A_57 = tpu.assume_multiple %mul3A_56, 8 : i32
      %dma_start3A_58 = tpu.memref_slice %arg7[%multiple_of3A_57] : memref<10240xi32, #tpu.memory_space<vmem>> -> memref<80xi32, #tpu.memory_space<vmem>>
      %dma_start3A_59 = arith.constant 0 : i32
      %dma_start3A_60 = arith.constant 0 : i32
      %dma_start3A_61 = tpu.memref_slice %arg3[%dma_start3A_59, %dma_start3A_60] : memref<10240x128xf32, #tpu.memory_space<hbm>> -> memref<10240x128xf32, #tpu.memory_space<hbm>>
      tpu.enqueue_indirect_dma source(%dma_start3A_61 : memref<10240x128xf32, #tpu.memory_space<hbm>>) target(%arg9 : memref<80x128xf32, #tpu.memory_space<vmem>>) offsets(%dma_start3A_58 : memref<80xi32, #tpu.memory_space<vmem>>) semaphore(%arg12 : memref<!tpu.dma_semaphore, #tpu.memory_space<semaphore_mem>>)
      %multiple_of3A_62 = arith.constant 0 : i32
      %multiple_of3A_63 = tpu.assume_multiple %multiple_of3A_62, 8 : i32
      %dma_wait3A_64 = tpu.memref_slice %arg7[%multiple_of3A_63] : memref<10240xi32, #tpu.memory_space<vmem>> -> memref<80xi32, #tpu.memory_space<vmem>>
      %dma_wait3A_65 = arith.constant 0 : i32
      %dma_wait3A_66 = arith.constant 0 : i32
      %dma_wait3A_67 = tpu.memref_slice %arg3[%dma_wait3A_65, %dma_wait3A_66] : memref<10240x128xf32, #tpu.memory_space<hbm>> -> memref<10240x128xf32, #tpu.memory_space<hbm>>
      tpu.wait_indirect_dma semaphore(%arg13 : memref<!tpu.dma_semaphore, #tpu.memory_space<semaphore_mem>>) src(%dma_wait3A_67 : memref<10240x128xf32, #tpu.memory_space<hbm>>) dst(%arg10 : memref<80x128xf32, #tpu.memory_space<vmem>>)
      %add3A_68 = arith.constant 1 : i32
      %add3A_69 = arith.addi %mul3A_46, %add3A_68 : i32
      "tpu.region"() ({
        %run_scoped3A_79 = tpu.sem_alloc : memref<!tpu.dma_semaphore, #tpu.memory_space<semaphore_mem>>
        %dma_start3A_80 = arith.constant 0 : i32
        %dma_start3A_81 = tpu.memref_slice %arg8[%add3A_69, %dma_start3A_80] : memref<128x80xi32, #tpu.memory_space<vmem>> -> memref<1x80xi32, #tpu.memory_space<vmem>>
        %dma_start3A_82 = tpu.memref_squeeze %dma_start3A_81 : memref<1x80xi32, #tpu.memory_space<vmem>> -> memref<80xi32, #tpu.memory_space<vmem>>
        %dma_start3A_83 = arith.constant 0 : i32
        %dma_start3A_84 = arith.constant 0 : i32
        %dma_start3A_85 = tpu.memref_slice %arg11[%dma_start3A_83, %dma_start3A_84] : memref<10240x128xf32, #tpu.memory_space<vmem_shared>> -> memref<10240x128xf32, #tpu.memory_space<vmem_shared>>
        tpu.enqueue_indirect_dma source(%arg10 : memref<80x128xf32, #tpu.memory_space<vmem>>) target(%dma_start3A_85 : memref<10240x128xf32, #tpu.memory_space<vmem_shared>>) offsets(%dma_start3A_82 : memref<80xi32, #tpu.memory_space<vmem>>) semaphore(%run_scoped3A_79 : memref<!tpu.dma_semaphore, #tpu.memory_space<semaphore_mem>>) {add = true}
        %dma_wait3A_86 = arith.constant 0 : i32
        %dma_wait3A_87 = tpu.memref_slice %arg8[%add3A_69, %dma_wait3A_86] : memref<128x80xi32, #tpu.memory_space<vmem>> -> memref<1x80xi32, #tpu.memory_space<vmem>>
        %dma_wait3A_88 = tpu.memref_squeeze %dma_wait3A_87 : memref<1x80xi32, #tpu.memory_space<vmem>> -> memref<80xi32, #tpu.memory_space<vmem>>
        %dma_wait3A_89 = arith.constant 0 : i32
        %dma_wait3A_90 = arith.constant 0 : i32
        %dma_wait3A_91 = tpu.memref_slice %arg11[%dma_wait3A_89, %dma_wait3A_90] : memref<10240x128xf32, #tpu.memory_space<vmem_shared>> -> memref<10240x128xf32, #tpu.memory_space<vmem_shared>>
        tpu.wait_indirect_dma semaphore(%run_scoped3A_79 : memref<!tpu.dma_semaphore, #tpu.memory_space<semaphore_mem>>) src(%arg10 : memref<80x128xf32, #tpu.memory_space<vmem>>) dst(%dma_wait3A_91 : memref<10240x128xf32, #tpu.memory_space<vmem_shared>>)
        tpu.yield
      }) : () -> ()
      %add3A_70 = arith.constant 3 : i32
      %add3A_71 = arith.addi %mul3A_46, %add3A_70 : i32
      %mul3A_72 = arith.constant 80 : i32
      %mul3A_73 = arith.muli %add3A_71, %mul3A_72 : i32
      %multiple_of3A_74 = tpu.assume_multiple %mul3A_73, 8 : i32
      %dma_start3A_75 = tpu.memref_slice %arg7[%multiple_of3A_74] : memref<10240xi32, #tpu.memory_space<vmem>> -> memref<80xi32, #tpu.memory_space<vmem>>
      %dma_start3A_76 = arith.constant 0 : i32
      %dma_start3A_77 = arith.constant 0 : i32
      %dma_start3A_78 = tpu.memref_slice %arg3[%dma_start3A_76, %dma_start3A_77] : memref<10240x128xf32, #tpu.memory_space<hbm>> -> memref<10240x128xf32, #tpu.memory_space<hbm>>
      tpu.enqueue_indirect_dma source(%dma_start3A_78 : memref<10240x128xf32, #tpu.memory_space<hbm>>) target(%arg10 : memref<80x128xf32, #tpu.memory_space<vmem>>) offsets(%dma_start3A_75 : memref<80xi32, #tpu.memory_space<vmem>>) semaphore(%arg13 : memref<!tpu.dma_semaphore, #tpu.memory_space<semaphore_mem>>)
    }
    %scan3A_24 = arith.constant 63 : i32
    %multiple_of3A_25 = arith.constant 0 : i32
    %multiple_of3A_26 = tpu.assume_multiple %multiple_of3A_25, 8 : i32
    %dma_wait3A = tpu.memref_slice %arg7[%multiple_of3A_26] : memref<10240xi32, #tpu.memory_space<vmem>> -> memref<80xi32, #tpu.memory_space<vmem>>
    %dma_wait3A_27 = arith.constant 0 : i32
    %dma_wait3A_28 = arith.constant 0 : i32
    %dma_wait3A_29 = tpu.memref_slice %arg3[%dma_wait3A_27, %dma_wait3A_28] : memref<10240x128xf32, #tpu.memory_space<hbm>> -> memref<10240x128xf32, #tpu.memory_space<hbm>>
    tpu.wait_indirect_dma semaphore(%arg12 : memref<!tpu.dma_semaphore, #tpu.memory_space<semaphore_mem>>) src(%dma_wait3A_29 : memref<10240x128xf32, #tpu.memory_space<hbm>>) dst(%arg9 : memref<80x128xf32, #tpu.memory_space<vmem>>)
    %run_scoped3A = arith.constant 126 : i32
    "tpu.region"() ({
      %run_scoped3A_44 = tpu.sem_alloc : memref<!tpu.dma_semaphore, #tpu.memory_space<semaphore_mem>>
      %dma_start3A_45 = arith.constant 0 : i32
      %dma_start3A_46 = tpu.memref_slice %arg8[%run_scoped3A, %dma_start3A_45] : memref<128x80xi32, #tpu.memory_space<vmem>> -> memref<1x80xi32, #tpu.memory_space<vmem>>
      %dma_start3A_47 = tpu.memref_squeeze %dma_start3A_46 : memref<1x80xi32, #tpu.memory_space<vmem>> -> memref<80xi32, #tpu.memory_space<vmem>>
      %dma_start3A_48 = arith.constant 0 : i32
      %dma_start3A_49 = arith.constant 0 : i32
      %dma_start3A_50 = tpu.memref_slice %arg11[%dma_start3A_48, %dma_start3A_49] : memref<10240x128xf32, #tpu.memory_space<vmem_shared>> -> memref<10240x128xf32, #tpu.memory_space<vmem_shared>>
      tpu.enqueue_indirect_dma source(%arg9 : memref<80x128xf32, #tpu.memory_space<vmem>>) target(%dma_start3A_50 : memref<10240x128xf32, #tpu.memory_space<vmem_shared>>) offsets(%dma_start3A_47 : memref<80xi32, #tpu.memory_space<vmem>>) semaphore(%run_scoped3A_44 : memref<!tpu.dma_semaphore, #tpu.memory_space<semaphore_mem>>) {add = true}
      %dma_wait3A_51 = arith.constant 0 : i32
      %dma_wait3A_52 = tpu.memref_slice %arg8[%run_scoped3A, %dma_wait3A_51] : memref<128x80xi32, #tpu.memory_space<vmem>> -> memref<1x80xi32, #tpu.memory_space<vmem>>
      %dma_wait3A_53 = tpu.memref_squeeze %dma_wait3A_52 : memref<1x80xi32, #tpu.memory_space<vmem>> -> memref<80xi32, #tpu.memory_space<vmem>>
      %dma_wait3A_54 = arith.constant 0 : i32
      %dma_wait3A_55 = arith.constant 0 : i32
      %dma_wait3A_56 = tpu.memref_slice %arg11[%dma_wait3A_54, %dma_wait3A_55] : memref<10240x128xf32, #tpu.memory_space<vmem_shared>> -> memref<10240x128xf32, #tpu.memory_space<vmem_shared>>
      tpu.wait_indirect_dma semaphore(%run_scoped3A_44 : memref<!tpu.dma_semaphore, #tpu.memory_space<semaphore_mem>>) src(%arg9 : memref<80x128xf32, #tpu.memory_space<vmem>>) dst(%dma_wait3A_56 : memref<10240x128xf32, #tpu.memory_space<vmem_shared>>)
      tpu.yield
    }) : () -> ()
    %multiple_of3A_30 = arith.constant 0 : i32
    %multiple_of3A_31 = tpu.assume_multiple %multiple_of3A_30, 8 : i32
    %dma_wait3A_32 = tpu.memref_slice %arg7[%multiple_of3A_31] : memref<10240xi32, #tpu.memory_space<vmem>> -> memref<80xi32, #tpu.memory_space<vmem>>
    %dma_wait3A_33 = arith.constant 0 : i32
    %dma_wait3A_34 = arith.constant 0 : i32
    %dma_wait3A_35 = tpu.memref_slice %arg3[%dma_wait3A_33, %dma_wait3A_34] : memref<10240x128xf32, #tpu.memory_space<hbm>> -> memref<10240x128xf32, #tpu.memory_space<hbm>>
    tpu.wait_indirect_dma semaphore(%arg13 : memref<!tpu.dma_semaphore, #tpu.memory_space<semaphore_mem>>) src(%dma_wait3A_35 : memref<10240x128xf32, #tpu.memory_space<hbm>>) dst(%arg10 : memref<80x128xf32, #tpu.memory_space<vmem>>)
    %run_scoped3A_36 = arith.constant 127 : i32
    "tpu.region"() ({
      %run_scoped3A_44 = tpu.sem_alloc : memref<!tpu.dma_semaphore, #tpu.memory_space<semaphore_mem>>
      %dma_start3A_45 = arith.constant 0 : i32
      %dma_start3A_46 = tpu.memref_slice %arg8[%run_scoped3A_36, %dma_start3A_45] : memref<128x80xi32, #tpu.memory_space<vmem>> -> memref<1x80xi32, #tpu.memory_space<vmem>>
      %dma_start3A_47 = tpu.memref_squeeze %dma_start3A_46 : memref<1x80xi32, #tpu.memory_space<vmem>> -> memref<80xi32, #tpu.memory_space<vmem>>
      %dma_start3A_48 = arith.constant 0 : i32
      %dma_start3A_49 = arith.constant 0 : i32
      %dma_start3A_50 = tpu.memref_slice %arg11[%dma_start3A_48, %dma_start3A_49] : memref<10240x128xf32, #tpu.memory_space<vmem_shared>> -> memref<10240x128xf32, #tpu.memory_space<vmem_shared>>
      tpu.enqueue_indirect_dma source(%arg10 : memref<80x128xf32, #tpu.memory_space<vmem>>) target(%dma_start3A_50 : memref<10240x128xf32, #tpu.memory_space<vmem_shared>>) offsets(%dma_start3A_47 : memref<80xi32, #tpu.memory_space<vmem>>) semaphore(%run_scoped3A_44 : memref<!tpu.dma_semaphore, #tpu.memory_space<semaphore_mem>>) {add = true}
      %dma_wait3A_51 = arith.constant 0 : i32
      %dma_wait3A_52 = tpu.memref_slice %arg8[%run_scoped3A_36, %dma_wait3A_51] : memref<128x80xi32, #tpu.memory_space<vmem>> -> memref<1x80xi32, #tpu.memory_space<vmem>>
      %dma_wait3A_53 = tpu.memref_squeeze %dma_wait3A_52 : memref<1x80xi32, #tpu.memory_space<vmem>> -> memref<80xi32, #tpu.memory_space<vmem>>
      %dma_wait3A_54 = arith.constant 0 : i32
      %dma_wait3A_55 = arith.constant 0 : i32
      %dma_wait3A_56 = tpu.memref_slice %arg11[%dma_wait3A_54, %dma_wait3A_55] : memref<10240x128xf32, #tpu.memory_space<vmem_shared>> -> memref<10240x128xf32, #tpu.memory_space<vmem_shared>>
      tpu.wait_indirect_dma semaphore(%run_scoped3A_44 : memref<!tpu.dma_semaphore, #tpu.memory_space<semaphore_mem>>) src(%arg10 : memref<80x128xf32, #tpu.memory_space<vmem>>) dst(%dma_wait3A_56 : memref<10240x128xf32, #tpu.memory_space<vmem_shared>>)
      tpu.yield
    }) : () -> ()
    %barrier3A_37 = arith.constant 0 : index
    tpu.barrier barrier_id(%barrier3A_37)
    "tpu.trace_stop"() : () -> ()
    "tpu.trace_start"() <{level = 10 : i32, message = "acc_out"}> : () -> ()
    %mul3A_38 = arith.constant 10240 : i32
    %mul3A_39 = arith.muli %arg0, %mul3A_38 : i32
    %mul3A_40 = arith.constant 640 : i32
    %mul3A_41 = arith.muli %arg1, %mul3A_40 : i32
    %add3A_42 = arith.addi %mul3A_39, %mul3A_41 : i32
    %multiple_of3A_43 = tpu.assume_multiple %add3A_42, 8 : i32
    "tpu.region"() ({
      %run_scoped3A_44 = tpu.sem_alloc : memref<!tpu.dma_semaphore, #tpu.memory_space<semaphore_mem>>
      %dma_start3A_45 = arith.constant 0 : i32
      %dma_start3A_46 = tpu.memref_slice %arg6[%multiple_of3A_43, %dma_start3A_45] : memref<20480x128xf32, #tpu.memory_space<hbm>> -> memref<640x128xf32, #tpu.memory_space<hbm>>
      %dma_start3A_47 = arith.constant 0 : i32
      %dma_start3A_48 = tpu.memref_slice %arg11[%multiple_of3A, %dma_start3A_47] : memref<10240x128xf32, #tpu.memory_space<vmem_shared>> -> memref<640x128xf32, #tpu.memory_space<vmem_shared>>
      tpu.enqueue_dma source(%dma_start3A_48 : memref<640x128xf32, #tpu.memory_space<vmem_shared>>) target(%dma_start3A_46 : memref<640x128xf32, #tpu.memory_space<hbm>>) target_semaphore(%run_scoped3A_44 : memref<!tpu.dma_semaphore, #tpu.memory_space<semaphore_mem>>)
      %dma_wait3A_49 = arith.constant 0 : i32
      %dma_wait3A_50 = tpu.memref_slice %arg6[%multiple_of3A_43, %dma_wait3A_49] : memref<20480x128xf32, #tpu.memory_space<hbm>> -> memref<640x128xf32, #tpu.memory_space<hbm>>
      %dma_wait3A_51 = arith.constant 0 : i32
      %dma_wait3A_52 = tpu.memref_slice %arg11[%multiple_of3A, %dma_wait3A_51] : memref<10240x128xf32, #tpu.memory_space<vmem_shared>> -> memref<640x128xf32, #tpu.memory_space<vmem_shared>>
      tpu.wait_dma2 semaphore(%run_scoped3A_44 : memref<!tpu.dma_semaphore, #tpu.memory_space<semaphore_mem>>) src(%dma_wait3A_52 : memref<640x128xf32, #tpu.memory_space<vmem_shared>>) dst(%dma_wait3A_50 : memref<640x128xf32, #tpu.memory_space<hbm>>)
      tpu.yield
    }) : () -> ()
    "tpu.trace_stop"() : () -> ()
    return
  }
}

#map = affine_map<(d0, d1) -> (0, 0)>
#map1 = affine_map<(d0, d1) -> (0)>
module attributes {stable_mosaic.version = 14 : i64} {
  func.func @_seg_sum_body(%arg0: i32, %arg1: i32, %arg2: memref<640x128xf32, #tpu.memory_space<hbm>>, %arg3: memref<10240x128xf32, #tpu.memory_space<hbm>>, %arg4: memref<327680xi32, #tpu.memory_space<hbm>>, %arg5: memref<4096x80xi32, #tpu.memory_space<hbm>>, %arg6: memref<20480x128xf32, #tpu.memory_space<hbm>>, %arg7: memref<10240xi32, #tpu.memory_space<vmem>>, %arg8: memref<128x80xi32, #tpu.memory_space<vmem>>, %arg9: memref<80x128xf32, #tpu.memory_space<vmem>>, %arg10: memref<80x128xf32, #tpu.memory_space<vmem>>, %arg11: memref<10240x128xf32, #tpu.memory_space<vmem_shared>>, %arg12: memref<!tpu.dma_semaphore, #tpu.memory_space<semaphore_mem>>, %arg13: memref<!tpu.dma_semaphore, #tpu.memory_space<semaphore_mem>>, %arg14: memref<!tpu.dma_semaphore, #tpu.memory_space<semaphore_mem>>) attributes {dimension_semantics = [#tpu.dimension_semantics<core_parallel>, #tpu.dimension_semantics<subcore_parallel>], iteration_bounds = array<i64: 2, 16>, scalar_prefetch = 0 : i64, scratch_operands = 8 : i64, tpu.core_type = #tpu.core_type<sc_vector_subcore>, window_params = [{transform_indices = #map}, {transform_indices = #map}, {transform_indices = #map1}, {transform_indices = #map}, {transform_indices = #map}]} {
    %mul3A = arith.constant 2 : i32
    %mul3A_0 = arith.muli %arg1, %mul3A : i32
    %add3A = arith.addi %mul3A_0, %arg0 : i32
    %mul3A_1 = arith.constant 640 : i32
    %mul3A_2 = arith.muli %arg1, %mul3A_1 : i32
    %multiple_of3A = tpu.assume_multiple %mul3A_2, 8 : i32
    "tpu.trace_start"() <{level = 10 : i32, message = "idx_load"}> : () -> ()
    %mul3A_3 = arith.constant 10240 : i32
    %mul3A_4 = arith.muli %add3A, %mul3A_3 : i32
    %multiple_of3A_5 = tpu.assume_multiple %mul3A_4, 8 : i32
    "tpu.region"() ({
      %run_scoped3A_44 = tpu.sem_alloc : memref<!tpu.dma_semaphore, #tpu.memory_space<semaphore_mem>>
      %dma_start3A_45 = tpu.memref_slice %arg4[%multiple_of3A_5] : memref<327680xi32, #tpu.memory_space<hbm>> -> memref<10240xi32, #tpu.memory_space<hbm>>
      %dma_start3A_46 = tpu.memref_slice %arg4[%multiple_of3A_5] : memref<327680xi32, #tpu.memory_space<hbm>> -> memref<10240xi32, #tpu.memory_space<hbm>>
      tpu.enqueue_dma source(%dma_start3A_46 : memref<10240xi32, #tpu.memory_space<hbm>>) target(%arg7 : memref<10240xi32, #tpu.memory_space<vmem>>) target_semaphore(%run_scoped3A_44 : memref<!tpu.dma_semaphore, #tpu.memory_space<semaphore_mem>>)
      %dma_wait3A_47 = tpu.memref_slice %arg4[%multiple_of3A_5] : memref<327680xi32, #tpu.memory_space<hbm>> -> memref<10240xi32, #tpu.memory_space<hbm>>
      %dma_wait3A_48 = tpu.memref_slice %arg4[%multiple_of3A_5] : memref<327680xi32, #tpu.memory_space<hbm>> -> memref<10240xi32, #tpu.memory_space<hbm>>
      tpu.wait_dma2 semaphore(%run_scoped3A_44 : memref<!tpu.dma_semaphore, #tpu.memory_space<semaphore_mem>>) src(%dma_wait3A_48 : memref<10240xi32, #tpu.memory_space<hbm>>) dst(%arg7 : memref<10240xi32, #tpu.memory_space<vmem>>)
      tpu.yield
    }) : () -> ()
    %mul3A_6 = arith.constant 128 : i32
    %mul3A_7 = arith.muli %add3A, %mul3A_6 : i32
    %multiple_of3A_8 = tpu.assume_multiple %mul3A_7, 8 : i32
    "tpu.region"() ({
      %run_scoped3A_44 = tpu.sem_alloc : memref<!tpu.dma_semaphore, #tpu.memory_space<semaphore_mem>>
      %dma_start3A_45 = arith.constant 0 : i32
      %dma_start3A_46 = tpu.memref_slice %arg5[%multiple_of3A_8, %dma_start3A_45] : memref<4096x80xi32, #tpu.memory_space<hbm>> -> memref<128x80xi32, #tpu.memory_space<hbm>>
      %dma_start3A_47 = arith.constant 0 : i32
      %dma_start3A_48 = tpu.memref_slice %arg5[%multiple_of3A_8, %dma_start3A_47] : memref<4096x80xi32, #tpu.memory_space<hbm>> -> memref<128x80xi32, #tpu.memory_space<hbm>>
      tpu.enqueue_dma source(%dma_start3A_48 : memref<128x80xi32, #tpu.memory_space<hbm>>) target(%arg8 : memref<128x80xi32, #tpu.memory_space<vmem>>) target_semaphore(%run_scoped3A_44 : memref<!tpu.dma_semaphore, #tpu.memory_space<semaphore_mem>>)
      %dma_wait3A_49 = arith.constant 0 : i32
      %dma_wait3A_50 = tpu.memref_slice %arg5[%multiple_of3A_8, %dma_wait3A_49] : memref<4096x80xi32, #tpu.memory_space<hbm>> -> memref<128x80xi32, #tpu.memory_space<hbm>>
      %dma_wait3A_51 = arith.constant 0 : i32
      %dma_wait3A_52 = tpu.memref_slice %arg5[%multiple_of3A_8, %dma_wait3A_51] : memref<4096x80xi32, #tpu.memory_space<hbm>> -> memref<128x80xi32, #tpu.memory_space<hbm>>
      tpu.wait_dma2 semaphore(%run_scoped3A_44 : memref<!tpu.dma_semaphore, #tpu.memory_space<semaphore_mem>>) src(%dma_wait3A_52 : memref<128x80xi32, #tpu.memory_space<hbm>>) dst(%arg8 : memref<128x80xi32, #tpu.memory_space<vmem>>)
      tpu.yield
    }) : () -> ()
    %multiple_of3A_9 = arith.constant 0 : i32
    "tpu.trace_stop"() : () -> ()
    %multiple_of3A_10 = tpu.assume_multiple %multiple_of3A_9, 8 : i32
    %dma_start3A = tpu.memref_slice %arg7[%multiple_of3A_10] : memref<10240xi32, #tpu.memory_space<vmem>> -> memref<80xi32, #tpu.memory_space<vmem>>
    %dma_start3A_11 = arith.constant 0 : i32
    %dma_start3A_12 = arith.constant 0 : i32
    %dma_start3A_13 = tpu.memref_slice %arg3[%dma_start3A_11, %dma_start3A_12] : memref<10240x128xf32, #tpu.memory_space<hbm>> -> memref<10240x128xf32, #tpu.memory_space<hbm>>
    tpu.enqueue_indirect_dma source(%dma_start3A_13 : memref<10240x128xf32, #tpu.memory_space<hbm>>) target(%arg9 : memref<80x128xf32, #tpu.memory_space<vmem>>) offsets(%dma_start3A : memref<80xi32, #tpu.memory_space<vmem>>) semaphore(%arg12 : memref<!tpu.dma_semaphore, #tpu.memory_space<semaphore_mem>>)
    %multiple_of3A_14 = arith.constant 80 : i32
    %multiple_of3A_15 = tpu.assume_multiple %multiple_of3A_14, 8 : i32
    %dma_start3A_16 = tpu.memref_slice %arg7[%multiple_of3A_15] : memref<10240xi32, #tpu.memory_space<vmem>> -> memref<80xi32, #tpu.memory_space<vmem>>
    %dma_start3A_17 = arith.constant 0 : i32
    %dma_start3A_18 = arith.constant 0 : i32
    %dma_start3A_19 = tpu.memref_slice %arg3[%dma_start3A_17, %dma_start3A_18] : memref<10240x128xf32, #tpu.memory_space<hbm>> -> memref<10240x128xf32, #tpu.memory_space<hbm>>
    tpu.enqueue_indirect_dma source(%dma_start3A_19 : memref<10240x128xf32, #tpu.memory_space<hbm>>) target(%arg10 : memref<80x128xf32, #tpu.memory_space<vmem>>) offsets(%dma_start3A_16 : memref<80xi32, #tpu.memory_space<vmem>>) semaphore(%arg13 : memref<!tpu.dma_semaphore, #tpu.memory_space<semaphore_mem>>)
    "tpu.trace_start"() <{level = 10 : i32, message = "acc_zero"}> : () -> ()
    "tpu.region"() ({
      %run_scoped3A_44 = tpu.sem_alloc : memref<!tpu.dma_semaphore, #tpu.memory_space<semaphore_mem>>
      %dma_start3A_45 = arith.constant 0 : i32
      %dma_start3A_46 = tpu.memref_slice %arg11[%multiple_of3A, %dma_start3A_45] : memref<10240x128xf32, #tpu.memory_space<vmem_shared>> -> memref<640x128xf32, #tpu.memory_space<vmem_shared>>
      tpu.enqueue_dma source(%arg2 : memref<640x128xf32, #tpu.memory_space<hbm>>) target(%dma_start3A_46 : memref<640x128xf32, #tpu.memory_space<vmem_shared>>) target_semaphore(%run_scoped3A_44 : memref<!tpu.dma_semaphore, #tpu.memory_space<semaphore_mem>>)
      %dma_wait3A_47 = arith.constant 0 : i32
      %dma_wait3A_48 = tpu.memref_slice %arg11[%multiple_of3A, %dma_wait3A_47] : memref<10240x128xf32, #tpu.memory_space<vmem_shared>> -> memref<640x128xf32, #tpu.memory_space<vmem_shared>>
      tpu.wait_dma2 semaphore(%run_scoped3A_44 : memref<!tpu.dma_semaphore, #tpu.memory_space<semaphore_mem>>) src(%arg2 : memref<640x128xf32, #tpu.memory_space<hbm>>) dst(%dma_wait3A_48 : memref<640x128xf32, #tpu.memory_space<vmem_shared>>)
      tpu.yield
    }) : () -> ()
    %barrier3A = arith.constant 0 : index
    tpu.barrier barrier_id(%barrier3A)
    "tpu.trace_stop"() : () -> ()
    "tpu.trace_start"() <{level = 10 : i32, message = "edge_loop"}> : () -> ()
    %scan3A = arith.constant 0 : i32
    %scan3A_20 = arith.constant 0 : i32
    %scan3A_21 = arith.constant 63 : i32
    %scan3A_22 = arith.addi %scan3A_20, %scan3A_21 : i32
    %scan3A_23 = arith.constant 1 : i32
    scf.for %scan3A_44 = %scan3A_20 to %scan3A_22 step %scan3A_23  : i32 {
      %mul3A_45 = arith.constant 2 : i32
      %mul3A_46 = arith.muli %mul3A_45, %scan3A_44 : i32
      %multiple_of3A_47 = arith.constant 0 : i32
      %multiple_of3A_48 = tpu.assume_multiple %multiple_of3A_47, 8 : i32
      %dma_wait3A_49 = tpu.memref_slice %arg7[%multiple_of3A_48] : memref<10240xi32, #tpu.memory_space<vmem>> -> memref<80xi32, #tpu.memory_space<vmem>>
      %dma_wait3A_50 = arith.constant 0 : i32
      %dma_wait3A_51 = arith.constant 0 : i32
      %dma_wait3A_52 = tpu.memref_slice %arg3[%dma_wait3A_50, %dma_wait3A_51] : memref<10240x128xf32, #tpu.memory_space<hbm>> -> memref<10240x128xf32, #tpu.memory_space<hbm>>
      tpu.wait_indirect_dma semaphore(%arg12 : memref<!tpu.dma_semaphore, #tpu.memory_space<semaphore_mem>>) src(%dma_wait3A_52 : memref<10240x128xf32, #tpu.memory_space<hbm>>) dst(%arg9 : memref<80x128xf32, #tpu.memory_space<vmem>>)
      "tpu.region"() ({
        %run_scoped3A_79 = tpu.sem_alloc : memref<!tpu.dma_semaphore, #tpu.memory_space<semaphore_mem>>
        %dma_start3A_80 = arith.constant 0 : i32
        %dma_start3A_81 = tpu.memref_slice %arg8[%mul3A_46, %dma_start3A_80] : memref<128x80xi32, #tpu.memory_space<vmem>> -> memref<1x80xi32, #tpu.memory_space<vmem>>
        %dma_start3A_82 = tpu.memref_squeeze %dma_start3A_81 : memref<1x80xi32, #tpu.memory_space<vmem>> -> memref<80xi32, #tpu.memory_space<vmem>>
        %dma_start3A_83 = arith.constant 0 : i32
        %dma_start3A_84 = arith.constant 0 : i32
        %dma_start3A_85 = tpu.memref_slice %arg11[%dma_start3A_83, %dma_start3A_84] : memref<10240x128xf32, #tpu.memory_space<vmem_shared>> -> memref<10240x128xf32, #tpu.memory_space<vmem_shared>>
        tpu.enqueue_indirect_dma source(%arg9 : memref<80x128xf32, #tpu.memory_space<vmem>>) target(%dma_start3A_85 : memref<10240x128xf32, #tpu.memory_space<vmem_shared>>) offsets(%dma_start3A_82 : memref<80xi32, #tpu.memory_space<vmem>>) semaphore(%run_scoped3A_79 : memref<!tpu.dma_semaphore, #tpu.memory_space<semaphore_mem>>) {add = true}
        %dma_wait3A_86 = arith.constant 0 : i32
        %dma_wait3A_87 = tpu.memref_slice %arg8[%mul3A_46, %dma_wait3A_86] : memref<128x80xi32, #tpu.memory_space<vmem>> -> memref<1x80xi32, #tpu.memory_space<vmem>>
        %dma_wait3A_88 = tpu.memref_squeeze %dma_wait3A_87 : memref<1x80xi32, #tpu.memory_space<vmem>> -> memref<80xi32, #tpu.memory_space<vmem>>
        %dma_wait3A_89 = arith.constant 0 : i32
        %dma_wait3A_90 = arith.constant 0 : i32
        %dma_wait3A_91 = tpu.memref_slice %arg11[%dma_wait3A_89, %dma_wait3A_90] : memref<10240x128xf32, #tpu.memory_space<vmem_shared>> -> memref<10240x128xf32, #tpu.memory_space<vmem_shared>>
        tpu.wait_indirect_dma semaphore(%run_scoped3A_79 : memref<!tpu.dma_semaphore, #tpu.memory_space<semaphore_mem>>) src(%arg9 : memref<80x128xf32, #tpu.memory_space<vmem>>) dst(%dma_wait3A_91 : memref<10240x128xf32, #tpu.memory_space<vmem_shared>>)
        tpu.yield
      }) : () -> ()
      %add3A_53 = arith.constant 2 : i32
      %add3A_54 = arith.addi %mul3A_46, %add3A_53 : i32
      %mul3A_55 = arith.constant 80 : i32
      %mul3A_56 = arith.muli %add3A_54, %mul3A_55 : i32
      %multiple_of3A_57 = tpu.assume_multiple %mul3A_56, 8 : i32
      %dma_start3A_58 = tpu.memref_slice %arg7[%multiple_of3A_57] : memref<10240xi32, #tpu.memory_space<vmem>> -> memref<80xi32, #tpu.memory_space<vmem>>
      %dma_start3A_59 = arith.constant 0 : i32
      %dma_start3A_60 = arith.constant 0 : i32
      %dma_start3A_61 = tpu.memref_slice %arg3[%dma_start3A_59, %dma_start3A_60] : memref<10240x128xf32, #tpu.memory_space<hbm>> -> memref<10240x128xf32, #tpu.memory_space<hbm>>
      tpu.enqueue_indirect_dma source(%dma_start3A_61 : memref<10240x128xf32, #tpu.memory_space<hbm>>) target(%arg9 : memref<80x128xf32, #tpu.memory_space<vmem>>) offsets(%dma_start3A_58 : memref<80xi32, #tpu.memory_space<vmem>>) semaphore(%arg12 : memref<!tpu.dma_semaphore, #tpu.memory_space<semaphore_mem>>)
      %multiple_of3A_62 = arith.constant 0 : i32
      %multiple_of3A_63 = tpu.assume_multiple %multiple_of3A_62, 8 : i32
      %dma_wait3A_64 = tpu.memref_slice %arg7[%multiple_of3A_63] : memref<10240xi32, #tpu.memory_space<vmem>> -> memref<80xi32, #tpu.memory_space<vmem>>
      %dma_wait3A_65 = arith.constant 0 : i32
      %dma_wait3A_66 = arith.constant 0 : i32
      %dma_wait3A_67 = tpu.memref_slice %arg3[%dma_wait3A_65, %dma_wait3A_66] : memref<10240x128xf32, #tpu.memory_space<hbm>> -> memref<10240x128xf32, #tpu.memory_space<hbm>>
      tpu.wait_indirect_dma semaphore(%arg13 : memref<!tpu.dma_semaphore, #tpu.memory_space<semaphore_mem>>) src(%dma_wait3A_67 : memref<10240x128xf32, #tpu.memory_space<hbm>>) dst(%arg10 : memref<80x128xf32, #tpu.memory_space<vmem>>)
      %add3A_68 = arith.constant 1 : i32
      %add3A_69 = arith.addi %mul3A_46, %add3A_68 : i32
      "tpu.region"() ({
        %run_scoped3A_79 = tpu.sem_alloc : memref<!tpu.dma_semaphore, #tpu.memory_space<semaphore_mem>>
        %dma_start3A_80 = arith.constant 0 : i32
        %dma_start3A_81 = tpu.memref_slice %arg8[%add3A_69, %dma_start3A_80] : memref<128x80xi32, #tpu.memory_space<vmem>> -> memref<1x80xi32, #tpu.memory_space<vmem>>
        %dma_start3A_82 = tpu.memref_squeeze %dma_start3A_81 : memref<1x80xi32, #tpu.memory_space<vmem>> -> memref<80xi32, #tpu.memory_space<vmem>>
        %dma_start3A_83 = arith.constant 0 : i32
        %dma_start3A_84 = arith.constant 0 : i32
        %dma_start3A_85 = tpu.memref_slice %arg11[%dma_start3A_83, %dma_start3A_84] : memref<10240x128xf32, #tpu.memory_space<vmem_shared>> -> memref<10240x128xf32, #tpu.memory_space<vmem_shared>>
        tpu.enqueue_indirect_dma source(%arg10 : memref<80x128xf32, #tpu.memory_space<vmem>>) target(%dma_start3A_85 : memref<10240x128xf32, #tpu.memory_space<vmem_shared>>) offsets(%dma_start3A_82 : memref<80xi32, #tpu.memory_space<vmem>>) semaphore(%run_scoped3A_79 : memref<!tpu.dma_semaphore, #tpu.memory_space<semaphore_mem>>) {add = true}
        %dma_wait3A_86 = arith.constant 0 : i32
        %dma_wait3A_87 = tpu.memref_slice %arg8[%add3A_69, %dma_wait3A_86] : memref<128x80xi32, #tpu.memory_space<vmem>> -> memref<1x80xi32, #tpu.memory_space<vmem>>
        %dma_wait3A_88 = tpu.memref_squeeze %dma_wait3A_87 : memref<1x80xi32, #tpu.memory_space<vmem>> -> memref<80xi32, #tpu.memory_space<vmem>>
        %dma_wait3A_89 = arith.constant 0 : i32
        %dma_wait3A_90 = arith.constant 0 : i32
        %dma_wait3A_91 = tpu.memref_slice %arg11[%dma_wait3A_89, %dma_wait3A_90] : memref<10240x128xf32, #tpu.memory_space<vmem_shared>> -> memref<10240x128xf32, #tpu.memory_space<vmem_shared>>
        tpu.wait_indirect_dma semaphore(%run_scoped3A_79 : memref<!tpu.dma_semaphore, #tpu.memory_space<semaphore_mem>>) src(%arg10 : memref<80x128xf32, #tpu.memory_space<vmem>>) dst(%dma_wait3A_91 : memref<10240x128xf32, #tpu.memory_space<vmem_shared>>)
        tpu.yield
      }) : () -> ()
      %add3A_70 = arith.constant 3 : i32
      %add3A_71 = arith.addi %mul3A_46, %add3A_70 : i32
      %mul3A_72 = arith.constant 80 : i32
      %mul3A_73 = arith.muli %add3A_71, %mul3A_72 : i32
      %multiple_of3A_74 = tpu.assume_multiple %mul3A_73, 8 : i32
      %dma_start3A_75 = tpu.memref_slice %arg7[%multiple_of3A_74] : memref<10240xi32, #tpu.memory_space<vmem>> -> memref<80xi32, #tpu.memory_space<vmem>>
      %dma_start3A_76 = arith.constant 0 : i32
      %dma_start3A_77 = arith.constant 0 : i32
      %dma_start3A_78 = tpu.memref_slice %arg3[%dma_start3A_76, %dma_start3A_77] : memref<10240x128xf32, #tpu.memory_space<hbm>> -> memref<10240x128xf32, #tpu.memory_space<hbm>>
      tpu.enqueue_indirect_dma source(%dma_start3A_78 : memref<10240x128xf32, #tpu.memory_space<hbm>>) target(%arg10 : memref<80x128xf32, #tpu.memory_space<vmem>>) offsets(%dma_start3A_75 : memref<80xi32, #tpu.memory_space<vmem>>) semaphore(%arg13 : memref<!tpu.dma_semaphore, #tpu.memory_space<semaphore_mem>>)
    }
    %scan3A_24 = arith.constant 63 : i32
    %multiple_of3A_25 = arith.constant 0 : i32
    %multiple_of3A_26 = tpu.assume_multiple %multiple_of3A_25, 8 : i32
    %dma_wait3A = tpu.memref_slice %arg7[%multiple_of3A_26] : memref<10240xi32, #tpu.memory_space<vmem>> -> memref<80xi32, #tpu.memory_space<vmem>>
    %dma_wait3A_27 = arith.constant 0 : i32
    %dma_wait3A_28 = arith.constant 0 : i32
    %dma_wait3A_29 = tpu.memref_slice %arg3[%dma_wait3A_27, %dma_wait3A_28] : memref<10240x128xf32, #tpu.memory_space<hbm>> -> memref<10240x128xf32, #tpu.memory_space<hbm>>
    tpu.wait_indirect_dma semaphore(%arg12 : memref<!tpu.dma_semaphore, #tpu.memory_space<semaphore_mem>>) src(%dma_wait3A_29 : memref<10240x128xf32, #tpu.memory_space<hbm>>) dst(%arg9 : memref<80x128xf32, #tpu.memory_space<vmem>>)
    %run_scoped3A = arith.constant 126 : i32
    "tpu.region"() ({
      %run_scoped3A_44 = tpu.sem_alloc : memref<!tpu.dma_semaphore, #tpu.memory_space<semaphore_mem>>
      %dma_start3A_45 = arith.constant 0 : i32
      %dma_start3A_46 = tpu.memref_slice %arg8[%run_scoped3A, %dma_start3A_45] : memref<128x80xi32, #tpu.memory_space<vmem>> -> memref<1x80xi32, #tpu.memory_space<vmem>>
      %dma_start3A_47 = tpu.memref_squeeze %dma_start3A_46 : memref<1x80xi32, #tpu.memory_space<vmem>> -> memref<80xi32, #tpu.memory_space<vmem>>
      %dma_start3A_48 = arith.constant 0 : i32
      %dma_start3A_49 = arith.constant 0 : i32
      %dma_start3A_50 = tpu.memref_slice %arg11[%dma_start3A_48, %dma_start3A_49] : memref<10240x128xf32, #tpu.memory_space<vmem_shared>> -> memref<10240x128xf32, #tpu.memory_space<vmem_shared>>
      tpu.enqueue_indirect_dma source(%arg9 : memref<80x128xf32, #tpu.memory_space<vmem>>) target(%dma_start3A_50 : memref<10240x128xf32, #tpu.memory_space<vmem_shared>>) offsets(%dma_start3A_47 : memref<80xi32, #tpu.memory_space<vmem>>) semaphore(%run_scoped3A_44 : memref<!tpu.dma_semaphore, #tpu.memory_space<semaphore_mem>>) {add = true}
      %dma_wait3A_51 = arith.constant 0 : i32
      %dma_wait3A_52 = tpu.memref_slice %arg8[%run_scoped3A, %dma_wait3A_51] : memref<128x80xi32, #tpu.memory_space<vmem>> -> memref<1x80xi32, #tpu.memory_space<vmem>>
      %dma_wait3A_53 = tpu.memref_squeeze %dma_wait3A_52 : memref<1x80xi32, #tpu.memory_space<vmem>> -> memref<80xi32, #tpu.memory_space<vmem>>
      %dma_wait3A_54 = arith.constant 0 : i32
      %dma_wait3A_55 = arith.constant 0 : i32
      %dma_wait3A_56 = tpu.memref_slice %arg11[%dma_wait3A_54, %dma_wait3A_55] : memref<10240x128xf32, #tpu.memory_space<vmem_shared>> -> memref<10240x128xf32, #tpu.memory_space<vmem_shared>>
      tpu.wait_indirect_dma semaphore(%run_scoped3A_44 : memref<!tpu.dma_semaphore, #tpu.memory_space<semaphore_mem>>) src(%arg9 : memref<80x128xf32, #tpu.memory_space<vmem>>) dst(%dma_wait3A_56 : memref<10240x128xf32, #tpu.memory_space<vmem_shared>>)
      tpu.yield
    }) : () -> ()
    %multiple_of3A_30 = arith.constant 0 : i32
    %multiple_of3A_31 = tpu.assume_multiple %multiple_of3A_30, 8 : i32
    %dma_wait3A_32 = tpu.memref_slice %arg7[%multiple_of3A_31] : memref<10240xi32, #tpu.memory_space<vmem>> -> memref<80xi32, #tpu.memory_space<vmem>>
    %dma_wait3A_33 = arith.constant 0 : i32
    %dma_wait3A_34 = arith.constant 0 : i32
    %dma_wait3A_35 = tpu.memref_slice %arg3[%dma_wait3A_33, %dma_wait3A_34] : memref<10240x128xf32, #tpu.memory_space<hbm>> -> memref<10240x128xf32, #tpu.memory_space<hbm>>
    tpu.wait_indirect_dma semaphore(%arg13 : memref<!tpu.dma_semaphore, #tpu.memory_space<semaphore_mem>>) src(%dma_wait3A_35 : memref<10240x128xf32, #tpu.memory_space<hbm>>) dst(%arg10 : memref<80x128xf32, #tpu.memory_space<vmem>>)
    %run_scoped3A_36 = arith.constant 127 : i32
    "tpu.region"() ({
      %run_scoped3A_44 = tpu.sem_alloc : memref<!tpu.dma_semaphore, #tpu.memory_space<semaphore_mem>>
      %dma_start3A_45 = arith.constant 0 : i32
      %dma_start3A_46 = tpu.memref_slice %arg8[%run_scoped3A_36, %dma_start3A_45] : memref<128x80xi32, #tpu.memory_space<vmem>> -> memref<1x80xi32, #tpu.memory_space<vmem>>
      %dma_start3A_47 = tpu.memref_squeeze %dma_start3A_46 : memref<1x80xi32, #tpu.memory_space<vmem>> -> memref<80xi32, #tpu.memory_space<vmem>>
      %dma_start3A_48 = arith.constant 0 : i32
      %dma_start3A_49 = arith.constant 0 : i32
      %dma_start3A_50 = tpu.memref_slice %arg11[%dma_start3A_48, %dma_start3A_49] : memref<10240x128xf32, #tpu.memory_space<vmem_shared>> -> memref<10240x128xf32, #tpu.memory_space<vmem_shared>>
      tpu.enqueue_indirect_dma source(%arg10 : memref<80x128xf32, #tpu.memory_space<vmem>>) target(%dma_start3A_50 : memref<10240x128xf32, #tpu.memory_space<vmem_shared>>) offsets(%dma_start3A_47 : memref<80xi32, #tpu.memory_space<vmem>>) semaphore(%run_scoped3A_44 : memref<!tpu.dma_semaphore, #tpu.memory_space<semaphore_mem>>) {add = true}
      %dma_wait3A_51 = arith.constant 0 : i32
      %dma_wait3A_52 = tpu.memref_slice %arg8[%run_scoped3A_36, %dma_wait3A_51] : memref<128x80xi32, #tpu.memory_space<vmem>> -> memref<1x80xi32, #tpu.memory_space<vmem>>
      %dma_wait3A_53 = tpu.memref_squeeze %dma_wait3A_52 : memref<1x80xi32, #tpu.memory_space<vmem>> -> memref<80xi32, #tpu.memory_space<vmem>>
      %dma_wait3A_54 = arith.constant 0 : i32
      %dma_wait3A_55 = arith.constant 0 : i32
      %dma_wait3A_56 = tpu.memref_slice %arg11[%dma_wait3A_54, %dma_wait3A_55] : memref<10240x128xf32, #tpu.memory_space<vmem_shared>> -> memref<10240x128xf32, #tpu.memory_space<vmem_shared>>
      tpu.wait_indirect_dma semaphore(%run_scoped3A_44 : memref<!tpu.dma_semaphore, #tpu.memory_space<semaphore_mem>>) src(%arg10 : memref<80x128xf32, #tpu.memory_space<vmem>>) dst(%dma_wait3A_56 : memref<10240x128xf32, #tpu.memory_space<vmem_shared>>)
      tpu.yield
    }) : () -> ()
    %barrier3A_37 = arith.constant 0 : index
    tpu.barrier barrier_id(%barrier3A_37)
    "tpu.trace_stop"() : () -> ()
    "tpu.trace_start"() <{level = 10 : i32, message = "acc_out"}> : () -> ()
    %mul3A_38 = arith.constant 10240 : i32
    %mul3A_39 = arith.muli %arg0, %mul3A_38 : i32
    %mul3A_40 = arith.constant 640 : i32
    %mul3A_41 = arith.muli %arg1, %mul3A_40 : i32
    %add3A_42 = arith.addi %mul3A_39, %mul3A_41 : i32
    %multiple_of3A_43 = tpu.assume_multiple %add3A_42, 8 : i32
    "tpu.region"() ({
      %run_scoped3A_44 = tpu.sem_alloc : memref<!tpu.dma_semaphore, #tpu.memory_space<semaphore_mem>>
      %dma_start3A_45 = arith.constant 0 : i32
      %dma_start3A_46 = tpu.memref_slice %arg6[%multiple_of3A_43, %dma_start3A_45] : memref<20480x128xf32, #tpu.memory_space<hbm>> -> memref<640x128xf32, #tpu.memory_space<hbm>>
      %dma_start3A_47 = arith.constant 0 : i32
      %dma_start3A_48 = tpu.memref_slice %arg11[%multiple_of3A, %dma_start3A_47] : memref<10240x128xf32, #tpu.memory_space<vmem_shared>> -> memref<640x128xf32, #tpu.memory_space<vmem_shared>>
      tpu.enqueue_dma source(%dma_start3A_48 : memref<640x128xf32, #tpu.memory_space<vmem_shared>>) target(%dma_start3A_46 : memref<640x128xf32, #tpu.memory_space<hbm>>) target_semaphore(%run_scoped3A_44 : memref<!tpu.dma_semaphore, #tpu.memory_space<semaphore_mem>>)
      %dma_wait3A_49 = arith.constant 0 : i32
      %dma_wait3A_50 = tpu.memref_slice %arg6[%multiple_of3A_43, %dma_wait3A_49] : memref<20480x128xf32, #tpu.memory_space<hbm>> -> memref<640x128xf32, #tpu.memory_space<hbm>>
      %dma_wait3A_51 = arith.constant 0 : i32
      %dma_wait3A_52 = tpu.memref_slice %arg11[%multiple_of3A, %dma_wait3A_51] : memref<10240x128xf32, #tpu.memory_space<vmem_shared>> -> memref<640x128xf32, #tpu.memory_space<vmem_shared>>
      tpu.wait_dma2 semaphore(%run_scoped3A_44 : memref<!tpu.dma_semaphore, #tpu.memory_space<semaphore_mem>>) src(%dma_wait3A_52 : memref<640x128xf32, #tpu.memory_space<vmem_shared>>) dst(%dma_wait3A_50 : memref<640x128xf32, #tpu.memory_space<hbm>>)
      tpu.yield
    }) : () -> ()
    "tpu.trace_stop"() : () -> ()
    return
  }
}

module attributes {stable_mosaic.version = 14 : i64} {
  func.func @_mlp_body(%arg0: i32, %arg1: memref<2048x128xf32, #tpu.memory_space<vmem>>, %arg2: memref<2048x128xf32, #tpu.memory_space<vmem>>, %arg3: memref<2048x128xf32, #tpu.memory_space<vmem>>, %arg4: memref<128x128xf32, #tpu.memory_space<vmem>>, %arg5: memref<1x128xf32, #tpu.memory_space<vmem>>, %arg6: memref<128x128xf32, #tpu.memory_space<vmem>>, %arg7: memref<1x128xf32, #tpu.memory_space<vmem>>, %arg8: memref<128x128xf32, #tpu.memory_space<vmem>>, %arg9: memref<1x128xf32, #tpu.memory_space<vmem>>, %arg10: memref<128x128xf32, #tpu.memory_space<vmem>>, %arg11: memref<1x128xf32, #tpu.memory_space<vmem>>, %arg12: memref<2048x128xf32, #tpu.memory_space<vmem>>, %arg13: memref<1x128xf32, #tpu.memory_space<vmem>>, %arg14: memref<1x128xf32, #tpu.memory_space<vmem>>) attributes {dimension_semantics = [#tpu.dimension_semantics<arbitrary>], iteration_bounds = array<i64: 5>, scalar_prefetch = 0 : i64, scratch_operands = 1 : i64, tpu.core_type = #tpu.core_type<tc>, window_params = [{transform_indices = @transform_0, window_bounds = array<i64: 2048, 128>}, {transform_indices = @transform_1, window_bounds = array<i64: 2048, 128>}, {transform_indices = @transform_2, window_bounds = array<i64: 2048, 128>}, {pipeline_mode = #tpu.pipeline_mode<synchronous>, transform_indices = @transform_3, window_bounds = array<i64: 128, 128>}, {pipeline_mode = #tpu.pipeline_mode<synchronous>, transform_indices = @transform_4, window_bounds = array<i64: 1, 128>}, {pipeline_mode = #tpu.pipeline_mode<synchronous>, transform_indices = @transform_5, window_bounds = array<i64: 128, 128>}, {pipeline_mode = #tpu.pipeline_mode<synchronous>, transform_indices = @transform_6, window_bounds = array<i64: 1, 128>}, {pipeline_mode = #tpu.pipeline_mode<synchronous>, transform_indices = @transform_7, window_bounds = array<i64: 128, 128>}, {pipeline_mode = #tpu.pipeline_mode<synchronous>, transform_indices = @transform_8, window_bounds = array<i64: 1, 128>}, {pipeline_mode = #tpu.pipeline_mode<synchronous>, transform_indices = @transform_9, window_bounds = array<i64: 128, 128>}, {pipeline_mode = #tpu.pipeline_mode<synchronous>, transform_indices = @transform_10, window_bounds = array<i64: 1, 128>}, {transform_indices = @transform_11, window_bounds = array<i64: 2048, 128>}, {pipeline_mode = #tpu.pipeline_mode<synchronous>, transform_indices = @transform_12, window_bounds = array<i64: 1, 128>}]} {
    %get3A = arith.constant 0 : index
    %get3A_0 = arith.constant 0 : index
    %get3A_1 = vector.load %arg1[%get3A, %get3A_0] : memref<2048x128xf32, #tpu.memory_space<vmem>>, vector<2048x128xf32>
    %get3A_2 = arith.constant 0 : index
    %get3A_3 = arith.constant 0 : index
    %get3A_4 = vector.load %arg2[%get3A_2, %get3A_3] : memref<2048x128xf32, #tpu.memory_space<vmem>>, vector<2048x128xf32>
    %add3A = arith.addf %get3A_1, %get3A_4 : vector<2048x128xf32>
    %get3A_5 = arith.constant 0 : index
    %get3A_6 = arith.constant 0 : index
    %get3A_7 = vector.load %arg3[%get3A_5, %get3A_6] : memref<2048x128xf32, #tpu.memory_space<vmem>>, vector<2048x128xf32>
    %add3A_8 = arith.addf %add3A, %get3A_7 : vector<2048x128xf32>
    %get3A_9 = arith.constant 0 : index
    %get3A_10 = arith.constant 0 : index
    %get3A_11 = vector.load %arg4[%get3A_9, %get3A_10] : memref<128x128xf32, #tpu.memory_space<vmem>>, vector<128x128xf32>
    %dot_general3A = arith.constant dense<0.000000e+00> : vector<2048x128xf32>
    %dot_general3A_12 = tpu.matmul %add3A_8, %get3A_11, %dot_general3A {dimension_numbers = #tpu.dot_dimension_numbers<[1], [0], [0], [1], [0, 0, 1, 1], [], []>, transpose_lhs_hint = false} : vector<2048x128xf32>, vector<128x128xf32>, vector<2048x128xf32> -> vector<2048x128xf32>
    %get3A_13 = arith.constant 0 : index
    %get3A_14 = arith.constant 0 : index
    %get3A_15 = vector.load %arg5[%get3A_13, %get3A_14] : memref<1x128xf32, #tpu.memory_space<vmem>>, vector<1x128xf32>
    %add3A_16 = vector.broadcast %get3A_15 : vector<1x128xf32> to vector<2048x128xf32>
    %add3A_17 = arith.addf %dot_general3A_12, %add3A_16 : vector<2048x128xf32>
    %max3A = arith.constant 0.000000e+00 : f32
    %max3A_18 = vector.broadcast %max3A : f32 to vector<2048x128xf32>
    %max3A_19 = arith.maximumf %add3A_17, %max3A_18 : vector<2048x128xf32>
    %get3A_20 = arith.constant 0 : index
    %get3A_21 = arith.constant 0 : index
    %get3A_22 = vector.load %arg6[%get3A_20, %get3A_21] : memref<128x128xf32, #tpu.memory_space<vmem>>, vector<128x128xf32>
    %dot_general3A_23 = arith.constant dense<0.000000e+00> : vector<2048x128xf32>
    %dot_general3A_24 = tpu.matmul %max3A_19, %get3A_22, %dot_general3A_23 {dimension_numbers = #tpu.dot_dimension_numbers<[1], [0], [0], [1], [0, 0, 1, 1], [], []>, transpose_lhs_hint = false} : vector<2048x128xf32>, vector<128x128xf32>, vector<2048x128xf32> -> vector<2048x128xf32>
    %get3A_25 = arith.constant 0 : index
    %get3A_26 = arith.constant 0 : index
    %get3A_27 = vector.load %arg7[%get3A_25, %get3A_26] : memref<1x128xf32, #tpu.memory_space<vmem>>, vector<1x128xf32>
    %add3A_28 = vector.broadcast %get3A_27 : vector<1x128xf32> to vector<2048x128xf32>
    %add3A_29 = arith.addf %dot_general3A_24, %add3A_28 : vector<2048x128xf32>
    %max3A_30 = arith.constant 0.000000e+00 : f32
    %max3A_31 = vector.broadcast %max3A_30 : f32 to vector<2048x128xf32>
    %max3A_32 = arith.maximumf %add3A_29, %max3A_31 : vector<2048x128xf32>
    %swap3A = arith.constant 0 : index
    %swap3A_33 = arith.constant 0 : index
    %swap3A_34 = vector.load %arg12[%swap3A, %swap3A_33] : memref<2048x128xf32, #tpu.memory_space<vmem>>, vector<2048x128xf32>
    tpu.vector_store %arg12[%swap3A, %swap3A_33], %max3A_32 {strides = array<i32>} : memref<2048x128xf32, #tpu.memory_space<vmem>>, vector<2048x128xf32>,
    %iota3A = tpu.iota {dimensions = array<i32: 0>} : vector<2048x1xi32>
    %mul3A = arith.constant 2048 : i32
    %mul3A_35 = arith.muli %arg0, %mul3A : i32
    %add3A_36 = vector.broadcast %mul3A_35 : i32 to vector<2048x1xi32>
    %add3A_37 = arith.addi %iota3A, %add3A_36 : vector<2048x1xi32>
    %lt3A = arith.constant 10000 : i32
    %lt3A_38 = vector.broadcast %lt3A : i32 to vector<2048x1xi32>
    %lt3A_39 = arith.cmpi slt, %add3A_37, %lt3A_38 : vector<2048x1xi32>
    %jit3A = arith.constant 0.000000e+00 : f32
    %broadcast_in_dim3A = vector.shape_cast %lt3A_39 : vector<2048x1xi1> to vector<2048x1xi1>
    %broadcast_in_dim3A_40 = vector.broadcast %broadcast_in_dim3A : vector<2048x1xi1> to vector<2048x128xi1>
    %broadcast_in_dim3A_41 = vector.broadcast %jit3A : f32 to vector<2048x128xf32>
    %select_n3A = arith.select %broadcast_in_dim3A_40, %max3A_32, %broadcast_in_dim3A_41 : vector<2048x128xi1>, vector<2048x128xf32>
    %reduce_sum3A = arith.constant dense<0.000000e+00> : vector<128xf32>
    %reduce_sum3A_42 = vector.multi_reduction <add>, %select_n3A, %reduce_sum3A [0] : vector<2048x128xf32> to vector<128xf32>
    %broadcast_in_dim3A_43 = vector.shape_cast %reduce_sum3A_42 : vector<128xf32> to vector<1x128xf32>
    %eq3A = arith.constant 0 : i32
    %eq3A_44 = arith.cmpi eq, %arg0, %eq3A : i32
    %convert_element_type3A = arith.extui %eq3A_44 : i1 to i32
    %cond3A = arith.constant 0 : i32
    %cond3A_45 = arith.cmpi ne, %convert_element_type3A, %cond3A : i32
    scf.if %cond3A_45 {
      %swap3A_55 = arith.constant 0 : index
      %swap3A_56 = arith.constant 0 : index
      %swap3A_57 = vector.load %arg14[%swap3A_55, %swap3A_56] : memref<1x128xf32, #tpu.memory_space<vmem>>, vector<1x128xf32>
      tpu.vector_store %arg14[%swap3A_55, %swap3A_56], %broadcast_in_dim3A_43 {strides = array<i32>} : memref<1x128xf32, #tpu.memory_space<vmem>>, vector<1x128xf32>,
    } else {
    }
    %gt3A = arith.constant 0 : i32
    %gt3A_46 = arith.cmpi sgt, %arg0, %gt3A : i32
    %convert_element_type3A_47 = arith.extui %gt3A_46 : i1 to i32
    %cond3A_48 = arith.constant 0 : i32
    %cond3A_49 = arith.cmpi ne, %convert_element_type3A_47, %cond3A_48 : i32
    scf.if %cond3A_49 {
      %get3A_55 = arith.constant 0 : index
      %get3A_56 = arith.constant 0 : index
      %get3A_57 = vector.load %arg14[%get3A_55, %get3A_56] : memref<1x128xf32, #tpu.memory_space<vmem>>, vector<1x128xf32>
      %add3A_58 = arith.addf %get3A_57, %broadcast_in_dim3A_43 : vector<1x128xf32>
      %swap3A_59 = arith.constant 0 : index
      %swap3A_60 = arith.constant 0 : index
      %swap3A_61 = vector.load %arg14[%swap3A_59, %swap3A_60] : memref<1x128xf32, #tpu.memory_space<vmem>>, vector<1x128xf32>
      tpu.vector_store %arg14[%swap3A_59, %swap3A_60], %add3A_58 {strides = array<i32>} : memref<1x128xf32, #tpu.memory_space<vmem>>, vector<1x128xf32>,
    } else {
    }
    %eq3A_50 = arith.constant 4 : i32
    %eq3A_51 = arith.cmpi eq, %arg0, %eq3A_50 : i32
    %convert_element_type3A_52 = arith.extui %eq3A_51 : i1 to i32
    %cond3A_53 = arith.constant 0 : i32
    %cond3A_54 = arith.cmpi ne, %convert_element_type3A_52, %cond3A_53 : i32
    scf.if %cond3A_54 {
      %get3A_55 = arith.constant 0 : index
      %get3A_56 = arith.constant 0 : index
      %get3A_57 = vector.load %arg14[%get3A_55, %get3A_56] : memref<1x128xf32, #tpu.memory_space<vmem>>, vector<1x128xf32>
      %get3A_58 = arith.constant 0 : index
      %get3A_59 = arith.constant 0 : index
      %get3A_60 = vector.load %arg8[%get3A_58, %get3A_59] : memref<128x128xf32, #tpu.memory_space<vmem>>, vector<128x128xf32>
      %dot_general3A_61 = arith.constant dense<0.000000e+00> : vector<1x128xf32>
      %dot_general3A_62 = tpu.matmul %get3A_57, %get3A_60, %dot_general3A_61 {dimension_numbers = #tpu.dot_dimension_numbers<[1], [0], [0], [1], [0, 0, 1, 1], [], []>, transpose_lhs_hint = false} : vector<1x128xf32>, vector<128x128xf32>, vector<1x128xf32> -> vector<1x128xf32>
      %get3A_63 = arith.constant 0 : index
      %get3A_64 = arith.constant 0 : index
      %get3A_65 = vector.load %arg9[%get3A_63, %get3A_64] : memref<1x128xf32, #tpu.memory_space<vmem>>, vector<1x128xf32>
      %add3A_66 = arith.addf %dot_general3A_62, %get3A_65 : vector<1x128xf32>
      %max3A_67 = arith.constant 0.000000e+00 : f32
      %max3A_68 = vector.broadcast %max3A_67 : f32 to vector<1x128xf32>
      %max3A_69 = arith.maximumf %add3A_66, %max3A_68 : vector<1x128xf32>
      %get3A_70 = arith.constant 0 : index
      %get3A_71 = arith.constant 0 : index
      %get3A_72 = vector.load %arg10[%get3A_70, %get3A_71] : memref<128x128xf32, #tpu.memory_space<vmem>>, vector<128x128xf32>
      %dot_general3A_73 = arith.constant dense<0.000000e+00> : vector<1x128xf32>
      %dot_general3A_74 = tpu.matmul %max3A_69, %get3A_72, %dot_general3A_73 {dimension_numbers = #tpu.dot_dimension_numbers<[1], [0], [0], [1], [0, 0, 1, 1], [], []>, transpose_lhs_hint = false} : vector<1x128xf32>, vector<128x128xf32>, vector<1x128xf32> -> vector<1x128xf32>
      %get3A_75 = arith.constant 0 : index
      %get3A_76 = arith.constant 0 : index
      %get3A_77 = vector.load %arg11[%get3A_75, %get3A_76] : memref<1x128xf32, #tpu.memory_space<vmem>>, vector<1x128xf32>
      %add3A_78 = arith.addf %dot_general3A_74, %get3A_77 : vector<1x128xf32>
      %swap3A_79 = arith.constant 0 : index
      %swap3A_80 = arith.constant 0 : index
      %swap3A_81 = vector.load %arg13[%swap3A_79, %swap3A_80] : memref<1x128xf32, #tpu.memory_space<vmem>>, vector<1x128xf32>
      tpu.vector_store %arg13[%swap3A_79, %swap3A_80], %add3A_78 {strides = array<i32>} : memref<1x128xf32, #tpu.memory_space<vmem>>, vector<1x128xf32>,
    } else {
    }
    return
  }
  func.func @transform_0(%arg0: i32) -> (i32, i32) {
    %c0_i32 = arith.constant 0 : i32
    %c0_i32_0 = arith.constant 0 : i32
    return %arg0, %c0_i32 : i32, i32
  }
  func.func @transform_1(%arg0: i32) -> (i32, i32) {
    %c0_i32 = arith.constant 0 : i32
    %c0_i32_0 = arith.constant 0 : i32
    return %arg0, %c0_i32 : i32, i32
  }
  func.func @transform_2(%arg0: i32) -> (i32, i32) {
    %add3A = arith.constant 5 : i32
    %add3A_0 = arith.addi %add3A, %arg0 : i32
    %c0_i32 = arith.constant 0 : i32
    %c0_i32_1 = arith.constant 0 : i32
    return %add3A_0, %c0_i32 : i32, i32
  }
  func.func @transform_3(%arg0: i32) -> (i32, i32) {
    %c0_i32 = arith.constant 0 : i32
    %c0_i32_0 = arith.constant 0 : i32
    %c0_i32_1 = arith.constant 0 : i32
    return %c0_i32, %c0_i32_0 : i32, i32
  }
  func.func @transform_4(%arg0: i32) -> (i32, i32) {
    %c0_i32 = arith.constant 0 : i32
    %c0_i32_0 = arith.constant 0 : i32
    %c0_i32_1 = arith.constant 0 : i32
    return %c0_i32, %c0_i32_0 : i32, i32
  }
  func.func @transform_5(%arg0: i32) -> (i32, i32) {
    %c0_i32 = arith.constant 0 : i32
    %c0_i32_0 = arith.constant 0 : i32
    %c0_i32_1 = arith.constant 0 : i32
    return %c0_i32, %c0_i32_0 : i32, i32
  }
  func.func @transform_6(%arg0: i32) -> (i32, i32) {
    %c0_i32 = arith.constant 0 : i32
    %c0_i32_0 = arith.constant 0 : i32
    %c0_i32_1 = arith.constant 0 : i32
    return %c0_i32, %c0_i32_0 : i32, i32
  }
  func.func @transform_7(%arg0: i32) -> (i32, i32) {
    %c0_i32 = arith.constant 0 : i32
    %c0_i32_0 = arith.constant 0 : i32
    %c0_i32_1 = arith.constant 0 : i32
    return %c0_i32, %c0_i32_0 : i32, i32
  }
  func.func @transform_8(%arg0: i32) -> (i32, i32) {
    %c0_i32 = arith.constant 0 : i32
    %c0_i32_0 = arith.constant 0 : i32
    %c0_i32_1 = arith.constant 0 : i32
    return %c0_i32, %c0_i32_0 : i32, i32
  }
  func.func @transform_9(%arg0: i32) -> (i32, i32) {
    %c0_i32 = arith.constant 0 : i32
    %c0_i32_0 = arith.constant 0 : i32
    %c0_i32_1 = arith.constant 0 : i32
    return %c0_i32, %c0_i32_0 : i32, i32
  }
  func.func @transform_10(%arg0: i32) -> (i32, i32) {
    %c0_i32 = arith.constant 0 : i32
    %c0_i32_0 = arith.constant 0 : i32
    %c0_i32_1 = arith.constant 0 : i32
    return %c0_i32, %c0_i32_0 : i32, i32
  }
  func.func @transform_11(%arg0: i32) -> (i32, i32) {
    %c0_i32 = arith.constant 0 : i32
    %c0_i32_0 = arith.constant 0 : i32
    return %arg0, %c0_i32 : i32, i32
  }
  func.func @transform_12(%arg0: i32) -> (i32, i32) {
    %c0_i32 = arith.constant 0 : i32
    %c0_i32_0 = arith.constant 0 : i32
    %c0_i32_1 = arith.constant 0 : i32
    return %c0_i32, %c0_i32_0 : i32, i32
  }
}

module attributes {stable_mosaic.version = 14 : i64} {
  func.func @_mlp_body(%arg0: i32, %arg1: memref<2048x128xf32, #tpu.memory_space<vmem>>, %arg2: memref<2048x128xf32, #tpu.memory_space<vmem>>, %arg3: memref<2048x128xf32, #tpu.memory_space<vmem>>, %arg4: memref<128x128xf32, #tpu.memory_space<vmem>>, %arg5: memref<1x128xf32, #tpu.memory_space<vmem>>, %arg6: memref<128x128xf32, #tpu.memory_space<vmem>>, %arg7: memref<1x128xf32, #tpu.memory_space<vmem>>, %arg8: memref<128x128xf32, #tpu.memory_space<vmem>>, %arg9: memref<1x128xf32, #tpu.memory_space<vmem>>, %arg10: memref<128x128xf32, #tpu.memory_space<vmem>>, %arg11: memref<1x128xf32, #tpu.memory_space<vmem>>, %arg12: memref<2048x128xf32, #tpu.memory_space<vmem>>, %arg13: memref<1x128xf32, #tpu.memory_space<vmem>>, %arg14: memref<1x128xf32, #tpu.memory_space<vmem>>) attributes {dimension_semantics = [#tpu.dimension_semantics<arbitrary>], iteration_bounds = array<i64: 5>, scalar_prefetch = 0 : i64, scratch_operands = 1 : i64, tpu.core_type = #tpu.core_type<tc>, window_params = [{transform_indices = @transform_0, window_bounds = array<i64: 2048, 128>}, {transform_indices = @transform_1, window_bounds = array<i64: 2048, 128>}, {transform_indices = @transform_2, window_bounds = array<i64: 2048, 128>}, {pipeline_mode = #tpu.pipeline_mode<synchronous>, transform_indices = @transform_3, window_bounds = array<i64: 128, 128>}, {pipeline_mode = #tpu.pipeline_mode<synchronous>, transform_indices = @transform_4, window_bounds = array<i64: 1, 128>}, {pipeline_mode = #tpu.pipeline_mode<synchronous>, transform_indices = @transform_5, window_bounds = array<i64: 128, 128>}, {pipeline_mode = #tpu.pipeline_mode<synchronous>, transform_indices = @transform_6, window_bounds = array<i64: 1, 128>}, {pipeline_mode = #tpu.pipeline_mode<synchronous>, transform_indices = @transform_7, window_bounds = array<i64: 128, 128>}, {pipeline_mode = #tpu.pipeline_mode<synchronous>, transform_indices = @transform_8, window_bounds = array<i64: 1, 128>}, {pipeline_mode = #tpu.pipeline_mode<synchronous>, transform_indices = @transform_9, window_bounds = array<i64: 128, 128>}, {pipeline_mode = #tpu.pipeline_mode<synchronous>, transform_indices = @transform_10, window_bounds = array<i64: 1, 128>}, {transform_indices = @transform_11, window_bounds = array<i64: 2048, 128>}, {pipeline_mode = #tpu.pipeline_mode<synchronous>, transform_indices = @transform_12, window_bounds = array<i64: 1, 128>}]} {
    %get3A = arith.constant 0 : index
    %get3A_0 = arith.constant 0 : index
    %get3A_1 = vector.load %arg1[%get3A, %get3A_0] : memref<2048x128xf32, #tpu.memory_space<vmem>>, vector<2048x128xf32>
    %get3A_2 = arith.constant 0 : index
    %get3A_3 = arith.constant 0 : index
    %get3A_4 = vector.load %arg2[%get3A_2, %get3A_3] : memref<2048x128xf32, #tpu.memory_space<vmem>>, vector<2048x128xf32>
    %add3A = arith.addf %get3A_1, %get3A_4 : vector<2048x128xf32>
    %get3A_5 = arith.constant 0 : index
    %get3A_6 = arith.constant 0 : index
    %get3A_7 = vector.load %arg3[%get3A_5, %get3A_6] : memref<2048x128xf32, #tpu.memory_space<vmem>>, vector<2048x128xf32>
    %add3A_8 = arith.addf %add3A, %get3A_7 : vector<2048x128xf32>
    %get3A_9 = arith.constant 0 : index
    %get3A_10 = arith.constant 0 : index
    %get3A_11 = vector.load %arg4[%get3A_9, %get3A_10] : memref<128x128xf32, #tpu.memory_space<vmem>>, vector<128x128xf32>
    %dot_general3A = arith.constant dense<0.000000e+00> : vector<2048x128xf32>
    %dot_general3A_12 = tpu.matmul %add3A_8, %get3A_11, %dot_general3A {dimension_numbers = #tpu.dot_dimension_numbers<[1], [0], [0], [1], [0, 0, 1, 1], [], []>, transpose_lhs_hint = false} : vector<2048x128xf32>, vector<128x128xf32>, vector<2048x128xf32> -> vector<2048x128xf32>
    %get3A_13 = arith.constant 0 : index
    %get3A_14 = arith.constant 0 : index
    %get3A_15 = vector.load %arg5[%get3A_13, %get3A_14] : memref<1x128xf32, #tpu.memory_space<vmem>>, vector<1x128xf32>
    %add3A_16 = vector.broadcast %get3A_15 : vector<1x128xf32> to vector<2048x128xf32>
    %add3A_17 = arith.addf %dot_general3A_12, %add3A_16 : vector<2048x128xf32>
    %max3A = arith.constant 0.000000e+00 : f32
    %max3A_18 = vector.broadcast %max3A : f32 to vector<2048x128xf32>
    %max3A_19 = arith.maximumf %add3A_17, %max3A_18 : vector<2048x128xf32>
    %get3A_20 = arith.constant 0 : index
    %get3A_21 = arith.constant 0 : index
    %get3A_22 = vector.load %arg6[%get3A_20, %get3A_21] : memref<128x128xf32, #tpu.memory_space<vmem>>, vector<128x128xf32>
    %dot_general3A_23 = arith.constant dense<0.000000e+00> : vector<2048x128xf32>
    %dot_general3A_24 = tpu.matmul %max3A_19, %get3A_22, %dot_general3A_23 {dimension_numbers = #tpu.dot_dimension_numbers<[1], [0], [0], [1], [0, 0, 1, 1], [], []>, transpose_lhs_hint = false} : vector<2048x128xf32>, vector<128x128xf32>, vector<2048x128xf32> -> vector<2048x128xf32>
    %get3A_25 = arith.constant 0 : index
    %get3A_26 = arith.constant 0 : index
    %get3A_27 = vector.load %arg7[%get3A_25, %get3A_26] : memref<1x128xf32, #tpu.memory_space<vmem>>, vector<1x128xf32>
    %add3A_28 = vector.broadcast %get3A_27 : vector<1x128xf32> to vector<2048x128xf32>
    %add3A_29 = arith.addf %dot_general3A_24, %add3A_28 : vector<2048x128xf32>
    %max3A_30 = arith.constant 0.000000e+00 : f32
    %max3A_31 = vector.broadcast %max3A_30 : f32 to vector<2048x128xf32>
    %max3A_32 = arith.maximumf %add3A_29, %max3A_31 : vector<2048x128xf32>
    %swap3A = arith.constant 0 : index
    %swap3A_33 = arith.constant 0 : index
    %swap3A_34 = vector.load %arg12[%swap3A, %swap3A_33] : memref<2048x128xf32, #tpu.memory_space<vmem>>, vector<2048x128xf32>
    tpu.vector_store %arg12[%swap3A, %swap3A_33], %max3A_32 {strides = array<i32>} : memref<2048x128xf32, #tpu.memory_space<vmem>>, vector<2048x128xf32>,
    %iota3A = tpu.iota {dimensions = array<i32: 0>} : vector<2048x1xi32>
    %mul3A = arith.constant 2048 : i32
    %mul3A_35 = arith.muli %arg0, %mul3A : i32
    %add3A_36 = vector.broadcast %mul3A_35 : i32 to vector<2048x1xi32>
    %add3A_37 = arith.addi %iota3A, %add3A_36 : vector<2048x1xi32>
    %lt3A = arith.constant 10000 : i32
    %lt3A_38 = vector.broadcast %lt3A : i32 to vector<2048x1xi32>
    %lt3A_39 = arith.cmpi slt, %add3A_37, %lt3A_38 : vector<2048x1xi32>
    %jit3A = arith.constant 0.000000e+00 : f32
    %broadcast_in_dim3A = vector.shape_cast %lt3A_39 : vector<2048x1xi1> to vector<2048x1xi1>
    %broadcast_in_dim3A_40 = vector.broadcast %broadcast_in_dim3A : vector<2048x1xi1> to vector<2048x128xi1>
    %broadcast_in_dim3A_41 = vector.broadcast %jit3A : f32 to vector<2048x128xf32>
    %select_n3A = arith.select %broadcast_in_dim3A_40, %max3A_32, %broadcast_in_dim3A_41 : vector<2048x128xi1>, vector<2048x128xf32>
    %reduce_sum3A = arith.constant dense<0.000000e+00> : vector<128xf32>
    %reduce_sum3A_42 = vector.multi_reduction <add>, %select_n3A, %reduce_sum3A [0] : vector<2048x128xf32> to vector<128xf32>
    %broadcast_in_dim3A_43 = vector.shape_cast %reduce_sum3A_42 : vector<128xf32> to vector<1x128xf32>
    %eq3A = arith.constant 0 : i32
    %eq3A_44 = arith.cmpi eq, %arg0, %eq3A : i32
    %convert_element_type3A = arith.extui %eq3A_44 : i1 to i32
    %cond3A = arith.constant 0 : i32
    %cond3A_45 = arith.cmpi ne, %convert_element_type3A, %cond3A : i32
    scf.if %cond3A_45 {
      %swap3A_55 = arith.constant 0 : index
      %swap3A_56 = arith.constant 0 : index
      %swap3A_57 = vector.load %arg14[%swap3A_55, %swap3A_56] : memref<1x128xf32, #tpu.memory_space<vmem>>, vector<1x128xf32>
      tpu.vector_store %arg14[%swap3A_55, %swap3A_56], %broadcast_in_dim3A_43 {strides = array<i32>} : memref<1x128xf32, #tpu.memory_space<vmem>>, vector<1x128xf32>,
    } else {
    }
    %gt3A = arith.constant 0 : i32
    %gt3A_46 = arith.cmpi sgt, %arg0, %gt3A : i32
    %convert_element_type3A_47 = arith.extui %gt3A_46 : i1 to i32
    %cond3A_48 = arith.constant 0 : i32
    %cond3A_49 = arith.cmpi ne, %convert_element_type3A_47, %cond3A_48 : i32
    scf.if %cond3A_49 {
      %get3A_55 = arith.constant 0 : index
      %get3A_56 = arith.constant 0 : index
      %get3A_57 = vector.load %arg14[%get3A_55, %get3A_56] : memref<1x128xf32, #tpu.memory_space<vmem>>, vector<1x128xf32>
      %add3A_58 = arith.addf %get3A_57, %broadcast_in_dim3A_43 : vector<1x128xf32>
      %swap3A_59 = arith.constant 0 : index
      %swap3A_60 = arith.constant 0 : index
      %swap3A_61 = vector.load %arg14[%swap3A_59, %swap3A_60] : memref<1x128xf32, #tpu.memory_space<vmem>>, vector<1x128xf32>
      tpu.vector_store %arg14[%swap3A_59, %swap3A_60], %add3A_58 {strides = array<i32>} : memref<1x128xf32, #tpu.memory_space<vmem>>, vector<1x128xf32>,
    } else {
    }
    %eq3A_50 = arith.constant 4 : i32
    %eq3A_51 = arith.cmpi eq, %arg0, %eq3A_50 : i32
    %convert_element_type3A_52 = arith.extui %eq3A_51 : i1 to i32
    %cond3A_53 = arith.constant 0 : i32
    %cond3A_54 = arith.cmpi ne, %convert_element_type3A_52, %cond3A_53 : i32
    scf.if %cond3A_54 {
      %get3A_55 = arith.constant 0 : index
      %get3A_56 = arith.constant 0 : index
      %get3A_57 = vector.load %arg14[%get3A_55, %get3A_56] : memref<1x128xf32, #tpu.memory_space<vmem>>, vector<1x128xf32>
      %get3A_58 = arith.constant 0 : index
      %get3A_59 = arith.constant 0 : index
      %get3A_60 = vector.load %arg8[%get3A_58, %get3A_59] : memref<128x128xf32, #tpu.memory_space<vmem>>, vector<128x128xf32>
      %dot_general3A_61 = arith.constant dense<0.000000e+00> : vector<1x128xf32>
      %dot_general3A_62 = tpu.matmul %get3A_57, %get3A_60, %dot_general3A_61 {dimension_numbers = #tpu.dot_dimension_numbers<[1], [0], [0], [1], [0, 0, 1, 1], [], []>, transpose_lhs_hint = false} : vector<1x128xf32>, vector<128x128xf32>, vector<1x128xf32> -> vector<1x128xf32>
      %get3A_63 = arith.constant 0 : index
      %get3A_64 = arith.constant 0 : index
      %get3A_65 = vector.load %arg9[%get3A_63, %get3A_64] : memref<1x128xf32, #tpu.memory_space<vmem>>, vector<1x128xf32>
      %add3A_66 = arith.addf %dot_general3A_62, %get3A_65 : vector<1x128xf32>
      %max3A_67 = arith.constant 0.000000e+00 : f32
      %max3A_68 = vector.broadcast %max3A_67 : f32 to vector<1x128xf32>
      %max3A_69 = arith.maximumf %add3A_66, %max3A_68 : vector<1x128xf32>
      %get3A_70 = arith.constant 0 : index
      %get3A_71 = arith.constant 0 : index
      %get3A_72 = vector.load %arg10[%get3A_70, %get3A_71] : memref<128x128xf32, #tpu.memory_space<vmem>>, vector<128x128xf32>
      %dot_general3A_73 = arith.constant dense<0.000000e+00> : vector<1x128xf32>
      %dot_general3A_74 = tpu.matmul %max3A_69, %get3A_72, %dot_general3A_73 {dimension_numbers = #tpu.dot_dimension_numbers<[1], [0], [0], [1], [0, 0, 1, 1], [], []>, transpose_lhs_hint = false} : vector<1x128xf32>, vector<128x128xf32>, vector<1x128xf32> -> vector<1x128xf32>
      %get3A_75 = arith.constant 0 : index
      %get3A_76 = arith.constant 0 : index
      %get3A_77 = vector.load %arg11[%get3A_75, %get3A_76] : memref<1x128xf32, #tpu.memory_space<vmem>>, vector<1x128xf32>
      %add3A_78 = arith.addf %dot_general3A_74, %get3A_77 : vector<1x128xf32>
      %swap3A_79 = arith.constant 0 : index
      %swap3A_80 = arith.constant 0 : index
      %swap3A_81 = vector.load %arg13[%swap3A_79, %swap3A_80] : memref<1x128xf32, #tpu.memory_space<vmem>>, vector<1x128xf32>
      tpu.vector_store %arg13[%swap3A_79, %swap3A_80], %add3A_78 {strides = array<i32>} : memref<1x128xf32, #tpu.memory_space<vmem>>, vector<1x128xf32>,
    } else {
    }
    return
  }
  func.func @transform_0(%arg0: i32) -> (i32, i32) {
    %c0_i32 = arith.constant 0 : i32
    %c0_i32_0 = arith.constant 0 : i32
    return %arg0, %c0_i32 : i32, i32
  }
  func.func @transform_1(%arg0: i32) -> (i32, i32) {
    %c0_i32 = arith.constant 0 : i32
    %c0_i32_0 = arith.constant 0 : i32
    return %arg0, %c0_i32 : i32, i32
  }
  func.func @transform_2(%arg0: i32) -> (i32, i32) {
    %add3A = arith.constant 5 : i32
    %add3A_0 = arith.addi %add3A, %arg0 : i32
    %c0_i32 = arith.constant 0 : i32
    %c0_i32_1 = arith.constant 0 : i32
    return %add3A_0, %c0_i32 : i32, i32
  }
  func.func @transform_3(%arg0: i32) -> (i32, i32) {
    %c0_i32 = arith.constant 0 : i32
    %c0_i32_0 = arith.constant 0 : i32
    %c0_i32_1 = arith.constant 0 : i32
    return %c0_i32, %c0_i32_0 : i32, i32
  }
  func.func @transform_4(%arg0: i32) -> (i32, i32) {
    %c0_i32 = arith.constant 0 : i32
    %c0_i32_0 = arith.constant 0 : i32
    %c0_i32_1 = arith.constant 0 : i32
    return %c0_i32, %c0_i32_0 : i32, i32
  }
  func.func @transform_5(%arg0: i32) -> (i32, i32) {
    %c0_i32 = arith.constant 0 : i32
    %c0_i32_0 = arith.constant 0 : i32
    %c0_i32_1 = arith.constant 0 : i32
    return %c0_i32, %c0_i32_0 : i32, i32
  }
  func.func @transform_6(%arg0: i32) -> (i32, i32) {
    %c0_i32 = arith.constant 0 : i32
    %c0_i32_0 = arith.constant 0 : i32
    %c0_i32_1 = arith.constant 0 : i32
    return %c0_i32, %c0_i32_0 : i32, i32
  }
  func.func @transform_7(%arg0: i32) -> (i32, i32) {
    %c0_i32 = arith.constant 0 : i32
    %c0_i32_0 = arith.constant 0 : i32
    %c0_i32_1 = arith.constant 0 : i32
    return %c0_i32, %c0_i32_0 : i32, i32
  }
  func.func @transform_8(%arg0: i32) -> (i32, i32) {
    %c0_i32 = arith.constant 0 : i32
    %c0_i32_0 = arith.constant 0 : i32
    %c0_i32_1 = arith.constant 0 : i32
    return %c0_i32, %c0_i32_0 : i32, i32
  }
  func.func @transform_9(%arg0: i32) -> (i32, i32) {
    %c0_i32 = arith.constant 0 : i32
    %c0_i32_0 = arith.constant 0 : i32
    %c0_i32_1 = arith.constant 0 : i32
    return %c0_i32, %c0_i32_0 : i32, i32
  }
  func.func @transform_10(%arg0: i32) -> (i32, i32) {
    %c0_i32 = arith.constant 0 : i32
    %c0_i32_0 = arith.constant 0 : i32
    %c0_i32_1 = arith.constant 0 : i32
    return %c0_i32, %c0_i32_0 : i32, i32
  }
  func.func @transform_11(%arg0: i32) -> (i32, i32) {
    %c0_i32 = arith.constant 0 : i32
    %c0_i32_0 = arith.constant 0 : i32
    return %arg0, %c0_i32 : i32, i32
  }
  func.func @transform_12(%arg0: i32) -> (i32, i32) {
    %c0_i32 = arith.constant 0 : i32
    %c0_i32_0 = arith.constant 0 : i32
    %c0_i32_1 = arith.constant 0 : i32
    return %c0_i32, %c0_i32_0 : i32, i32
  }
}

</mosaic_0001>

<sc_bundles>
// kernel: kernel.13.cloned.1.call-start
scs
__scs_entry_jumppad:
0x0: {  	(pc) =	sbr.rel $0x88, $3  }
0x1: {  	(tag) =	ssettag $0x0;
	lr =	simm.s32 $0x1  }
0x2: {  	[smem:$0x3F92] =	sst lr;
	_ =	strace $0xD0000000  }
0x3: {  	_ = 	snop  }
0x4: {  	_ = 	snop  }
0x5: {  	_ = 	snop  }
0x6: {  	_ = 	snop  }
0x7: {  	_ = 	snop  }
__scs_overlays_trampoline_lowered:
0x8: {  	[smem:$0x3FA1] =	sst s0  }
0x9: {  	[smem:$0x3FA2] =	sst s1  }
0xa: {  	[smem:$0x3FA3] =	sst s2  }
0xb: {  	[smem:$0x3FA4] =	sst s3  }
0xc: {  	[smem:$0x3FA5] =	sst s4  }
0xd: {  	[smem:$0x3FA6] =	sst s5  }
0xe: {  	[smem:$0x3FA7] =	sst s6  }
0xf: {  	[smem:$0x3FA8] =	sst s7  }
0x10: {  	[smem:$0x3FA9] =	sst s8  }
0x11: {  	[smem:$0x3FAA] =	sst s9;
	s0 =	simm.s32 @!p0 $0x0  }
0x12: {  	s1 =	sld [smem:$0x3F90];
	s0 =	simm.s32 @p0 $0x1  }
0x13: {  	[smem:$0x3FAB] =	sst s0;
	s0 =	simm.s32 @!p1 $0x0  }
0x14: {  	s2 =	sld [smem:$0x3F8F];
	s0 =	simm.s32 @p1 $0x1  }
0x15: {  	[smem:$0x3FAC] =	sst s0;
	s0 =	simm.s32 @!p2 $0x0  }
0x16: {  	s3 =	sld [smem:$0x3FDB];
	s0 =	simm.s32 @p2 $0x1  }
0x17: {  	s4 =	simm.s32 $0x1BF5;
	[smem:$0x3FAE] =	sst s0  }
0x18: {  	s0 =	sld [smem:$0x3F91];
	_ =	swait.ge [sflag:s4], $0x0  }
0x19: {  	s7 =	sld [smem:$0x3F92]  }
0x1a: {  	s8 =	sadd.s32 $0xFFFFE003, lr  }
0x1b: {  	s9 =	sadd.s32 $0xFFFFFEF7, lr;
	s5 =	simm.s32 $0xFFFFFFFF;
	p2 =	slt.u32 s8, $0xFFFFF086  }
0x1c: {  	p1 =	slt.u32 s9, $0xF7A;
	s5 =	simm.s32 @!p2 $0x0  }
0x1d: {  	s5 =	simm.s32 @p1 $0x1;
	p0 =	seq.s32 s7, s2  }
0x1e: {  	s7 =	smul.u32 @!p0 $0xF7A, s2;
	p2 =	seq.s32 @!p0 s5, $0x0  }
0x1f: {  	s9 =	smul.u32 $0xF7A, s1;
	s8 =	simm.s32 @!p0 $0x1BF5;
	p2 =	por !p2, p0  }
0x20: {  	[sflag:s8] =	ssyncset.s32 @!p0 $0xFFFFF086;
	s6 =	sadd.s32 @!p0 s3, s7;
	s7 =	simm.s32 @!p0 $0x108  }
0x21: {  	s3 =	sadd.s32 s3, s9;
	s6 =	sadd.s32 @!p0 $0x88, s6;
	s7 =	simm.s32 @p2 $0x1082  }
0x22: {  	[simem:s7], [sflag:s8] =	dma.local @!p0 [hbm:s6], $0xF7A  }
0x23: {  	s9 =	sor.u32 $0xD0000000, s2;
	s6 =	simm.s32 $0x108;
	_ =	swait.ge @!p0 [sflag:s8], $0x0  }
0x24: {  	s3 =	sadd.s32 $0x88, s3;
	s6 =	simm.s32 @!p1 $0x1082;
	[sflag:s4] =	ssyncset.s32 $0xFFFFF086  }
0x25: {  	[simem:s6], [sflag:s4] =	dma.local [hbm:s3], $0xF7A  }
0x26: {  	[smem:$0x3F92] =	sst s1;
	(tag) =	ssettag s2;
	_ =	strace s9  }
0x27: {  	s1 =	sld [smem:$0x3FA2]  }
0x28: {  	s2 =	sld [smem:$0x3FA3]  }
0x29: {  	s4 =	sld [smem:$0x3FA5]  }
0x2a: {  	p0 =	seq.s32 s5, $0x0;
	s5 =	sld [smem:$0x3FA6]  }
0x2b: {  	s6 =	sld [smem:$0x3FA7]  }
0x2c: {  	s7 =	sld [smem:$0x3FA8]  }
0x2d: {  	s3 =	simm.s32 $0x108;
	s8 =	sld [smem:$0x3FA9]  }
0x2e: {  	s3 =	simm.s32 @!p0 $0x1082;
	s9 =	sld [smem:$0x3FAA]  }
0x2f: {  	lr =	sadd.s32 s0, s3;
	s0 =	sld [smem:$0x3FA1]  }
0x30: {  	s3 =	sld [smem:$0x3FA4]  }
0x31: {  	[smem:$0x3FAD] =	sst s10  }
0x32: {  	s10 =	sld [smem:$0x3FAB];
	_ =	sdelay $0x3  }
0x33: {  	p0 =	seq.s32 s10, $0x1;
	s10 =	sld [smem:$0x3FAD];
	_ =	sdelay $0x3  }
0x34: {  	[smem:$0x3FAD] =	sst s10  }
0x35: {  	s10 =	sld [smem:$0x3FAC];
	_ =	sdelay $0x3  }
0x36: {  	p1 =	seq.s32 s10, $0x1;
	s10 =	sld [smem:$0x3FAD];
	_ =	sdelay $0x3  }
0x37: {  	[smem:$0x3FAD] =	sst s10  }
0x38: {  	s10 =	sld [smem:$0x3FAE]  }
0x39: {  	_ = 	snop;
	(pc) =	sbr.ind lr, $3  }
0x3a: {  	_ = 	snop  }
0x3b: {  	_ = 	snop  }
0x3c: {  	p2 =	seq.s32 s10, $0x1;
	s10 =	sld [smem:$0x3FAD]  }
0x3d: {  	_ =	shalt  }
0x3e: {  	_ =	shalt  }
0x3f: {  	_ =	shalt  }
0x40: {  	_ =	shalt  }
0x41: {  	_ =	shalt  }
0x42: {  	_ =	shalt  }
0x43: {  	_ =	shalt  }
0x44: {  	_ =	shalt  }
0x45: {  	_ =	shalt  }
0x46: {  	_ =	shalt  }
0x47: {  	_ =	shalt  }
0x48: {  	_ =	shalt  }
0x49: {  	_ =	shalt  }
0x4a: {  	_ =	shalt  }
0x4b: {  	_ =	shalt  }
0x4c: {  	_ =	shalt  }
0x4d: {  	_ =	shalt  }
0x4e: {  	_ =	shalt  }
0x4f: {  	_ =	shalt  }
0x50: {  	_ =	shalt  }
0x51: {  	_ =	shalt  }
0x52: {  	_ =	shalt  }
0x53: {  	_ =	shalt  }
0x54: {  	_ =	shalt  }
0x55: {  	_ =	shalt  }
0x56: {  	_ =	shalt  }
0x57: {  	_ =	shalt  }
0x58: {  	_ =	shalt  }
0x59: {  	_ =	shalt  }
0x5a: {  	_ =	shalt  }
0x5b: {  	_ =	shalt  }
0x5c: {  	_ =	shalt  }
0x5d: {  	_ =	shalt  }
0x5e: {  	_ =	shalt  }
0x5f: {  	_ =	shalt  }
0x60: {  	_ =	shalt  }
0x61: {  	_ =	shalt  }
0x62: {  	_ =	shalt  }
0x63: {  	_ =	shalt  }
0x64: {  	_ =	shalt  }
0x65: {  	_ =	shalt  }
0x66: {  	_ =	shalt  }
0x67: {  	_ =	shalt  }
0x68: {  	_ =	shalt  }
0x69: {  	_ =	shalt  }
0x6a: {  	_ =	shalt  }
0x6b: {  	_ =	shalt  }
0x6c: {  	_ =	shalt  }
0x6d: {  	_ =	shalt  }
0x6e: {  	_ =	shalt  }
0x6f: {  	_ =	shalt  }
0x70: {  	_ =	shalt  }
0x71: {  	_ =	shalt  }
0x72: {  	_ =	shalt  }
0x73: {  	_ =	shalt  }
0x74: {  	_ =	shalt  }
0x75: {  	_ =	shalt  }
0x76: {  	_ =	shalt  }
0x77: {  	_ =	shalt  }
0x78: {  	_ =	shalt  }
0x79: {  	_ =	shalt  }
0x7a: {  	_ =	shalt  }
0x7b: {  	_ =	shalt  }
0x7c: {  	_ =	shalt  }
0x7d: {  	_ =	shalt  }
0x7e: {  	_ =	shalt  }
0x7f: {  	_ =	shalt  }
0x80: {  	_ =	shalt  }
0x81: {  	_ =	shalt  }
0x82: {  	_ =	shalt  }
0x83: {  	_ =	shalt  }
0x84: {  	_ =	shalt  }
0x85: {  	_ =	shalt  }
0x86: {  	_ =	shalt  }
0x87: {  	_ =	shalt  }
.Lfunc_end0:
.L_simem_size_0:
called_computation_lowered:
.L_overlay_start_0:
0x88: {  	s2 =	sld [smem:$0x3FD9]  }
0x89: {  	s3 =	sld [smem:$0x3FFE];
	_ =	sdelay $0x1  }
0x8a: {  	s1 =	srdreg.scid  }
0x8b: {  	s0 =	sand.u32 $0x1, s1  }
0x8c: {  	s17 =	sshll.u32 s0, $0xA;
	s2 =	sadd.s32 s3, s2  }
0x8d: {  	s2 =	sadd.s32 s2, s17  }
0x8e: {  	[smem:$0x3FB9] =	sst s2  }
0x8f: {  	_ = 	snop  }
0x90: {  	s2 =	sld [smem:$0x3FC7];
	(tm) =	ssettm $0x1  }
0x91: {  	s18 =	sld [smem:$0x3FFB];
	_ =	sdelay $0x3  }
0x92: {  	_ =	strace s18  }
0x93: {  	s3 =	sld [smem:$0x3FFC];
	_ =	sdelay $0x3  }
0x94: {  	_ =	strace s3  }
0x95: {  	s3 =	sld [smem:$0x3FFD];
	_ =	sdelay $0x3  }
0x96: {  	_ =	strace s3  }
0x97: {  	_ =	strace $0x8FFFFFFF  }
0x98: {  	s19 =	sld [smem:$0x3FDB];
	_ =	sdelay $0x1  }
0x99: {  	s4 =	simm.s32 $_scs_section_size  }
0x9a: {  	s5 =	simm.s32 $_size__tile_overlayer_lowered;
	s6 =	simm.s32 $_tile_overlayer_lowered  }
0x9b: {  	s22 =	simm.s32 $0x1BFF;
	s21 =	sshll.u32 s6, $0x1;
	s3 =	sadd.s32 s4, s19  }
0x9c: {  	s7 =	simm.s32 $0x0;
	s20 =	sshll.u32 s5, $0x1;
	s5 =	sadd.s32 s21, s3  }
0x9d: {  	[timem:s7], [sflag:s22] =	dma.local [hbm:s5], s20  }
0x9e: {  	_ =	swait.ge [sflag:s22], s20  }
0x9f: {  	s4 =	ssub.s32 $0x0, s20;
	[sflag:s22] =	ssyncset.done $0x0  }
0xa0: {  	[sflag:s22] =	ssyncadd.s32 s4;
	_ =	sdelay $0x1  }
0xa1: {  	s23 =	simm.s32 $0x1B8B  }
0xa2: {  	_ =	swait.ge [sflag:s23], $0x1  }
0xa3: {  	[sflag:s23] =	ssyncset.done $0x0  }
0xa4: {  	s25 =	simm.s32 $0x1B8E;
	s24 =	sld [smem:$0x3FFE];
	[sflag:s23] =	ssyncadd.s32 $0xFFFFFFFF  }
0xa5: {  	s26 =	simm.s32 $execute0_lowered;
	[smem:$0x3FD2] =	sst s25  }
0xa6: {  	s5 =	sshll.u32 s26, $0x1;
	_ =	strace $0x80000046;
	[dreg:$0x1] =	wrdreg $0xFFFFFFFF  }
0xa7: {  	s28 =	simm.s32 $_size_execute0_lowered;
	s3 =	sadd.s32 s3, s5;
	[dreg:$0x0] =	wrdreg $0x0  }
0xa8: {  	s5 =	sshll.u32 s28, $0x1;
	[dreg:$0x2] =	wrdreg s3  }
0xa9: {  	[dreg:$0x3] =	wrdreg s5  }
0xaa: {  	[dreg:$0x4] =	wrdreg $0xC0  }
0xab: {  	_ =	task [dreg:s7], $0x5FFFF  }
0xac: {  	[dreg:$0x1] =	wrdreg $0xFFFFFFFF  }
0xad: {  	[dreg:$0x0] =	wrdreg $0x60  }
0xae: {  	[dreg:$0x2] =	wrdreg s2  }
0xaf: {  	[dreg:$0x3] =	wrdreg s24  }
0xb0: {  	[dreg:$0x4] =	wrdreg $0x9  }
0xb1: {  	_ =	task.clear_ibuf [dreg:s7], $0x5FFFF;
	_ =	strace $0x90000046  }
0xb2: {  	s29 =	simm.s32 $0x9;
	_ =	strace $0x80000048  }
0xb3: {  	_ =	swait.ge [sflag:s29], $0x1  }
0xb4: {  	[sflag:s29] =	ssyncadd.s32 $0xFFFFFFFF  }
0xb5: {  	_ =	strace $0x90000048  }
0xb6: {  	_ =	sfence  }
0xb7: {  	s30 =	sld [smem:$0x0];
	_ =	sdelay $0x2  }
0xb8: {  	s31 =	sshll.u32 s1, $0xD;
	s1 =	sshrl.u32 s1, $0x2  }
0xb9: {  	s3 =	sand.u32 $0x4000, s31;
	s1 =	sadd.s32 s1, s30  }
0xba: {  	s0 =	sor.u32 s3, s0;
	s1 =	sshll.u32 s1, $0x11  }
0xbb: {  	s0 =	sor.u32 s1, s0  }
0xbc: {  	s0 =	sadd.s32 $0x8F2B, s0  }
0xbd: {  	[sflag:s0] =	ssyncadd.remote.s32 $0x1  }
0xbe: {  	_ =	sfence.sel $0xFFFF  }
0xbf: {  	[dreg:$0x0] =	wrdreg $0xFFFFFFFF;
	(pc) =	sbr.abs _section_cstart, $3  }
0xc0: {  	[dreg:$0x1] =	wrdreg $0xFFFFFFFF  }
0xc1: {  	_ =	task.clear_ibuf [dreg:s7], $0x2FFFF;
	_ =	strace $0x9FFFFFFF  }
0xc2: {  	(tm) =	ssettm $0x7FFFFFFF  }
0xc3: {  	_ =	shalt  }
tec
execute0_lowered:
.L_overlay_start_1:
0x0: {  	(tag) =	ssettag $0x1  }
0x1: {  	s1 =	srdreg.scid;
	s0 =	stileid.u32  }
0x2: {  	s16 =	sand.u32 $0x1, s1;
	s30 =	sshll.u32 s0, $0x1  }
0x3: {  	s2 =	rddreg [dreg:$0x0];
	s11 =	sor.u32 s16, s30  }
0x4: {  	s10 =	rddreg [dreg:$0x1];
	s4 =	smul.u32 $0x28, s11  }
0x5: {  	s3 =	simm.s32 $0x0;
	s1 =	rddreg [dreg:$0x2]  }
0x6: {  	[smem:$0x7FF] =	sst s3;
	s4 =	sadd.s32 s4, s10  }
0x7: {  	_ =	strace $0x80000047;
	s5 =	sadd.s32 $0x7800, s4;
	s4 =	simm.s32 $0x3  }
0x8: {  	[tilespmem:s3], [sflag:$0x3] =	stream.linear.gather [hbm4b:s5+s3], $0x140, $0x38;
	[tilespmem:$0x5180] =	vst v63  }
0x9: {  	_ =	swait.ge [sflag:s4], $0x140  }
0xa: {  	[sflag:s4] =	ssyncset.done $0x0  }
0xb: {  	s6 =	simm.s32 $0x50;
	s7 =	simm.s32 $0x180;
	[sflag:s4] =	ssyncadd.s32 $0xFFFFFEC0  }
0xc: {  	[tilespmem:s7], [sflag:$0x1] =	stream.indirect.gather [hbm4b:s2+s6], $0x80, s3, s6, $0xb8;
	[tilespmem:$0x5180] =	vst v63  }
0xd: {  	s8 =	simm.s32 $0x2980;
	s9 =	simm.s32 $0x1  }
0xe: {  	[tilespmem:s8], [sflag:$0x2] =	stream.indirect.gather [hbm4b:s2+s6], $0x80, s6, s6, $0xb8;
	[tilespmem:$0x5180] =	vst v63  }
0xf: {  	s12 =	smul.u32 $0x1400, s11;
	_ =	swait.ge [sflag:s9], $0x2800  }
0x10: {  	s13 =	sadd.s32 $0x7E00, s10;
	[sflag:s9] =	ssyncset.done $0x0  }
0x11: {  	s10 =	sadd.s32 s13, s12;
	[sflag:s9] =	ssyncadd.s32 $0xFFFFD800  }
0x12: {  	[hbm4b:s10+s3] =	stream.linear.scatter [tilespmem:s7], [sflag:$0x3], $0x2800, $0x38;
	[tilespmem:$0x5180] =	vst v63  }
0x13: {  	_ =	swait.ge [sflag:s4], $0x2800  }
0x14: {  	s14 =	smul.u32 $0xA000, s11;
	[sflag:s4] =	ssyncset.done $0x0  }
0x15: {  	s11 =	simm.s32 $0xA0;
	s12 =	simm.s32 $0x2;
	[sflag:s4] =	ssyncadd.s32 $0xFFFFD800  }
0x16: {  	[tilespmem:s7], [sflag:$0x1] =	stream.indirect.gather [hbm4b:s2+s6], $0x80, s11, s6, $0xb8;
	[tilespmem:$0x5180] =	vst v63  }
0x17: {  	s14 =	sshrl.u32 s14, $0x3;
	_ =	swait.ge [sflag:s12], $0x2800  }
0x18: {  	s17 =	sadd.s32 s13, s14;
	[sflag:s12] =	ssyncset.done $0x0  }
0x19: {  	s13 =	sadd.s32 $0x500, s17;
	[sflag:s12] =	ssyncadd.s32 $0xFFFFD800  }
0x1a: {  	[hbm4b:s13+s3] =	stream.linear.scatter [tilespmem:s8], [sflag:$0x3], $0x2800, $0x38;
	[tilespmem:$0x5180] =	vst v63  }
0x1b: {  	_ =	swait.ge [sflag:s4], $0x2800  }
0x1c: {  	[sflag:s4] =	ssyncset.done $0x0  }
0x1d: {  	s14 =	simm.s32 $0xF0;
	[sflag:s4] =	ssyncadd.s32 $0xFFFFD800  }
0x1e: {  	[tilespmem:s8], [sflag:$0x2] =	stream.indirect.gather [hbm4b:s2+s6], $0x80, s14, s6, $0xb8;
	[tilespmem:$0x5180] =	vst v63  }
0x1f: {  	_ =	swait.ge [sflag:s9], $0x2800  }
0x20: {  	[sflag:s9] =	ssyncset.done $0x0  }
0x21: {  	s16 =	ssub.s32 $0x2, s16;
	s15 =	sadd.s32 $0xA00, s17;
	[sflag:s9] =	ssyncadd.s32 $0xFFFFD800  }
0x22: {  	[hbm4b:s15+s3] =	stream.linear.scatter [tilespmem:s7], [sflag:$0x3], $0x2800, $0x38;
	[tilespmem:$0x5180] =	vst v63  }
0x23: {  	s18 =	sshrl.u32 s16, $0x1;
	_ =	swait.ge [sflag:s4], $0x2800  }
0x24: {  	s18 =	ssub.s32 s16, s18;
	[sflag:s4] =	ssyncset.done $0x0  }
0x25: {  	s31 =	smax.u32 s18, $0x1;
	[sflag:s4] =	ssyncadd.s32 $0xFFFFD800  }
0x26: {  	p0 =	sne.s32 s31, $0x1;
	_ =	swait.ge [sflag:s12], $0x2800  }
.Ltmp0:
0x27: {  	[sflag:s12] =	ssyncset.done $0x0;
	(pc) =	sbr.rel @!p0 .LBB2_2-.Ltmp0, $4  }
0x28: {  	s16 =	sadd.s32 $0xF00, s17;
	[sflag:s12] =	ssyncadd.s32 $0xFFFFD800  }
0x29: {  	[hbm4b:s16+s3] =	stream.linear.scatter [tilespmem:s8], [sflag:$0x3], $0x2800, $0x38;
	[tilespmem:$0x5180] =	vst v63  }
0x2a: {  	_ =	swait.ge [sflag:s4], $0x2800  }
0x2b: {  	s17 =	sadd.s32 $0xFFFFFFFF, s31;
	[sflag:s4] =	ssyncset.done $0x0  }
.LBB2_1:
0x2c: {  	p0 =	sne.s32 s17, $0x1;
	s17 =	sadd.s32 $0xFFFFFFFF, s17;
	[sflag:s4] =	ssyncadd.s32 $0xFFFFD800  }
0x2d: {  	[tilespmem:s3], [sflag:$0x3] =	stream.linear.gather [hbm4b:s5+s3], $0x140, $0x38;
	[tilespmem:$0x5180] =	vst v63  }
0x2e: {  	_ =	swait.ge [sflag:s4], $0x140  }
0x2f: {  	[sflag:s4] =	ssyncset.done $0x0  }
0x30: {  	[sflag:s4] =	ssyncadd.s32 $0xFFFFFEC0  }
0x31: {  	[tilespmem:s7], [sflag:$0x1] =	stream.indirect.gather [hbm4b:s2+s6], $0x80, s3, s6, $0xb8;
	[tilespmem:$0x5180] =	vst v63  }
0x32: {  	_ = 	snop  }
0x33: {  	[tilespmem:s8], [sflag:$0x2] =	stream.indirect.gather [hbm4b:s2+s6], $0x80, s6, s6, $0xb8;
	[tilespmem:$0x5180] =	vst v63  }
0x34: {  	_ =	swait.ge [sflag:s9], $0x2800  }
0x35: {  	[sflag:s9] =	ssyncset.done $0x0  }
0x36: {  	[sflag:s9] =	ssyncadd.s32 $0xFFFFD800  }
0x37: {  	[hbm4b:s10+s3] =	stream.linear.scatter [tilespmem:s7], [sflag:$0x3], $0x2800, $0x38;
	[tilespmem:$0x5180] =	vst v63  }
0x38: {  	_ =	swait.ge [sflag:s4], $0x2800  }
0x39: {  	[sflag:s4] =	ssyncset.done $0x0  }
0x3a: {  	[sflag:s4] =	ssyncadd.s32 $0xFFFFD800  }
0x3b: {  	[tilespmem:s7], [sflag:$0x1] =	stream.indirect.gather [hbm4b:s2+s6], $0x80, s11, s6, $0xb8;
	[tilespmem:$0x5180] =	vst v63  }
0x3c: {  	_ =	swait.ge [sflag:s12], $0x2800  }
0x3d: {  	[sflag:s12] =	ssyncset.done $0x0  }
0x3e: {  	[sflag:s12] =	ssyncadd.s32 $0xFFFFD800  }
0x3f: {  	[hbm4b:s13+s3] =	stream.linear.scatter [tilespmem:s8], [sflag:$0x3], $0x2800, $0x38;
	[tilespmem:$0x5180] =	vst v63  }
0x40: {  	_ =	swait.ge [sflag:s4], $0x2800  }
0x41: {  	[sflag:s4] =	ssyncset.done $0x0  }
0x42: {  	[sflag:s4] =	ssyncadd.s32 $0xFFFFD800  }
0x43: {  	[tilespmem:s8], [sflag:$0x2] =	stream.indirect.gather [hbm4b:s2+s6], $0x80, s14, s6, $0xb8;
	[tilespmem:$0x5180] =	vst v63  }
0x44: {  	_ =	swait.ge [sflag:s9], $0x2800  }
0x45: {  	[sflag:s9] =	ssyncset.done $0x0  }
0x46: {  	[sflag:s9] =	ssyncadd.s32 $0xFFFFD800  }
0x47: {  	[hbm4b:s15+s3] =	stream.linear.scatter [tilespmem:s7], [sflag:$0x3], $0x2800, $0x38;
	[tilespmem:$0x5180] =	vst v63  }
0x48: {  	_ =	swait.ge [sflag:s4], $0x2800  }
0x49: {  	[sflag:s4] =	ssyncset.done $0x0  }
0x4a: {  	[sflag:s4] =	ssyncadd.s32 $0xFFFFD800  }
0x4b: {  	_ =	swait.ge [sflag:s12], $0x2800  }
.Ltmp1:
0x4c: {  	[sflag:s12] =	ssyncset.done $0x0;
	(pc) =	sbr.rel @p0 .LBB2_1-.Ltmp1, $4  }
0x4d: {  	[sflag:s12] =	ssyncadd.s32 $0xFFFFD800  }
0x4e: {  	[hbm4b:s16+s3] =	stream.linear.scatter [tilespmem:s8], [sflag:$0x3], $0x2800, $0x38;
	[tilespmem:$0x5180] =	vst v63  }
0x4f: {  	_ =	swait.ge [sflag:s4], $0x2800  }
0x50: {  	[sflag:s4] =	ssyncset.done $0x0  }
.LBB2_2:
0x51: {  	[sflag:s4] =	ssyncadd.s32 $0xFFFFD800  }
0x52: {  	_ =	sfence.sel $0x180000  }
0x53: {  	[bflag:$0x0] =	sbarrier.arrive $0xFFFF  }
0x54: {  	p0 =	sne.s32 s0, $0x0;
	_ =	strace $0x90000047  }
0x55: {  	s0 =	sadd.s32 @!p0 $0x100000, s1;
	[bflag:$0x2] =	sbarrier.arrive $0xFFFF  }
0x56: {  	[sflag:s0] =	ssyncadd.tile.s32 @!p0 $0x1;
	_ =	shalt  }
.Lfunc_end2:
_tile_overlayer_lowered:
.L_overlay_start_2:
0x57: {  	(tag) =	ssettag $0x2  }
0x58: {  	s0 =	rddreg [dreg:$0x0];
	s2 =	stileid.u32  }
0x59: {  	s1 =	rddreg [dreg:$0x1];
	p0 =	sne.s32 s2, $0x0  }
0x5a: {  	s3 =	rddreg [dreg:$0x2];
	[bflag:$0x3] =	sbarrier.arrive $0xFFFF;
	s2 =	simm.s32 @!p0 $0x1C03  }
0x5b: {  	[timem:s3], [sflag:s2] =	dma.local @!p0 [hbm:s0], s1  }
0x5c: {  	s0 =	simm.s32 @!p0 $0x3  }
0x5d: {  	_ =	swait.ge @!p0 [sflag:s0], s1  }
0x5e: {  	s1 =	ssub.s32 @!p0 $0x0, s1;
	[sflag:s0] =	ssyncset.done @!p0 $0x0  }
0x5f: {  	[sflag:s0] =	ssyncadd.s32 @!p0 s1  }
0x60: {  	[bflag:$0x3] =	sbarrier.arrive $0xFFFF  }
0x61: {  	_ =	shalt  }

// kernel: kernel.16.cloned.1.call-start
scs
__scs_entry_jumppad:
0x0: {  	(pc) =	sbr.rel $0x88, $3  }
0x1: {  	(tag) =	ssettag $0x0;
	lr =	simm.s32 $0x1  }
0x2: {  	[smem:$0x3F92] =	sst lr;
	_ =	strace $0xD0000000  }
0x3: {  	_ = 	snop  }
0x4: {  	_ = 	snop  }
0x5: {  	_ = 	snop  }
0x6: {  	_ = 	snop  }
0x7: {  	_ = 	snop  }
__scs_overlays_trampoline_lowered:
0x8: {  	[smem:$0x3FA1] =	sst s0  }
0x9: {  	[smem:$0x3FA2] =	sst s1  }
0xa: {  	[smem:$0x3FA3] =	sst s2  }
0xb: {  	[smem:$0x3FA4] =	sst s3  }
0xc: {  	[smem:$0x3FA5] =	sst s4  }
0xd: {  	[smem:$0x3FA6] =	sst s5  }
0xe: {  	[smem:$0x3FA7] =	sst s6  }
0xf: {  	[smem:$0x3FA8] =	sst s7  }
0x10: {  	[smem:$0x3FA9] =	sst s8  }
0x11: {  	[smem:$0x3FAA] =	sst s9;
	s0 =	simm.s32 @!p0 $0x0  }
0x12: {  	s1 =	sld [smem:$0x3F90];
	s0 =	simm.s32 @p0 $0x1  }
0x13: {  	[smem:$0x3FAB] =	sst s0;
	s0 =	simm.s32 @!p1 $0x0  }
0x14: {  	s2 =	sld [smem:$0x3F8F];
	s0 =	simm.s32 @p1 $0x1  }
0x15: {  	[smem:$0x3FAC] =	sst s0;
	s0 =	simm.s32 @!p2 $0x0  }
0x16: {  	s3 =	sld [smem:$0x3FDB];
	s0 =	simm.s32 @p2 $0x1  }
0x17: {  	s4 =	simm.s32 $0x1BF5;
	[smem:$0x3FAE] =	sst s0  }
0x18: {  	s0 =	sld [smem:$0x3F91];
	_ =	swait.ge [sflag:s4], $0x0  }
0x19: {  	s7 =	sld [smem:$0x3F92]  }
0x1a: {  	s8 =	sadd.s32 $0xFFFFE003, lr  }
0x1b: {  	s9 =	sadd.s32 $0xFFFFFEF7, lr;
	s5 =	simm.s32 $0xFFFFFFFF;
	p2 =	slt.u32 s8, $0xFFFFF086  }
0x1c: {  	p1 =	slt.u32 s9, $0xF7A;
	s5 =	simm.s32 @!p2 $0x0  }
0x1d: {  	s5 =	simm.s32 @p1 $0x1;
	p0 =	seq.s32 s7, s2  }
0x1e: {  	s7 =	smul.u32 @!p0 $0xF7A, s2;
	p2 =	seq.s32 @!p0 s5, $0x0  }
0x1f: {  	s9 =	smul.u32 $0xF7A, s1;
	s8 =	simm.s32 @!p0 $0x1BF5;
	p2 =	por !p2, p0  }
0x20: {  	[sflag:s8] =	ssyncset.s32 @!p0 $0xFFFFF086;
	s6 =	sadd.s32 @!p0 s3, s7;
	s7 =	simm.s32 @!p0 $0x108  }
0x21: {  	s3 =	sadd.s32 s3, s9;
	s6 =	sadd.s32 @!p0 $0x88, s6;
	s7 =	simm.s32 @p2 $0x1082  }
0x22: {  	[simem:s7], [sflag:s8] =	dma.local @!p0 [hbm:s6], $0xF7A  }
0x23: {  	s9 =	sor.u32 $0xD0000000, s2;
	s6 =	simm.s32 $0x108;
	_ =	swait.ge @!p0 [sflag:s8], $0x0  }
0x24: {  	s3 =	sadd.s32 $0x88, s3;
	s6 =	simm.s32 @!p1 $0x1082;
	[sflag:s4] =	ssyncset.s32 $0xFFFFF086  }
0x25: {  	[simem:s6], [sflag:s4] =	dma.local [hbm:s3], $0xF7A  }
0x26: {  	[smem:$0x3F92] =	sst s1;
	(tag) =	ssettag s2;
	_ =	strace s9  }
0x27: {  	s1 =	sld [smem:$0x3FA2]  }
0x28: {  	s2 =	sld [smem:$0x3FA3]  }
0x29: {  	s4 =	sld [smem:$0x3FA5]  }
0x2a: {  	p0 =	seq.s32 s5, $0x0;
	s5 =	sld [smem:$0x3FA6]  }
0x2b: {  	s6 =	sld [smem:$0x3FA7]  }
0x2c: {  	s7 =	sld [smem:$0x3FA8]  }
0x2d: {  	s3 =	simm.s32 $0x108;
	s8 =	sld [smem:$0x3FA9]  }
0x2e: {  	s3 =	simm.s32 @!p0 $0x1082;
	s9 =	sld [smem:$0x3FAA]  }
0x2f: {  	lr =	sadd.s32 s0, s3;
	s0 =	sld [smem:$0x3FA1]  }
0x30: {  	s3 =	sld [smem:$0x3FA4]  }
0x31: {  	[smem:$0x3FAD] =	sst s10  }
0x32: {  	s10 =	sld [smem:$0x3FAB];
	_ =	sdelay $0x3  }
0x33: {  	p0 =	seq.s32 s10, $0x1;
	s10 =	sld [smem:$0x3FAD];
	_ =	sdelay $0x3  }
0x34: {  	[smem:$0x3FAD] =	sst s10  }
0x35: {  	s10 =	sld [smem:$0x3FAC];
	_ =	sdelay $0x3  }
0x36: {  	p1 =	seq.s32 s10, $0x1;
	s10 =	sld [smem:$0x3FAD];
	_ =	sdelay $0x3  }
0x37: {  	[smem:$0x3FAD] =	sst s10  }
0x38: {  	s10 =	sld [smem:$0x3FAE]  }
0x39: {  	_ = 	snop;
	(pc) =	sbr.ind lr, $3  }
0x3a: {  	_ = 	snop  }
0x3b: {  	_ = 	snop  }
0x3c: {  	p2 =	seq.s32 s10, $0x1;
	s10 =	sld [smem:$0x3FAD]  }
0x3d: {  	_ =	shalt  }
0x3e: {  	_ =	shalt  }
0x3f: {  	_ =	shalt  }
0x40: {  	_ =	shalt  }
0x41: {  	_ =	shalt  }
0x42: {  	_ =	shalt  }
0x43: {  	_ =	shalt  }
0x44: {  	_ =	shalt  }
0x45: {  	_ =	shalt  }
0x46: {  	_ =	shalt  }
0x47: {  	_ =	shalt  }
0x48: {  	_ =	shalt  }
0x49: {  	_ =	shalt  }
0x4a: {  	_ =	shalt  }
0x4b: {  	_ =	shalt  }
0x4c: {  	_ =	shalt  }
0x4d: {  	_ =	shalt  }
0x4e: {  	_ =	shalt  }
0x4f: {  	_ =	shalt  }
0x50: {  	_ =	shalt  }
0x51: {  	_ =	shalt  }
0x52: {  	_ =	shalt  }
0x53: {  	_ =	shalt  }
0x54: {  	_ =	shalt  }
0x55: {  	_ =	shalt  }
0x56: {  	_ =	shalt  }
0x57: {  	_ =	shalt  }
0x58: {  	_ =	shalt  }
0x59: {  	_ =	shalt  }
0x5a: {  	_ =	shalt  }
0x5b: {  	_ =	shalt  }
0x5c: {  	_ =	shalt  }
0x5d: {  	_ =	shalt  }
0x5e: {  	_ =	shalt  }
0x5f: {  	_ =	shalt  }
0x60: {  	_ =	shalt  }
0x61: {  	_ =	shalt  }
0x62: {  	_ =	shalt  }
0x63: {  	_ =	shalt  }
0x64: {  	_ =	shalt  }
0x65: {  	_ =	shalt  }
0x66: {  	_ =	shalt  }
0x67: {  	_ =	shalt  }
0x68: {  	_ =	shalt  }
0x69: {  	_ =	shalt  }
0x6a: {  	_ =	shalt  }
0x6b: {  	_ =	shalt  }
0x6c: {  	_ =	shalt  }
0x6d: {  	_ =	shalt  }
0x6e: {  	_ =	shalt  }
0x6f: {  	_ =	shalt  }
0x70: {  	_ =	shalt  }
0x71: {  	_ =	shalt  }
0x72: {  	_ =	shalt  }
0x73: {  	_ =	shalt  }
0x74: {  	_ =	shalt  }
0x75: {  	_ =	shalt  }
0x76: {  	_ =	shalt  }
0x77: {  	_ =	shalt  }
0x78: {  	_ =	shalt  }
0x79: {  	_ =	shalt  }
0x7a: {  	_ =	shalt  }
0x7b: {  	_ =	shalt  }
0x7c: {  	_ =	shalt  }
0x7d: {  	_ =	shalt  }
0x7e: {  	_ =	shalt  }
0x7f: {  	_ =	shalt  }
0x80: {  	_ =	shalt  }
0x81: {  	_ =	shalt  }
0x82: {  	_ =	shalt  }
0x83: {  	_ =	shalt  }
0x84: {  	_ =	shalt  }
0x85: {  	_ =	shalt  }
0x86: {  	_ =	shalt  }
0x87: {  	_ =	shalt  }
.Lfunc_end0:
.L_simem_size_0:
called_computation.1_lowered:
.L_overlay_start_0:
0x88: {  	s2 =	sld [smem:$0x3FD9]  }
0x89: {  	s3 =	sld [smem:$0x3FFE];
	_ =	sdelay $0x1  }
0x8a: {  	s1 =	srdreg.scid  }
0x8b: {  	s0 =	sand.u32 $0x1, s1  }
0x8c: {  	s16 =	sshll.u32 s0, $0xA;
	s2 =	sadd.s32 s3, s2  }
0x8d: {  	s2 =	sadd.s32 s2, s16  }
0x8e: {  	[smem:$0x3FB9] =	sst s2  }
0x8f: {  	_ = 	snop  }
0x90: {  	(tm) =	ssettm $0x1  }
0x91: {  	s17 =	sld [smem:$0x3FFB];
	_ =	sdelay $0x3  }
0x92: {  	_ =	strace s17  }
0x93: {  	s2 =	sld [smem:$0x3FFC];
	_ =	sdelay $0x3  }
0x94: {  	_ =	strace s2  }
0x95: {  	s2 =	sld [smem:$0x3FFD];
	_ =	sdelay $0x3  }
0x96: {  	_ =	strace s2  }
0x97: {  	_ =	strace $0x8FFFFFFF  }
0x98: {  	s18 =	sld [smem:$0x3FDB];
	_ =	sdelay $0x1  }
0x99: {  	s19 =	simm.s32 $_scs_section_size  }
0x9a: {  	s4 =	simm.s32 $_size__tile_overlayer_lowered;
	s5 =	simm.s32 $_tile_overlayer_lowered  }
0x9b: {  	s22 =	simm.s32 $0x1BFF;
	s21 =	sshll.u32 s5, $0x1;
	s2 =	sadd.s32 s19, s18  }
0x9c: {  	s6 =	simm.s32 $0x0;
	s20 =	sshll.u32 s4, $0x1;
	s4 =	sadd.s32 s21, s2  }
0x9d: {  	[timem:s6], [sflag:s22] =	dma.local [hbm:s4], s20  }
0x9e: {  	_ =	swait.ge [sflag:s22], s20  }
0x9f: {  	s3 =	ssub.s32 $0x0, s20;
	[sflag:s22] =	ssyncset.done $0x0  }
0xa0: {  	[sflag:s22] =	ssyncadd.s32 s3;
	_ =	sdelay $0x1  }
0xa1: {  	s23 =	simm.s32 $0x1B8B  }
0xa2: {  	_ =	swait.ge [sflag:s23], $0x1  }
0xa3: {  	[sflag:s23] =	ssyncset.done $0x0  }
0xa4: {  	s25 =	simm.s32 $0x1B8E;
	s24 =	sld [smem:$0x3FFE];
	[sflag:s23] =	ssyncadd.s32 $0xFFFFFFFF  }
0xa5: {  	s26 =	simm.s32 $execute0_lowered;
	[smem:$0x3FD2] =	sst s25  }
0xa6: {  	s4 =	sshll.u32 s26, $0x1;
	_ =	strace $0x80000049;
	[dreg:$0x1] =	wrdreg $0xFFFFFFFF  }
0xa7: {  	s28 =	simm.s32 $_size_execute0_lowered;
	s2 =	sadd.s32 s2, s4;
	[dreg:$0x0] =	wrdreg $0x0  }
0xa8: {  	s4 =	sshll.u32 s28, $0x1;
	[dreg:$0x2] =	wrdreg s2  }
0xa9: {  	[dreg:$0x3] =	wrdreg s4  }
0xaa: {  	[dreg:$0x4] =	wrdreg $0xC0  }
0xab: {  	_ =	task [dreg:s6], $0x5FFFF  }
0xac: {  	[dreg:$0x1] =	wrdreg $0xFFFFFFFF  }
0xad: {  	[dreg:$0x0] =	wrdreg $0x60  }
0xae: {  	[dreg:$0x2] =	wrdreg s24  }
0xaf: {  	[dreg:$0x3] =	wrdreg $0xB8000  }
0xb0: {  	[dreg:$0x4] =	wrdreg $0x9  }
0xb1: {  	_ =	task.clear_ibuf [dreg:s6], $0x5FFFF;
	_ =	strace $0x90000049  }
0xb2: {  	s29 =	simm.s32 $0x9;
	_ =	strace $0x8000004F  }
0xb3: {  	_ =	swait.ge [sflag:s29], $0x1  }
0xb4: {  	[sflag:s29] =	ssyncadd.s32 $0xFFFFFFFF  }
0xb5: {  	_ =	strace $0x9000004F  }
0xb6: {  	_ =	sfence  }
0xb7: {  	s30 =	sld [smem:$0x0];
	_ =	sdelay $0x2  }
0xb8: {  	s31 =	sshll.u32 s1, $0xD;
	s1 =	sshrl.u32 s1, $0x2  }
0xb9: {  	s3 =	sand.u32 $0x4000, s31;
	s1 =	sadd.s32 s1, s30  }
0xba: {  	s0 =	sor.u32 s3, s0;
	s1 =	sshll.u32 s1, $0x11  }
0xbb: {  	s0 =	sor.u32 s1, s0  }
0xbc: {  	s0 =	sadd.s32 $0x8F2B, s0  }
0xbd: {  	[sflag:s0] =	ssyncadd.remote.s32 $0x1  }
0xbe: {  	_ =	sfence.sel $0xFFFF  }
0xbf: {  	[dreg:$0x0] =	wrdreg $0xFFFFFFFF;
	(pc) =	sbr.abs _section_cstart, $3  }
0xc0: {  	[dreg:$0x1] =	wrdreg $0xFFFFFFFF  }
0xc1: {  	_ =	task.clear_ibuf [dreg:s6], $0x2FFFF;
	_ =	strace $0x9FFFFFFF  }
0xc2: {  	(tm) =	ssettm $0x7FFFFFFF  }
0xc3: {  	_ =	shalt  }
tec
execute0_lowered:
.L_overlay_start_1:
0x0: {  	(tag) =	ssettag $0x1  }
0x1: {  	s6 =	rddreg [dreg:$0x0];
	s1 =	srdreg.scid  }
0x2: {  	s0 =	stileid.u32;
	s2 =	rddreg [dreg:$0x1];
	s3 =	simm.s32 $0x0  }
0x3: {  	s13 =	simm.s32 $0x6800;
	s14 =	simm.s32 $0x9000;
	s17 =	simm.s32 $0x1  }
0x4: {  	s18 =	simm.s32 $0x2;
	s19 =	simm.s32 $0x6700;
	s20 =	simm.s32 $0x6780  }
0x5: {  	s21 =	simm.s32 $0x0;
	s7 =	sand.u32 $0x1, s1;
	s1 =	rddreg [dreg:$0x2]  }
0x6: {  	s4 =	sshll.u32 s0, $0x1;
	[smem:$0x7FF] =	sst s3;
	s10 =	smul.u32 $0x2800, s0  }
0x7: {  	s5 =	sadd.s32 $0x7E00, s6;
	s12 =	smul.u32 $0x50000, s0;
	s15 =	sshll.u32 s0, $0x6  }
0x8: {  	s8 =	sor.u32 s7, s4;
	_ =	strace $0x8000004A;
	s4 =	sadd.s32 $0x49E00, s6  }
0x9: {  	s11 =	smul.u32 $0x28000, s7;
	s7 =	ssub.s32 $0x2, s7;
	s15 =	sor.u32 $0x1C03, s15  }
0xa: {  	s9 =	smul.u32 $0x500, s8;
	s8 =	sshll.u32 s8, $0xB;
	s31 =	sshrl.u32 s7, $0x1  }
0xb: {  	s12 =	sshrl.u32 s12, $0x2;
	s8 =	sadd.s32 s8, s6;
	s10 =	sadd.s32 s10, s11  }
0xc: {  	s11 =	ssub.s32 s7, s31;
	s16 =	sadd.s32 s12, s2;
	s12 =	simm.s32 $0x50  }
0xd: {  	s9 =	sadd.s32 s9, s6;
	s10 =	sadd.s32 s10, s6;
	s7 =	sadd.s32 $0x39E00, s8  }
0xe: {  	s16 =	sshrl.u32 s16, $0x3;
	s6 =	sadd.s32 $0x2FE00, s9;
	s8 =	sadd.s32 $0x4C600, s10  }
0xf: {  	s9 =	smax.u32 s11, $0x1;
	s10 =	simm.s32 $0x3;
	s11 =	simm.s32 $0x2800  }
.LBB2_1:
0x10: {  	_ =	strace $0x8000004B  }
0x11: {  	[tilespmem:s3], [sflag:$0x3] =	stream.linear.gather [hbm4b:s6+s3], $0x2800, $0x200038;
	[tilespmem:$0x1F800] =	vst v63  }
0x12: {  	_ =	swait.ge [sflag:s10], $0x2800  }
0x13: {  	[sflag:s10] =	ssyncset.done $0x0  }
0x14: {  	[sflag:s10] =	ssyncadd.s32 $0xFFFFD800  }
0x15: {  	[tilespmem:s11], [sflag:$0x3] =	stream.linear.gather [hbm4b:s7+s3], $0x4000, $0x200038;
	[tilespmem:$0x1F800] =	vst v63  }
0x16: {  	_ =	swait.ge [sflag:s10], $0x4000  }
0x17: {  	[sflag:s10] =	ssyncset.done $0x0  }
0x18: {  	[sflag:s10] =	ssyncadd.s32 $0xFFFFC000  }
0x19: {  	_ =	strace $0x9000004B  }
0x1a: {  	[tilespmem:s13], [sflag:$0x1] =	stream.indirect.gather [hbm4b:s5+s12], $0x80, s3, s12, $0xb8;
	[tilespmem:$0x1F800] =	vst v63  }
0x1b: {  	_ = 	snop  }
0x1c: {  	[tilespmem:s14], [sflag:$0x2] =	stream.indirect.gather [hbm4b:s5+s12], $0x80, s12, s12, $0xb8;
	[tilespmem:$0x1F800] =	vst v63  }
0x1d: {  	_ =	strace $0x8000004C  }
0x1e: {  	[spmem:s16], [sflag:s15] =	dma.local [hbm:s4], $0x2800  }
0x1f: {  	_ =	swait.ge [sflag:s10], $0x2800  }
0x20: {  	[sflag:s10] =	ssyncset.done $0x0  }
0x21: {  	[sflag:s10] =	ssyncadd.s32 $0xFFFFD800  }
0x22: {  	[bflag:$0x0] =	sbarrier.arrive $0xFFFF  }
0x23: {  	_ =	strace $0x9000004C  }
0x24: {  	_ =	strace $0x8000004D  }
0x25: {  	_ =	swait.ge [sflag:s17], $0x2800  }
0x26: {  	[sflag:s17] =	ssyncset.done $0x0  }
0x27: {  	s22 =	simm.s32 $0x2800;
	[sflag:s17] =	ssyncadd.s32 $0xFFFFD800  }
0x28: {  	[spmem:s2] =	stream.indirect.scatter.add.f32 [tilespmem:s13], [sflag:$0x3], $0x80, s22, s12, $0x2000b8;
	[tilespmem:$0x1F800] =	vst v63  }
0x29: {  	_ =	swait.ge [sflag:s10], $0x2800  }
0x2a: {  	[sflag:s10] =	ssyncset.done $0x0  }
0x2b: {  	s30 =	simm.s32 $0xA0;
	[sflag:s10] =	ssyncadd.s32 $0xFFFFD800  }
0x2c: {  	[tilespmem:s13], [sflag:$0x1] =	stream.indirect.gather [hbm4b:s5+s12], $0x80, s30, s12, $0x2000b8;
	[tilespmem:$0x1F800] =	vst v63  }
0x2d: {  	_ =	swait.ge [sflag:s18], $0x2800  }
0x2e: {  	[sflag:s18] =	ssyncset.done $0x0  }
0x2f: {  	s31 =	simm.s32 $0x2880;
	[sflag:s18] =	ssyncadd.s32 $0xFFFFD800  }
0x30: {  	[spmem:s2] =	stream.indirect.scatter.add.f32 [tilespmem:s14], [sflag:$0x3], $0x80, s31, s12, $0x2000b8;
	[tilespmem:$0x1F800] =	vst v63  }
0x31: {  	_ =	swait.ge [sflag:s10], $0x2800  }
0x32: {  	s23 =	simm.s32 $0x400;
	[sflag:s10] =	ssyncset.done $0x0  }
0x33: {  	s24 =	simm.s32 $0x190;
	s22 =	simm.s32 $0xF0;
	[sflag:s10] =	ssyncadd.s32 $0xFFFFD800  }
.LBB2_2:
0x34: {  	[tilespmem:s14], [sflag:$0x2] =	stream.indirect.gather [hbm4b:s5+s12], $0x80, s22, s12, $0x2000b8;
	[tilespmem:$0x1F800] =	vst v63  }
0x35: {  	s25 =	smov.u32 s23;
	s22 =	smov.u32 s24  }
0x36: {  	p0 =	sne.s32 s23, $0xF800;
	s23 =	sadd.s32 $0x400, s23;
	_ =	swait.ge [sflag:s17], $0x2800  }
0x37: {  	s25 =	sshra.s32 s25, $0x2;
	[sflag:s17] =	ssyncset.done $0x0  }
0x38: {  	s26 =	sadd.s32 $0x2800, s25;
	[sflag:s17] =	ssyncadd.s32 $0xFFFFD800  }
0x39: {  	[spmem:s2] =	stream.indirect.scatter.add.f32 [tilespmem:s13], [sflag:$0x3], $0x80, s26, s12, $0x2000b8;
	[tilespmem:$0x1F800] =	vst v63  }
0x3a: {  	_ =	swait.ge [sflag:s10], $0x2800  }
0x3b: {  	[sflag:s10] =	ssyncset.done $0x0  }
0x3c: {  	s26 =	sadd.s32 $0xFFFFFFB0, s24;
	[sflag:s10] =	ssyncadd.s32 $0xFFFFD800  }
0x3d: {  	[tilespmem:s13], [sflag:$0x1] =	stream.indirect.gather [hbm4b:s5+s12], $0x80, s26, s12, $0x2000b8;
	[tilespmem:$0x1F800] =	vst v63  }
0x3e: {  	_ =	swait.ge [sflag:s18], $0x2800  }
0x3f: {  	[sflag:s18] =	ssyncset.done $0x0  }
.Ltmp0:
0x40: {  	s25 =	sadd.s32 $0x2880, s25;
	[sflag:s18] =	ssyncadd.s32 $0xFFFFD800;
	(pc) =	sbr.rel @p0 .LBB2_2-.Ltmp0, $4  }
0x41: {  	[spmem:s2] =	stream.indirect.scatter.add.f32 [tilespmem:s14], [sflag:$0x3], $0x80, s25, s12, $0x2000b8;
	[tilespmem:$0x1F800] =	vst v63  }
0x42: {  	_ =	swait.ge [sflag:s10], $0x2800  }
0x43: {  	[sflag:s10] =	ssyncset.done $0x0  }
0x44: {  	s24 =	sadd.s32 $0xA0, s24;
	[sflag:s10] =	ssyncadd.s32 $0xFFFFD800  }
0x45: {  	[tilespmem:s14], [sflag:$0x2] =	stream.indirect.gather [hbm4b:s5+s12], $0x80, s22, s12, $0x2000b8;
	[tilespmem:$0x1F800] =	vst v63  }
0x46: {  	_ =	swait.ge [sflag:s17], $0x2800  }
0x47: {  	[sflag:s17] =	ssyncset.done $0x0  }
0x48: {  	[sflag:s17] =	ssyncadd.s32 $0xFFFFD800  }
0x49: {  	[spmem:s2] =	stream.indirect.scatter.add.f32 [tilespmem:s13], [sflag:$0x3], $0x80, s19, s12, $0x2000b8;
	[tilespmem:$0x1F800] =	vst v63  }
0x4a: {  	_ =	swait.ge [sflag:s10], $0x2800  }
0x4b: {  	[sflag:s10] =	ssyncset.done $0x0  }
0x4c: {  	[sflag:s10] =	ssyncadd.s32 $0xFFFFD800  }
0x4d: {  	_ =	swait.ge [sflag:s18], $0x2800  }
0x4e: {  	[sflag:s18] =	ssyncset.done $0x0  }
0x4f: {  	[sflag:s18] =	ssyncadd.s32 $0xFFFFD800  }
0x50: {  	[spmem:s2] =	stream.indirect.scatter.add.f32 [tilespmem:s14], [sflag:$0x3], $0x80, s20, s12, $0x2000b8;
	[tilespmem:$0x1F800] =	vst v63  }
0x51: {  	_ =	swait.ge [sflag:s10], $0x2800  }
0x52: {  	[sflag:s10] =	ssyncset.done $0x0  }
0x53: {  	[sflag:s10] =	ssyncadd.s32 $0xFFFFD800  }
0x54: {  	[bflag:$0x0] =	sbarrier.arrive $0xFFFF  }
0x55: {  	s21 =	sadd.s32 $0x1, s21;
	_ =	strace $0x9000004D  }
0x56: {  	p0 =	sne.s32 s21, s9;
	_ =	strace $0x8000004E  }
0x57: {  	[hbm:s8], [sflag:s15] =	dma.local [spmem:s16], $0x2800  }
.Ltmp1:
0x58: {  	_ = 	snop;
	(pc) =	sbr.rel @p0 .LBB2_1-.Ltmp1, $4  }
0x59: {  	_ =	swait.ge [sflag:s10], $0x2800  }
0x5a: {  	[sflag:s10] =	ssyncset.done $0x0  }
0x5b: {  	[sflag:s10] =	ssyncadd.s32 $0xFFFFD800  }
0x5c: {  	_ =	strace $0x9000004E  }
0x5d: {  	_ =	sfence.sel $0x180000  }
0x5e: {  	[bflag:$0x0] =	sbarrier.arrive $0xFFFF  }
0x5f: {  	p0 =	sne.s32 s0, $0x0;
	_ =	strace $0x9000004A  }
0x60: {  	s0 =	sadd.s32 @!p0 $0x100000, s1;
	[bflag:$0x2] =	sbarrier.arrive $0xFFFF  }
0x61: {  	[sflag:s0] =	ssyncadd.tile.s32 @!p0 $0x1;
	_ =	shalt  }
.Lfunc_end2:
_tile_overlayer_lowered:
.L_overlay_start_2:
0x62: {  	(tag) =	ssettag $0x2  }
0x63: {  	s0 =	rddreg [dreg:$0x0];
	s2 =	stileid.u32  }
0x64: {  	s1 =	rddreg [dreg:$0x1];
	p0 =	sne.s32 s2, $0x0  }
0x65: {  	s3 =	rddreg [dreg:$0x2];
	[bflag:$0x3] =	sbarrier.arrive $0xFFFF;
	s2 =	simm.s32 @!p0 $0x1C03  }
0x66: {  	[timem:s3], [sflag:s2] =	dma.local @!p0 [hbm:s0], s1  }
0x67: {  	s0 =	simm.s32 @!p0 $0x3  }
0x68: {  	_ =	swait.ge @!p0 [sflag:s0], s1  }
0x69: {  	s1 =	ssub.s32 @!p0 $0x0, s1;
	[sflag:s0] =	ssyncset.done @!p0 $0x0  }
0x6a: {  	[sflag:s0] =	ssyncadd.s32 @!p0 s1  }
0x6b: {  	[bflag:$0x3] =	sbarrier.arrive $0xFFFF  }
0x6c: {  	_ =	shalt  }

// kernel: kernel.19.cloned.1.call-start
scs
__scs_entry_jumppad:
0x0: {  	(pc) =	sbr.rel $0x88, $3  }
0x1: {  	(tag) =	ssettag $0x0;
	lr =	simm.s32 $0x1  }
0x2: {  	[smem:$0x3F92] =	sst lr;
	_ =	strace $0xD0000000  }
0x3: {  	_ = 	snop  }
0x4: {  	_ = 	snop  }
0x5: {  	_ = 	snop  }
0x6: {  	_ = 	snop  }
0x7: {  	_ = 	snop  }
__scs_overlays_trampoline_lowered:
0x8: {  	[smem:$0x3FA1] =	sst s0  }
0x9: {  	[smem:$0x3FA2] =	sst s1  }
0xa: {  	[smem:$0x3FA3] =	sst s2  }
0xb: {  	[smem:$0x3FA4] =	sst s3  }
0xc: {  	[smem:$0x3FA5] =	sst s4  }
0xd: {  	[smem:$0x3FA6] =	sst s5  }
0xe: {  	[smem:$0x3FA7] =	sst s6  }
0xf: {  	[smem:$0x3FA8] =	sst s7  }
0x10: {  	[smem:$0x3FA9] =	sst s8  }
0x11: {  	[smem:$0x3FAA] =	sst s9;
	s0 =	simm.s32 @!p0 $0x0  }
0x12: {  	s1 =	sld [smem:$0x3F90];
	s0 =	simm.s32 @p0 $0x1  }
0x13: {  	[smem:$0x3FAB] =	sst s0;
	s0 =	simm.s32 @!p1 $0x0  }
0x14: {  	s2 =	sld [smem:$0x3F8F];
	s0 =	simm.s32 @p1 $0x1  }
0x15: {  	[smem:$0x3FAC] =	sst s0;
	s0 =	simm.s32 @!p2 $0x0  }
0x16: {  	s3 =	sld [smem:$0x3FDB];
	s0 =	simm.s32 @p2 $0x1  }
0x17: {  	s4 =	simm.s32 $0x1BF5;
	[smem:$0x3FAE] =	sst s0  }
0x18: {  	s0 =	sld [smem:$0x3F91];
	_ =	swait.ge [sflag:s4], $0x0  }
0x19: {  	s7 =	sld [smem:$0x3F92]  }
0x1a: {  	s8 =	sadd.s32 $0xFFFFE003, lr  }
0x1b: {  	s9 =	sadd.s32 $0xFFFFFEF7, lr;
	s5 =	simm.s32 $0xFFFFFFFF;
	p2 =	slt.u32 s8, $0xFFFFF086  }
0x1c: {  	p1 =	slt.u32 s9, $0xF7A;
	s5 =	simm.s32 @!p2 $0x0  }
0x1d: {  	s5 =	simm.s32 @p1 $0x1;
	p0 =	seq.s32 s7, s2  }
0x1e: {  	s7 =	smul.u32 @!p0 $0xF7A, s2;
	p2 =	seq.s32 @!p0 s5, $0x0  }
0x1f: {  	s9 =	smul.u32 $0xF7A, s1;
	s8 =	simm.s32 @!p0 $0x1BF5;
	p2 =	por !p2, p0  }
0x20: {  	[sflag:s8] =	ssyncset.s32 @!p0 $0xFFFFF086;
	s6 =	sadd.s32 @!p0 s3, s7;
	s7 =	simm.s32 @!p0 $0x108  }
0x21: {  	s3 =	sadd.s32 s3, s9;
	s6 =	sadd.s32 @!p0 $0x88, s6;
	s7 =	simm.s32 @p2 $0x1082  }
0x22: {  	[simem:s7], [sflag:s8] =	dma.local @!p0 [hbm:s6], $0xF7A  }
0x23: {  	s9 =	sor.u32 $0xD0000000, s2;
	s6 =	simm.s32 $0x108;
	_ =	swait.ge @!p0 [sflag:s8], $0x0  }
0x24: {  	s3 =	sadd.s32 $0x88, s3;
	s6 =	simm.s32 @!p1 $0x1082;
	[sflag:s4] =	ssyncset.s32 $0xFFFFF086  }
0x25: {  	[simem:s6], [sflag:s4] =	dma.local [hbm:s3], $0xF7A  }
0x26: {  	[smem:$0x3F92] =	sst s1;
	(tag) =	ssettag s2;
	_ =	strace s9  }
0x27: {  	s1 =	sld [smem:$0x3FA2]  }
0x28: {  	s2 =	sld [smem:$0x3FA3]  }
0x29: {  	s4 =	sld [smem:$0x3FA5]  }
0x2a: {  	p0 =	seq.s32 s5, $0x0;
	s5 =	sld [smem:$0x3FA6]  }
0x2b: {  	s6 =	sld [smem:$0x3FA7]  }
0x2c: {  	s7 =	sld [smem:$0x3FA8]  }
0x2d: {  	s3 =	simm.s32 $0x108;
	s8 =	sld [smem:$0x3FA9]  }
0x2e: {  	s3 =	simm.s32 @!p0 $0x1082;
	s9 =	sld [smem:$0x3FAA]  }
0x2f: {  	lr =	sadd.s32 s0, s3;
	s0 =	sld [smem:$0x3FA1]  }
0x30: {  	s3 =	sld [smem:$0x3FA4]  }
0x31: {  	[smem:$0x3FAD] =	sst s10  }
0x32: {  	s10 =	sld [smem:$0x3FAB];
	_ =	sdelay $0x3  }
0x33: {  	p0 =	seq.s32 s10, $0x1;
	s10 =	sld [smem:$0x3FAD];
	_ =	sdelay $0x3  }
0x34: {  	[smem:$0x3FAD] =	sst s10  }
0x35: {  	s10 =	sld [smem:$0x3FAC];
	_ =	sdelay $0x3  }
0x36: {  	p1 =	seq.s32 s10, $0x1;
	s10 =	sld [smem:$0x3FAD];
	_ =	sdelay $0x3  }
0x37: {  	[smem:$0x3FAD] =	sst s10  }
0x38: {  	s10 =	sld [smem:$0x3FAE]  }
0x39: {  	_ = 	snop;
	(pc) =	sbr.ind lr, $3  }
0x3a: {  	_ = 	snop  }
0x3b: {  	_ = 	snop  }
0x3c: {  	p2 =	seq.s32 s10, $0x1;
	s10 =	sld [smem:$0x3FAD]  }
0x3d: {  	_ =	shalt  }
0x3e: {  	_ =	shalt  }
0x3f: {  	_ =	shalt  }
0x40: {  	_ =	shalt  }
0x41: {  	_ =	shalt  }
0x42: {  	_ =	shalt  }
0x43: {  	_ =	shalt  }
0x44: {  	_ =	shalt  }
0x45: {  	_ =	shalt  }
0x46: {  	_ =	shalt  }
0x47: {  	_ =	shalt  }
0x48: {  	_ =	shalt  }
0x49: {  	_ =	shalt  }
0x4a: {  	_ =	shalt  }
0x4b: {  	_ =	shalt  }
0x4c: {  	_ =	shalt  }
0x4d: {  	_ =	shalt  }
0x4e: {  	_ =	shalt  }
0x4f: {  	_ =	shalt  }
0x50: {  	_ =	shalt  }
0x51: {  	_ =	shalt  }
0x52: {  	_ =	shalt  }
0x53: {  	_ =	shalt  }
0x54: {  	_ =	shalt  }
0x55: {  	_ =	shalt  }
0x56: {  	_ =	shalt  }
0x57: {  	_ =	shalt  }
0x58: {  	_ =	shalt  }
0x59: {  	_ =	shalt  }
0x5a: {  	_ =	shalt  }
0x5b: {  	_ =	shalt  }
0x5c: {  	_ =	shalt  }
0x5d: {  	_ =	shalt  }
0x5e: {  	_ =	shalt  }
0x5f: {  	_ =	shalt  }
0x60: {  	_ =	shalt  }
0x61: {  	_ =	shalt  }
0x62: {  	_ =	shalt  }
0x63: {  	_ =	shalt  }
0x64: {  	_ =	shalt  }
0x65: {  	_ =	shalt  }
0x66: {  	_ =	shalt  }
0x67: {  	_ =	shalt  }
0x68: {  	_ =	shalt  }
0x69: {  	_ =	shalt  }
0x6a: {  	_ =	shalt  }
0x6b: {  	_ =	shalt  }
0x6c: {  	_ =	shalt  }
0x6d: {  	_ =	shalt  }
0x6e: {  	_ =	shalt  }
0x6f: {  	_ =	shalt  }
0x70: {  	_ =	shalt  }
0x71: {  	_ =	shalt  }
0x72: {  	_ =	shalt  }
0x73: {  	_ =	shalt  }
0x74: {  	_ =	shalt  }
0x75: {  	_ =	shalt  }
0x76: {  	_ =	shalt  }
0x77: {  	_ =	shalt  }
0x78: {  	_ =	shalt  }
0x79: {  	_ =	shalt  }
0x7a: {  	_ =	shalt  }
0x7b: {  	_ =	shalt  }
0x7c: {  	_ =	shalt  }
0x7d: {  	_ =	shalt  }
0x7e: {  	_ =	shalt  }
0x7f: {  	_ =	shalt  }
0x80: {  	_ =	shalt  }
0x81: {  	_ =	shalt  }
0x82: {  	_ =	shalt  }
0x83: {  	_ =	shalt  }
0x84: {  	_ =	shalt  }
0x85: {  	_ =	shalt  }
0x86: {  	_ =	shalt  }
0x87: {  	_ =	shalt  }
.Lfunc_end0:
.L_simem_size_0:
called_computation.2_lowered:
.L_overlay_start_0:
0x88: {  	s2 =	sld [smem:$0x3FD9]  }
0x89: {  	s3 =	sld [smem:$0x3FFE];
	_ =	sdelay $0x1  }
0x8a: {  	s1 =	srdreg.scid  }
0x8b: {  	s0 =	sand.u32 $0x1, s1  }
0x8c: {  	s16 =	sshll.u32 s0, $0xA;
	s2 =	sadd.s32 s3, s2  }
0x8d: {  	s2 =	sadd.s32 s2, s16  }
0x8e: {  	[smem:$0x3FB9] =	sst s2  }
0x8f: {  	_ = 	snop  }
0x90: {  	(tm) =	ssettm $0x1  }
0x91: {  	s17 =	sld [smem:$0x3FFB];
	_ =	sdelay $0x3  }
0x92: {  	_ =	strace s17  }
0x93: {  	s2 =	sld [smem:$0x3FFC];
	_ =	sdelay $0x3  }
0x94: {  	_ =	strace s2  }
0x95: {  	s2 =	sld [smem:$0x3FFD];
	_ =	sdelay $0x3  }
0x96: {  	_ =	strace s2  }
0x97: {  	_ =	strace $0x8FFFFFFF  }
0x98: {  	s18 =	sld [smem:$0x3FDB];
	_ =	sdelay $0x1  }
0x99: {  	s19 =	simm.s32 $_scs_section_size  }
0x9a: {  	s4 =	simm.s32 $_size__tile_overlayer_lowered;
	s5 =	simm.s32 $_tile_overlayer_lowered  }
0x9b: {  	s22 =	simm.s32 $0x1BFF;
	s21 =	sshll.u32 s5, $0x1;
	s2 =	sadd.s32 s19, s18  }
0x9c: {  	s6 =	simm.s32 $0x0;
	s20 =	sshll.u32 s4, $0x1;
	s4 =	sadd.s32 s21, s2  }
0x9d: {  	[timem:s6], [sflag:s22] =	dma.local [hbm:s4], s20  }
0x9e: {  	_ =	swait.ge [sflag:s22], s20  }
0x9f: {  	s3 =	ssub.s32 $0x0, s20;
	[sflag:s22] =	ssyncset.done $0x0  }
0xa0: {  	[sflag:s22] =	ssyncadd.s32 s3;
	_ =	sdelay $0x1  }
0xa1: {  	s23 =	simm.s32 $0x1B8B  }
0xa2: {  	_ =	swait.ge [sflag:s23], $0x1  }
0xa3: {  	[sflag:s23] =	ssyncset.done $0x0  }
0xa4: {  	s25 =	simm.s32 $0x1B8E;
	s24 =	sld [smem:$0x3FFE];
	[sflag:s23] =	ssyncadd.s32 $0xFFFFFFFF  }
0xa5: {  	s26 =	simm.s32 $execute0_lowered;
	[smem:$0x3FD2] =	sst s25  }
0xa6: {  	s4 =	sshll.u32 s26, $0x1;
	_ =	strace $0x80000050;
	[dreg:$0x1] =	wrdreg $0xFFFFFFFF  }
0xa7: {  	s28 =	simm.s32 $_size_execute0_lowered;
	s2 =	sadd.s32 s2, s4;
	[dreg:$0x0] =	wrdreg $0x0  }
0xa8: {  	s4 =	sshll.u32 s28, $0x1;
	[dreg:$0x2] =	wrdreg s2  }
0xa9: {  	[dreg:$0x3] =	wrdreg s4  }
0xaa: {  	[dreg:$0x4] =	wrdreg $0xC0  }
0xab: {  	_ =	task [dreg:s6], $0x5FFFF  }
0xac: {  	[dreg:$0x1] =	wrdreg $0xFFFFFFFF  }
0xad: {  	[dreg:$0x0] =	wrdreg $0x60  }
0xae: {  	[dreg:$0x2] =	wrdreg s24  }
0xaf: {  	[dreg:$0x3] =	wrdreg $0xB8000  }
0xb0: {  	[dreg:$0x4] =	wrdreg $0x9  }
0xb1: {  	_ =	task.clear_ibuf [dreg:s6], $0x5FFFF;
	_ =	strace $0x90000050  }
0xb2: {  	s29 =	simm.s32 $0x9;
	_ =	strace $0x80000056  }
0xb3: {  	_ =	swait.ge [sflag:s29], $0x1  }
0xb4: {  	[sflag:s29] =	ssyncadd.s32 $0xFFFFFFFF  }
0xb5: {  	_ =	strace $0x90000056  }
0xb6: {  	_ =	sfence  }
0xb7: {  	s30 =	sld [smem:$0x0];
	_ =	sdelay $0x2  }
0xb8: {  	s31 =	sshll.u32 s1, $0xD;
	s1 =	sshrl.u32 s1, $0x2  }
0xb9: {  	s3 =	sand.u32 $0x4000, s31;
	s1 =	sadd.s32 s1, s30  }
0xba: {  	s0 =	sor.u32 s3, s0;
	s1 =	sshll.u32 s1, $0x11  }
0xbb: {  	s0 =	sor.u32 s1, s0  }
0xbc: {  	s0 =	sadd.s32 $0x8F2B, s0  }
0xbd: {  	[sflag:s0] =	ssyncadd.remote.s32 $0x1  }
0xbe: {  	_ =	sfence.sel $0xFFFF  }
0xbf: {  	[dreg:$0x0] =	wrdreg $0xFFFFFFFF;
	(pc) =	sbr.abs _section_cstart, $3  }
0xc0: {  	[dreg:$0x1] =	wrdreg $0xFFFFFFFF  }
0xc1: {  	_ =	task.clear_ibuf [dreg:s6], $0x2FFFF;
	_ =	strace $0x9FFFFFFF  }
0xc2: {  	(tm) =	ssettm $0x7FFFFFFF  }
0xc3: {  	_ =	shalt  }
tec
execute0_lowered:
.L_overlay_start_1:
0x0: {  	(tag) =	ssettag $0x1  }
0x1: {  	s6 =	rddreg [dreg:$0x0];
	s1 =	srdreg.scid  }
0x2: {  	s0 =	stileid.u32;
	s2 =	rddreg [dreg:$0x1];
	s3 =	simm.s32 $0x0  }
0x3: {  	s13 =	simm.s32 $0x6800;
	s14 =	simm.s32 $0x9000;
	s17 =	simm.s32 $0x1  }
0x4: {  	s18 =	simm.s32 $0x2;
	s19 =	simm.s32 $0x6700;
	s20 =	simm.s32 $0x6780  }
0x5: {  	s21 =	simm.s32 $0x0;
	s7 =	sand.u32 $0x1, s1;
	s1 =	rddreg [dreg:$0x2]  }
0x6: {  	s4 =	sshll.u32 s0, $0x1;
	[smem:$0x7FF] =	sst s3;
	s10 =	smul.u32 $0x2800, s0  }
0x7: {  	s5 =	sadd.s32 $0x7800, s6;
	s12 =	smul.u32 $0x50000, s0;
	s15 =	sshll.u32 s0, $0x6  }
0x8: {  	s8 =	sor.u32 s7, s4;
	_ =	strace $0x80000051;
	s4 =	sadd.s32 $0x49E00, s6  }
0x9: {  	s11 =	smul.u32 $0x28000, s7;
	s7 =	ssub.s32 $0x2, s7;
	s15 =	sor.u32 $0x1C03, s15  }
0xa: {  	s9 =	smul.u32 $0x500, s8;
	s8 =	sshll.u32 s8, $0xB;
	s31 =	sshrl.u32 s7, $0x1  }
0xb: {  	s12 =	sshrl.u32 s12, $0x2;
	s8 =	sadd.s32 s8, s6;
	s10 =	sadd.s32 s10, s11  }
0xc: {  	s11 =	ssub.s32 s7, s31;
	s16 =	sadd.s32 s12, s2;
	s12 =	simm.s32 $0x50  }
0xd: {  	s9 =	sadd.s32 s9, s6;
	s10 =	sadd.s32 s10, s6;
	s7 =	sadd.s32 $0x39E00, s8  }
0xe: {  	s16 =	sshrl.u32 s16, $0x3;
	s6 =	sadd.s32 $0x2FE00, s9;
	s8 =	sadd.s32 $0x4C600, s10  }
0xf: {  	s9 =	smax.u32 s11, $0x1;
	s10 =	simm.s32 $0x3;
	s11 =	simm.s32 $0x2800  }
.LBB2_1:
0x10: {  	_ =	strace $0x80000052  }
0x11: {  	[tilespmem:s3], [sflag:$0x3] =	stream.linear.gather [hbm4b:s6+s3], $0x2800, $0x200038;
	[tilespmem:$0x1F800] =	vst v63  }
0x12: {  	_ =	swait.ge [sflag:s10], $0x2800  }
0x13: {  	[sflag:s10] =	ssyncset.done $0x0  }
0x14: {  	[sflag:s10] =	ssyncadd.s32 $0xFFFFD800  }
0x15: {  	[tilespmem:s11], [sflag:$0x3] =	stream.linear.gather [hbm4b:s7+s3], $0x4000, $0x200038;
	[tilespmem:$0x1F800] =	vst v63  }
0x16: {  	_ =	swait.ge [sflag:s10], $0x4000  }
0x17: {  	[sflag:s10] =	ssyncset.done $0x0  }
0x18: {  	[sflag:s10] =	ssyncadd.s32 $0xFFFFC000  }
0x19: {  	_ =	strace $0x90000052  }
0x1a: {  	[tilespmem:s13], [sflag:$0x1] =	stream.indirect.gather [hbm4b:s5+s12], $0x80, s3, s12, $0xb8;
	[tilespmem:$0x1F800] =	vst v63  }
0x1b: {  	_ = 	snop  }
0x1c: {  	[tilespmem:s14], [sflag:$0x2] =	stream.indirect.gather [hbm4b:s5+s12], $0x80, s12, s12, $0xb8;
	[tilespmem:$0x1F800] =	vst v63  }
0x1d: {  	_ =	strace $0x80000053  }
0x1e: {  	[spmem:s16], [sflag:s15] =	dma.local [hbm:s4], $0x2800  }
0x1f: {  	_ =	swait.ge [sflag:s10], $0x2800  }
0x20: {  	[sflag:s10] =	ssyncset.done $0x0  }
0x21: {  	[sflag:s10] =	ssyncadd.s32 $0xFFFFD800  }
0x22: {  	[bflag:$0x0] =	sbarrier.arrive $0xFFFF  }
0x23: {  	_ =	strace $0x90000053  }
0x24: {  	_ =	strace $0x80000054  }
0x25: {  	_ =	swait.ge [sflag:s17], $0x2800  }
0x26: {  	[sflag:s17] =	ssyncset.done $0x0  }
0x27: {  	s22 =	simm.s32 $0x2800;
	[sflag:s17] =	ssyncadd.s32 $0xFFFFD800  }
0x28: {  	[spmem:s2] =	stream.indirect.scatter.add.f32 [tilespmem:s13], [sflag:$0x3], $0x80, s22, s12, $0x2000b8;
	[tilespmem:$0x1F800] =	vst v63  }
0x29: {  	_ =	swait.ge [sflag:s10], $0x2800  }
0x2a: {  	[sflag:s10] =	ssyncset.done $0x0  }
0x2b: {  	s30 =	simm.s32 $0xA0;
	[sflag:s10] =	ssyncadd.s32 $0xFFFFD800  }
0x2c: {  	[tilespmem:s13], [sflag:$0x1] =	stream.indirect.gather [hbm4b:s5+s12], $0x80, s30, s12, $0x2000b8;
	[tilespmem:$0x1F800] =	vst v63  }
0x2d: {  	_ =	swait.ge [sflag:s18], $0x2800  }
0x2e: {  	[sflag:s18] =	ssyncset.done $0x0  }
0x2f: {  	s31 =	simm.s32 $0x2880;
	[sflag:s18] =	ssyncadd.s32 $0xFFFFD800  }
0x30: {  	[spmem:s2] =	stream.indirect.scatter.add.f32 [tilespmem:s14], [sflag:$0x3], $0x80, s31, s12, $0x2000b8;
	[tilespmem:$0x1F800] =	vst v63  }
0x31: {  	_ =	swait.ge [sflag:s10], $0x2800  }
0x32: {  	s23 =	simm.s32 $0x400;
	[sflag:s10] =	ssyncset.done $0x0  }
0x33: {  	s24 =	simm.s32 $0x190;
	s22 =	simm.s32 $0xF0;
	[sflag:s10] =	ssyncadd.s32 $0xFFFFD800  }
.LBB2_2:
0x34: {  	[tilespmem:s14], [sflag:$0x2] =	stream.indirect.gather [hbm4b:s5+s12], $0x80, s22, s12, $0x2000b8;
	[tilespmem:$0x1F800] =	vst v63  }
0x35: {  	s25 =	smov.u32 s23;
	s22 =	smov.u32 s24  }
0x36: {  	p0 =	sne.s32 s23, $0xF800;
	s23 =	sadd.s32 $0x400, s23;
	_ =	swait.ge [sflag:s17], $0x2800  }
0x37: {  	s25 =	sshra.s32 s25, $0x2;
	[sflag:s17] =	ssyncset.done $0x0  }
0x38: {  	s26 =	sadd.s32 $0x2800, s25;
	[sflag:s17] =	ssyncadd.s32 $0xFFFFD800  }
0x39: {  	[spmem:s2] =	stream.indirect.scatter.add.f32 [tilespmem:s13], [sflag:$0x3], $0x80, s26, s12, $0x2000b8;
	[tilespmem:$0x1F800] =	vst v63  }
0x3a: {  	_ =	swait.ge [sflag:s10], $0x2800  }
0x3b: {  	[sflag:s10] =	ssyncset.done $0x0  }
0x3c: {  	s26 =	sadd.s32 $0xFFFFFFB0, s24;
	[sflag:s10] =	ssyncadd.s32 $0xFFFFD800  }
0x3d: {  	[tilespmem:s13], [sflag:$0x1] =	stream.indirect.gather [hbm4b:s5+s12], $0x80, s26, s12, $0x2000b8;
	[tilespmem:$0x1F800] =	vst v63  }
0x3e: {  	_ =	swait.ge [sflag:s18], $0x2800  }
0x3f: {  	[sflag:s18] =	ssyncset.done $0x0  }
.Ltmp0:
0x40: {  	s25 =	sadd.s32 $0x2880, s25;
	[sflag:s18] =	ssyncadd.s32 $0xFFFFD800;
	(pc) =	sbr.rel @p0 .LBB2_2-.Ltmp0, $4  }
0x41: {  	[spmem:s2] =	stream.indirect.scatter.add.f32 [tilespmem:s14], [sflag:$0x3], $0x80, s25, s12, $0x2000b8;
	[tilespmem:$0x1F800] =	vst v63  }
0x42: {  	_ =	swait.ge [sflag:s10], $0x2800  }
0x43: {  	[sflag:s10] =	ssyncset.done $0x0  }
0x44: {  	s24 =	sadd.s32 $0xA0, s24;
	[sflag:s10] =	ssyncadd.s32 $0xFFFFD800  }
0x45: {  	[tilespmem:s14], [sflag:$0x2] =	stream.indirect.gather [hbm4b:s5+s12], $0x80, s22, s12, $0x2000b8;
	[tilespmem:$0x1F800] =	vst v63  }
0x46: {  	_ =	swait.ge [sflag:s17], $0x2800  }
0x47: {  	[sflag:s17] =	ssyncset.done $0x0  }
0x48: {  	[sflag:s17] =	ssyncadd.s32 $0xFFFFD800  }
0x49: {  	[spmem:s2] =	stream.indirect.scatter.add.f32 [tilespmem:s13], [sflag:$0x3], $0x80, s19, s12, $0x2000b8;
	[tilespmem:$0x1F800] =	vst v63  }
0x4a: {  	_ =	swait.ge [sflag:s10], $0x2800  }
0x4b: {  	[sflag:s10] =	ssyncset.done $0x0  }
0x4c: {  	[sflag:s10] =	ssyncadd.s32 $0xFFFFD800  }
0x4d: {  	_ =	swait.ge [sflag:s18], $0x2800  }
0x4e: {  	[sflag:s18] =	ssyncset.done $0x0  }
0x4f: {  	[sflag:s18] =	ssyncadd.s32 $0xFFFFD800  }
0x50: {  	[spmem:s2] =	stream.indirect.scatter.add.f32 [tilespmem:s14], [sflag:$0x3], $0x80, s20, s12, $0x2000b8;
	[tilespmem:$0x1F800] =	vst v63  }
0x51: {  	_ =	swait.ge [sflag:s10], $0x2800  }
0x52: {  	[sflag:s10] =	ssyncset.done $0x0  }
0x53: {  	[sflag:s10] =	ssyncadd.s32 $0xFFFFD800  }
0x54: {  	[bflag:$0x0] =	sbarrier.arrive $0xFFFF  }
0x55: {  	s21 =	sadd.s32 $0x1, s21;
	_ =	strace $0x90000054  }
0x56: {  	p0 =	sne.s32 s21, s9;
	_ =	strace $0x80000055  }
0x57: {  	[hbm:s8], [sflag:s15] =	dma.local [spmem:s16], $0x2800  }
.Ltmp1:
0x58: {  	_ = 	snop;
	(pc) =	sbr.rel @p0 .LBB2_1-.Ltmp1, $4  }
0x59: {  	_ =	swait.ge [sflag:s10], $0x2800  }
0x5a: {  	[sflag:s10] =	ssyncset.done $0x0  }
0x5b: {  	[sflag:s10] =	ssyncadd.s32 $0xFFFFD800  }
0x5c: {  	_ =	strace $0x90000055  }
0x5d: {  	_ =	sfence.sel $0x180000  }
0x5e: {  	[bflag:$0x0] =	sbarrier.arrive $0xFFFF  }
0x5f: {  	p0 =	sne.s32 s0, $0x0;
	_ =	strace $0x90000051  }
0x60: {  	s0 =	sadd.s32 @!p0 $0x100000, s1;
	[bflag:$0x2] =	sbarrier.arrive $0xFFFF  }
0x61: {  	[sflag:s0] =	ssyncadd.tile.s32 @!p0 $0x1;
	_ =	shalt  }
.Lfunc_end2:
_tile_overlayer_lowered:
.L_overlay_start_2:
0x62: {  	(tag) =	ssettag $0x2  }
0x63: {  	s0 =	rddreg [dreg:$0x0];
	s2 =	stileid.u32  }
0x64: {  	s1 =	rddreg [dreg:$0x1];
	p0 =	sne.s32 s2, $0x0  }
0x65: {  	s3 =	rddreg [dreg:$0x2];
	[bflag:$0x3] =	sbarrier.arrive $0xFFFF;
	s2 =	simm.s32 @!p0 $0x1C03  }
0x66: {  	[timem:s3], [sflag:s2] =	dma.local @!p0 [hbm:s0], s1  }
0x67: {  	s0 =	simm.s32 @!p0 $0x3  }
0x68: {  	_ =	swait.ge @!p0 [sflag:s0], s1  }
0x69: {  	s1 =	ssub.s32 @!p0 $0x0, s1;
	[sflag:s0] =	ssyncset.done @!p0 $0x0  }
0x6a: {  	[sflag:s0] =	ssyncadd.s32 @!p0 s1  }
0x6b: {  	[bflag:$0x3] =	sbarrier.arrive $0xFFFF  }
0x6c: {  	_ =	shalt  }

// kernel: kernel.22.cloned.1.call-start
scs
__scs_entry_jumppad:
0x0: {  	(pc) =	sbr.rel $0x88, $3  }
0x1: {  	(tag) =	ssettag $0x0;
	lr =	simm.s32 $0x1  }
0x2: {  	[smem:$0x3F92] =	sst lr;
	_ =	strace $0xD0000000  }
0x3: {  	_ = 	snop  }
0x4: {  	_ = 	snop  }
0x5: {  	_ = 	snop  }
0x6: {  	_ = 	snop  }
0x7: {  	_ = 	snop  }
__scs_overlays_trampoline_lowered:
0x8: {  	[smem:$0x3FA1] =	sst s0  }
0x9: {  	[smem:$0x3FA2] =	sst s1  }
0xa: {  	[smem:$0x3FA3] =	sst s2  }
0xb: {  	[smem:$0x3FA4] =	sst s3  }
0xc: {  	[smem:$0x3FA5] =	sst s4  }
0xd: {  	[smem:$0x3FA6] =	sst s5  }
0xe: {  	[smem:$0x3FA7] =	sst s6  }
0xf: {  	[smem:$0x3FA8] =	sst s7  }
0x10: {  	[smem:$0x3FA9] =	sst s8  }
0x11: {  	[smem:$0x3FAA] =	sst s9;
	s0 =	simm.s32 @!p0 $0x0  }
0x12: {  	s1 =	sld [smem:$0x3F90];
	s0 =	simm.s32 @p0 $0x1  }
0x13: {  	[smem:$0x3FAB] =	sst s0;
	s0 =	simm.s32 @!p1 $0x0  }
0x14: {  	s2 =	sld [smem:$0x3F8F];
	s0 =	simm.s32 @p1 $0x1  }
0x15: {  	[smem:$0x3FAC] =	sst s0;
	s0 =	simm.s32 @!p2 $0x0  }
0x16: {  	s3 =	sld [smem:$0x3FDB];
	s0 =	simm.s32 @p2 $0x1  }
0x17: {  	s4 =	simm.s32 $0x1BF5;
	[smem:$0x3FAE] =	sst s0  }
0x18: {  	s0 =	sld [smem:$0x3F91];
	_ =	swait.ge [sflag:s4], $0x0  }
0x19: {  	s7 =	sld [smem:$0x3F92]  }
0x1a: {  	s8 =	sadd.s32 $0xFFFFE003, lr  }
0x1b: {  	s9 =	sadd.s32 $0xFFFFFEF7, lr;
	s5 =	simm.s32 $0xFFFFFFFF;
	p2 =	slt.u32 s8, $0xFFFFF086  }
0x1c: {  	p1 =	slt.u32 s9, $0xF7A;
	s5 =	simm.s32 @!p2 $0x0  }
0x1d: {  	s5 =	simm.s32 @p1 $0x1;
	p0 =	seq.s32 s7, s2  }
0x1e: {  	s7 =	smul.u32 @!p0 $0xF7A, s2;
	p2 =	seq.s32 @!p0 s5, $0x0  }
0x1f: {  	s9 =	smul.u32 $0xF7A, s1;
	s8 =	simm.s32 @!p0 $0x1BF5;
	p2 =	por !p2, p0  }
0x20: {  	[sflag:s8] =	ssyncset.s32 @!p0 $0xFFFFF086;
	s6 =	sadd.s32 @!p0 s3, s7;
	s7 =	simm.s32 @!p0 $0x108  }
0x21: {  	s3 =	sadd.s32 s3, s9;
	s6 =	sadd.s32 @!p0 $0x88, s6;
	s7 =	simm.s32 @p2 $0x1082  }
0x22: {  	[simem:s7], [sflag:s8] =	dma.local @!p0 [hbm:s6], $0xF7A  }
0x23: {  	s9 =	sor.u32 $0xD0000000, s2;
	s6 =	simm.s32 $0x108;
	_ =	swait.ge @!p0 [sflag:s8], $0x0  }
0x24: {  	s3 =	sadd.s32 $0x88, s3;
	s6 =	simm.s32 @!p1 $0x1082;
	[sflag:s4] =	ssyncset.s32 $0xFFFFF086  }
0x25: {  	[simem:s6], [sflag:s4] =	dma.local [hbm:s3], $0xF7A  }
0x26: {  	[smem:$0x3F92] =	sst s1;
	(tag) =	ssettag s2;
	_ =	strace s9  }
0x27: {  	s1 =	sld [smem:$0x3FA2]  }
0x28: {  	s2 =	sld [smem:$0x3FA3]  }
0x29: {  	s4 =	sld [smem:$0x3FA5]  }
0x2a: {  	p0 =	seq.s32 s5, $0x0;
	s5 =	sld [smem:$0x3FA6]  }
0x2b: {  	s6 =	sld [smem:$0x3FA7]  }
0x2c: {  	s7 =	sld [smem:$0x3FA8]  }
0x2d: {  	s3 =	simm.s32 $0x108;
	s8 =	sld [smem:$0x3FA9]  }
0x2e: {  	s3 =	simm.s32 @!p0 $0x1082;
	s9 =	sld [smem:$0x3FAA]  }
0x2f: {  	lr =	sadd.s32 s0, s3;
	s0 =	sld [smem:$0x3FA1]  }
0x30: {  	s3 =	sld [smem:$0x3FA4]  }
0x31: {  	[smem:$0x3FAD] =	sst s10  }
0x32: {  	s10 =	sld [smem:$0x3FAB];
	_ =	sdelay $0x3  }
0x33: {  	p0 =	seq.s32 s10, $0x1;
	s10 =	sld [smem:$0x3FAD];
	_ =	sdelay $0x3  }
0x34: {  	[smem:$0x3FAD] =	sst s10  }
0x35: {  	s10 =	sld [smem:$0x3FAC];
	_ =	sdelay $0x3  }
0x36: {  	p1 =	seq.s32 s10, $0x1;
	s10 =	sld [smem:$0x3FAD];
	_ =	sdelay $0x3  }
0x37: {  	[smem:$0x3FAD] =	sst s10  }
0x38: {  	s10 =	sld [smem:$0x3FAE]  }
0x39: {  	_ = 	snop;
	(pc) =	sbr.ind lr, $3  }
0x3a: {  	_ = 	snop  }
0x3b: {  	_ = 	snop  }
0x3c: {  	p2 =	seq.s32 s10, $0x1;
	s10 =	sld [smem:$0x3FAD]  }
0x3d: {  	_ =	shalt  }
0x3e: {  	_ =	shalt  }
0x3f: {  	_ =	shalt  }
0x40: {  	_ =	shalt  }
0x41: {  	_ =	shalt  }
0x42: {  	_ =	shalt  }
0x43: {  	_ =	shalt  }
0x44: {  	_ =	shalt  }
0x45: {  	_ =	shalt  }
0x46: {  	_ =	shalt  }
0x47: {  	_ =	shalt  }
0x48: {  	_ =	shalt  }
0x49: {  	_ =	shalt  }
0x4a: {  	_ =	shalt  }
0x4b: {  	_ =	shalt  }
0x4c: {  	_ =	shalt  }
0x4d: {  	_ =	shalt  }
0x4e: {  	_ =	shalt  }
0x4f: {  	_ =	shalt  }
0x50: {  	_ =	shalt  }
0x51: {  	_ =	shalt  }
0x52: {  	_ =	shalt  }
0x53: {  	_ =	shalt  }
0x54: {  	_ =	shalt  }
0x55: {  	_ =	shalt  }
0x56: {  	_ =	shalt  }
0x57: {  	_ =	shalt  }
0x58: {  	_ =	shalt  }
0x59: {  	_ =	shalt  }
0x5a: {  	_ =	shalt  }
0x5b: {  	_ =	shalt  }
0x5c: {  	_ =	shalt  }
0x5d: {  	_ =	shalt  }
0x5e: {  	_ =	shalt  }
0x5f: {  	_ =	shalt  }
0x60: {  	_ =	shalt  }
0x61: {  	_ =	shalt  }
0x62: {  	_ =	shalt  }
0x63: {  	_ =	shalt  }
0x64: {  	_ =	shalt  }
0x65: {  	_ =	shalt  }
0x66: {  	_ =	shalt  }
0x67: {  	_ =	shalt  }
0x68: {  	_ =	shalt  }
0x69: {  	_ =	shalt  }
0x6a: {  	_ =	shalt  }
0x6b: {  	_ =	shalt  }
0x6c: {  	_ =	shalt  }
0x6d: {  	_ =	shalt  }
0x6e: {  	_ =	shalt  }
0x6f: {  	_ =	shalt  }
0x70: {  	_ =	shalt  }
0x71: {  	_ =	shalt  }
0x72: {  	_ =	shalt  }
0x73: {  	_ =	shalt  }
0x74: {  	_ =	shalt  }
0x75: {  	_ =	shalt  }
0x76: {  	_ =	shalt  }
0x77: {  	_ =	shalt  }
0x78: {  	_ =	shalt  }
0x79: {  	_ =	shalt  }
0x7a: {  	_ =	shalt  }
0x7b: {  	_ =	shalt  }
0x7c: {  	_ =	shalt  }
0x7d: {  	_ =	shalt  }
0x7e: {  	_ =	shalt  }
0x7f: {  	_ =	shalt  }
0x80: {  	_ =	shalt  }
0x81: {  	_ =	shalt  }
0x82: {  	_ =	shalt  }
0x83: {  	_ =	shalt  }
0x84: {  	_ =	shalt  }
0x85: {  	_ =	shalt  }
0x86: {  	_ =	shalt  }
0x87: {  	_ =	shalt  }
.Lfunc_end0:
.L_simem_size_0:
called_computation.3_lowered:
.L_overlay_start_0:
0x88: {  	s2 =	sld [smem:$0x3FD9]  }
0x89: {  	s3 =	sld [smem:$0x3FFE];
	_ =	sdelay $0x1  }
0x8a: {  	s1 =	srdreg.scid  }
0x8b: {  	s0 =	sand.u32 $0x1, s1  }
0x8c: {  	s16 =	sshll.u32 s0, $0xA;
	s2 =	sadd.s32 s3, s2  }
0x8d: {  	s2 =	sadd.s32 s2, s16  }
0x8e: {  	[smem:$0x3FB9] =	sst s2  }
0x8f: {  	_ = 	snop  }
0x90: {  	(tm) =	ssettm $0x1  }
0x91: {  	s17 =	sld [smem:$0x3FFB];
	_ =	sdelay $0x3  }
0x92: {  	_ =	strace s17  }
0x93: {  	s2 =	sld [smem:$0x3FFC];
	_ =	sdelay $0x3  }
0x94: {  	_ =	strace s2  }
0x95: {  	s2 =	sld [smem:$0x3FFD];
	_ =	sdelay $0x3  }
0x96: {  	_ =	strace s2  }
0x97: {  	_ =	strace $0x8FFFFFFF  }
0x98: {  	s18 =	sld [smem:$0x3FDB];
	_ =	sdelay $0x1  }
0x99: {  	s19 =	simm.s32 $_scs_section_size  }
0x9a: {  	s4 =	simm.s32 $_size__tile_overlayer_lowered;
	s5 =	simm.s32 $_tile_overlayer_lowered  }
0x9b: {  	s22 =	simm.s32 $0x1BFF;
	s21 =	sshll.u32 s5, $0x1;
	s2 =	sadd.s32 s19, s18  }
0x9c: {  	s6 =	simm.s32 $0x0;
	s20 =	sshll.u32 s4, $0x1;
	s4 =	sadd.s32 s21, s2  }
0x9d: {  	[timem:s6], [sflag:s22] =	dma.local [hbm:s4], s20  }
0x9e: {  	_ =	swait.ge [sflag:s22], s20  }
0x9f: {  	s3 =	ssub.s32 $0x0, s20;
	[sflag:s22] =	ssyncset.done $0x0  }
0xa0: {  	[sflag:s22] =	ssyncadd.s32 s3;
	_ =	sdelay $0x1  }
0xa1: {  	s23 =	simm.s32 $0x1B8B  }
0xa2: {  	_ =	swait.ge [sflag:s23], $0x1  }
0xa3: {  	[sflag:s23] =	ssyncset.done $0x0  }
0xa4: {  	s25 =	simm.s32 $0x1B8E;
	s24 =	sld [smem:$0x3FFE];
	[sflag:s23] =	ssyncadd.s32 $0xFFFFFFFF  }
0xa5: {  	s26 =	simm.s32 $execute0_lowered;
	[smem:$0x3FD2] =	sst s25  }
0xa6: {  	s4 =	sshll.u32 s26, $0x1;
	_ =	strace $0x80000057;
	[dreg:$0x1] =	wrdreg $0xFFFFFFFF  }
0xa7: {  	s28 =	simm.s32 $_size_execute0_lowered;
	s2 =	sadd.s32 s2, s4;
	[dreg:$0x0] =	wrdreg $0x0  }
0xa8: {  	s4 =	sshll.u32 s28, $0x1;
	[dreg:$0x2] =	wrdreg s2  }
0xa9: {  	[dreg:$0x3] =	wrdreg s4  }
0xaa: {  	[dreg:$0x4] =	wrdreg $0xC0  }
0xab: {  	_ =	task [dreg:s6], $0x5FFFF  }
0xac: {  	[dreg:$0x1] =	wrdreg $0xFFFFFFFF  }
0xad: {  	[dreg:$0x0] =	wrdreg $0x60  }
0xae: {  	[dreg:$0x2] =	wrdreg s24  }
0xaf: {  	[dreg:$0x3] =	wrdreg $0xB8000  }
0xb0: {  	[dreg:$0x4] =	wrdreg $0x9  }
0xb1: {  	_ =	task.clear_ibuf [dreg:s6], $0x5FFFF;
	_ =	strace $0x90000057  }
0xb2: {  	s29 =	simm.s32 $0x9;
	_ =	strace $0x8000005D  }
0xb3: {  	_ =	swait.ge [sflag:s29], $0x1  }
0xb4: {  	[sflag:s29] =	ssyncadd.s32 $0xFFFFFFFF  }
0xb5: {  	_ =	strace $0x9000005D  }
0xb6: {  	_ =	sfence  }
0xb7: {  	s30 =	sld [smem:$0x0];
	_ =	sdelay $0x2  }
0xb8: {  	s31 =	sshll.u32 s1, $0xD;
	s1 =	sshrl.u32 s1, $0x2  }
0xb9: {  	s3 =	sand.u32 $0x4000, s31;
	s1 =	sadd.s32 s1, s30  }
0xba: {  	s0 =	sor.u32 s3, s0;
	s1 =	sshll.u32 s1, $0x11  }
0xbb: {  	s0 =	sor.u32 s1, s0  }
0xbc: {  	s0 =	sadd.s32 $0x8F2B, s0  }
0xbd: {  	[sflag:s0] =	ssyncadd.remote.s32 $0x1  }
0xbe: {  	_ =	sfence.sel $0xFFFF  }
0xbf: {  	[dreg:$0x0] =	wrdreg $0xFFFFFFFF;
	(pc) =	sbr.abs _section_cstart, $3  }
0xc0: {  	[dreg:$0x1] =	wrdreg $0xFFFFFFFF  }
0xc1: {  	_ =	task.clear_ibuf [dreg:s6], $0x2FFFF;
	_ =	strace $0x9FFFFFFF  }
0xc2: {  	(tm) =	ssettm $0x7FFFFFFF  }
0xc3: {  	_ =	shalt  }
tec
execute0_lowered:
.L_overlay_start_1:
0x0: {  	(tag) =	ssettag $0x1  }
0x1: {  	s6 =	rddreg [dreg:$0x0];
	s1 =	srdreg.scid  }
0x2: {  	s0 =	stileid.u32;
	s2 =	rddreg [dreg:$0x1];
	s3 =	simm.s32 $0x0  }
0x3: {  	s13 =	simm.s32 $0x6800;
	s14 =	simm.s32 $0x9000;
	s17 =	simm.s32 $0x1  }
0x4: {  	s18 =	simm.s32 $0x2;
	s19 =	simm.s32 $0x6700;
	s20 =	simm.s32 $0x6780  }
0x5: {  	s21 =	simm.s32 $0x0;
	s7 =	sand.u32 $0x1, s1;
	s1 =	rddreg [dreg:$0x2]  }
0x6: {  	s4 =	sshll.u32 s0, $0x1;
	[smem:$0x7FF] =	sst s3;
	s10 =	smul.u32 $0x2800, s0  }
0x7: {  	s5 =	sadd.s32 $0x7800, s6;
	s12 =	smul.u32 $0x50000, s0;
	s15 =	sshll.u32 s0, $0x6  }
0x8: {  	s8 =	sor.u32 s7, s4;
	_ =	strace $0x80000058;
	s4 =	sadd.s32 $0x49E00, s6  }
0x9: {  	s11 =	smul.u32 $0x28000, s7;
	s7 =	ssub.s32 $0x2, s7;
	s15 =	sor.u32 $0x1C03, s15  }
0xa: {  	s9 =	smul.u32 $0x500, s8;
	s8 =	sshll.u32 s8, $0xB;
	s31 =	sshrl.u32 s7, $0x1  }
0xb: {  	s12 =	sshrl.u32 s12, $0x2;
	s8 =	sadd.s32 s8, s6;
	s10 =	sadd.s32 s10, s11  }
0xc: {  	s11 =	ssub.s32 s7, s31;
	s16 =	sadd.s32 s12, s2;
	s12 =	simm.s32 $0x50  }
0xd: {  	s9 =	sadd.s32 s9, s6;
	s10 =	sadd.s32 s10, s6;
	s7 =	sadd.s32 $0x39E00, s8  }
0xe: {  	s16 =	sshrl.u32 s16, $0x3;
	s6 =	sadd.s32 $0x2FE00, s9;
	s8 =	sadd.s32 $0x4C600, s10  }
0xf: {  	s9 =	smax.u32 s11, $0x1;
	s10 =	simm.s32 $0x3;
	s11 =	simm.s32 $0x2800  }
.LBB2_1:
0x10: {  	_ =	strace $0x80000059  }
0x11: {  	[tilespmem:s3], [sflag:$0x3] =	stream.linear.gather [hbm4b:s6+s3], $0x2800, $0x200038;
	[tilespmem:$0x1F800] =	vst v63  }
0x12: {  	_ =	swait.ge [sflag:s10], $0x2800  }
0x13: {  	[sflag:s10] =	ssyncset.done $0x0  }
0x14: {  	[sflag:s10] =	ssyncadd.s32 $0xFFFFD800  }
0x15: {  	[tilespmem:s11], [sflag:$0x3] =	stream.linear.gather [hbm4b:s7+s3], $0x4000, $0x200038;
	[tilespmem:$0x1F800] =	vst v63  }
0x16: {  	_ =	swait.ge [sflag:s10], $0x4000  }
0x17: {  	[sflag:s10] =	ssyncset.done $0x0  }
0x18: {  	[sflag:s10] =	ssyncadd.s32 $0xFFFFC000  }
0x19: {  	_ =	strace $0x90000059  }
0x1a: {  	[tilespmem:s13], [sflag:$0x1] =	stream.indirect.gather [hbm4b:s5+s12], $0x80, s3, s12, $0xb8;
	[tilespmem:$0x1F800] =	vst v63  }
0x1b: {  	_ = 	snop  }
0x1c: {  	[tilespmem:s14], [sflag:$0x2] =	stream.indirect.gather [hbm4b:s5+s12], $0x80, s12, s12, $0xb8;
	[tilespmem:$0x1F800] =	vst v63  }
0x1d: {  	_ =	strace $0x8000005A  }
0x1e: {  	[spmem:s16], [sflag:s15] =	dma.local [hbm:s4], $0x2800  }
0x1f: {  	_ =	swait.ge [sflag:s10], $0x2800  }
0x20: {  	[sflag:s10] =	ssyncset.done $0x0  }
0x21: {  	[sflag:s10] =	ssyncadd.s32 $0xFFFFD800  }
0x22: {  	[bflag:$0x0] =	sbarrier.arrive $0xFFFF  }
0x23: {  	_ =	strace $0x9000005A  }
0x24: {  	_ =	strace $0x8000005B  }
0x25: {  	_ =	swait.ge [sflag:s17], $0x2800  }
0x26: {  	[sflag:s17] =	ssyncset.done $0x0  }
0x27: {  	s22 =	simm.s32 $0x2800;
	[sflag:s17] =	ssyncadd.s32 $0xFFFFD800  }
0x28: {  	[spmem:s2] =	stream.indirect.scatter.add.f32 [tilespmem:s13], [sflag:$0x3], $0x80, s22, s12, $0x2000b8;
	[tilespmem:$0x1F800] =	vst v63  }
0x29: {  	_ =	swait.ge [sflag:s10], $0x2800  }
0x2a: {  	[sflag:s10] =	ssyncset.done $0x0  }
0x2b: {  	s30 =	simm.s32 $0xA0;
	[sflag:s10] =	ssyncadd.s32 $0xFFFFD800  }
0x2c: {  	[tilespmem:s13], [sflag:$0x1] =	stream.indirect.gather [hbm4b:s5+s12], $0x80, s30, s12, $0x2000b8;
	[tilespmem:$0x1F800] =	vst v63  }
0x2d: {  	_ =	swait.ge [sflag:s18], $0x2800  }
0x2e: {  	[sflag:s18] =	ssyncset.done $0x0  }
0x2f: {  	s31 =	simm.s32 $0x2880;
	[sflag:s18] =	ssyncadd.s32 $0xFFFFD800  }
0x30: {  	[spmem:s2] =	stream.indirect.scatter.add.f32 [tilespmem:s14], [sflag:$0x3], $0x80, s31, s12, $0x2000b8;
	[tilespmem:$0x1F800] =	vst v63  }
0x31: {  	_ =	swait.ge [sflag:s10], $0x2800  }
0x32: {  	s23 =	simm.s32 $0x400;
	[sflag:s10] =	ssyncset.done $0x0  }
0x33: {  	s24 =	simm.s32 $0x190;
	s22 =	simm.s32 $0xF0;
	[sflag:s10] =	ssyncadd.s32 $0xFFFFD800  }
.LBB2_2:
0x34: {  	[tilespmem:s14], [sflag:$0x2] =	stream.indirect.gather [hbm4b:s5+s12], $0x80, s22, s12, $0x2000b8;
	[tilespmem:$0x1F800] =	vst v63  }
0x35: {  	s25 =	smov.u32 s23;
	s22 =	smov.u32 s24  }
0x36: {  	p0 =	sne.s32 s23, $0xF800;
	s23 =	sadd.s32 $0x400, s23;
	_ =	swait.ge [sflag:s17], $0x2800  }
0x37: {  	s25 =	sshra.s32 s25, $0x2;
	[sflag:s17] =	ssyncset.done $0x0  }
0x38: {  	s26 =	sadd.s32 $0x2800, s25;
	[sflag:s17] =	ssyncadd.s32 $0xFFFFD800  }
0x39: {  	[spmem:s2] =	stream.indirect.scatter.add.f32 [tilespmem:s13], [sflag:$0x3], $0x80, s26, s12, $0x2000b8;
	[tilespmem:$0x1F800] =	vst v63  }
0x3a: {  	_ =	swait.ge [sflag:s10], $0x2800  }
0x3b: {  	[sflag:s10] =	ssyncset.done $0x0  }
0x3c: {  	s26 =	sadd.s32 $0xFFFFFFB0, s24;
	[sflag:s10] =	ssyncadd.s32 $0xFFFFD800  }
0x3d: {  	[tilespmem:s13], [sflag:$0x1] =	stream.indirect.gather [hbm4b:s5+s12], $0x80, s26, s12, $0x2000b8;
	[tilespmem:$0x1F800] =	vst v63  }
0x3e: {  	_ =	swait.ge [sflag:s18], $0x2800  }
0x3f: {  	[sflag:s18] =	ssyncset.done $0x0  }
.Ltmp0:
0x40: {  	s25 =	sadd.s32 $0x2880, s25;
	[sflag:s18] =	ssyncadd.s32 $0xFFFFD800;
	(pc) =	sbr.rel @p0 .LBB2_2-.Ltmp0, $4  }
0x41: {  	[spmem:s2] =	stream.indirect.scatter.add.f32 [tilespmem:s14], [sflag:$0x3], $0x80, s25, s12, $0x2000b8;
	[tilespmem:$0x1F800] =	vst v63  }
0x42: {  	_ =	swait.ge [sflag:s10], $0x2800  }
0x43: {  	[sflag:s10] =	ssyncset.done $0x0  }
0x44: {  	s24 =	sadd.s32 $0xA0, s24;
	[sflag:s10] =	ssyncadd.s32 $0xFFFFD800  }
0x45: {  	[tilespmem:s14], [sflag:$0x2] =	stream.indirect.gather [hbm4b:s5+s12], $0x80, s22, s12, $0x2000b8;
	[tilespmem:$0x1F800] =	vst v63  }
0x46: {  	_ =	swait.ge [sflag:s17], $0x2800  }
0x47: {  	[sflag:s17] =	ssyncset.done $0x0  }
0x48: {  	[sflag:s17] =	ssyncadd.s32 $0xFFFFD800  }
0x49: {  	[spmem:s2] =	stream.indirect.scatter.add.f32 [tilespmem:s13], [sflag:$0x3], $0x80, s19, s12, $0x2000b8;
	[tilespmem:$0x1F800] =	vst v63  }
0x4a: {  	_ =	swait.ge [sflag:s10], $0x2800  }
0x4b: {  	[sflag:s10] =	ssyncset.done $0x0  }
0x4c: {  	[sflag:s10] =	ssyncadd.s32 $0xFFFFD800  }
0x4d: {  	_ =	swait.ge [sflag:s18], $0x2800  }
0x4e: {  	[sflag:s18] =	ssyncset.done $0x0  }
0x4f: {  	[sflag:s18] =	ssyncadd.s32 $0xFFFFD800  }
0x50: {  	[spmem:s2] =	stream.indirect.scatter.add.f32 [tilespmem:s14], [sflag:$0x3], $0x80, s20, s12, $0x2000b8;
	[tilespmem:$0x1F800] =	vst v63  }
0x51: {  	_ =	swait.ge [sflag:s10], $0x2800  }
0x52: {  	[sflag:s10] =	ssyncset.done $0x0  }
0x53: {  	[sflag:s10] =	ssyncadd.s32 $0xFFFFD800  }
0x54: {  	[bflag:$0x0] =	sbarrier.arrive $0xFFFF  }
0x55: {  	s21 =	sadd.s32 $0x1, s21;
	_ =	strace $0x9000005B  }
0x56: {  	p0 =	sne.s32 s21, s9;
	_ =	strace $0x8000005C  }
0x57: {  	[hbm:s8], [sflag:s15] =	dma.local [spmem:s16], $0x2800  }
.Ltmp1:
0x58: {  	_ = 	snop;
	(pc) =	sbr.rel @p0 .LBB2_1-.Ltmp1, $4  }
0x59: {  	_ =	swait.ge [sflag:s10], $0x2800  }
0x5a: {  	[sflag:s10] =	ssyncset.done $0x0  }
0x5b: {  	[sflag:s10] =	ssyncadd.s32 $0xFFFFD800  }
0x5c: {  	_ =	strace $0x9000005C  }
0x5d: {  	_ =	sfence.sel $0x180000  }
0x5e: {  	[bflag:$0x0] =	sbarrier.arrive $0xFFFF  }
0x5f: {  	p0 =	sne.s32 s0, $0x0;
	_ =	strace $0x90000058  }
0x60: {  	s0 =	sadd.s32 @!p0 $0x100000, s1;
	[bflag:$0x2] =	sbarrier.arrive $0xFFFF  }
0x61: {  	[sflag:s0] =	ssyncadd.tile.s32 @!p0 $0x1;
	_ =	shalt  }
.Lfunc_end2:
_tile_overlayer_lowered:
.L_overlay_start_2:
0x62: {  	(tag) =	ssettag $0x2  }
0x63: {  	s0 =	rddreg [dreg:$0x0];
	s2 =	stileid.u32  }
0x64: {  	s1 =	rddreg [dreg:$0x1];
	p0 =	sne.s32 s2, $0x0  }
0x65: {  	s3 =	rddreg [dreg:$0x2];
	[bflag:$0x3] =	sbarrier.arrive $0xFFFF;
	s2 =	simm.s32 @!p0 $0x1C03  }
0x66: {  	[timem:s3], [sflag:s2] =	dma.local @!p0 [hbm:s0], s1  }
0x67: {  	s0 =	simm.s32 @!p0 $0x3  }
0x68: {  	_ =	swait.ge @!p0 [sflag:s0], s1  }
0x69: {  	s1 =	ssub.s32 @!p0 $0x0, s1;
	[sflag:s0] =	ssyncset.done @!p0 $0x0  }
0x6a: {  	[sflag:s0] =	ssyncadd.s32 @!p0 s1  }
0x6b: {  	[bflag:$0x3] =	sbarrier.arrive $0xFFFF  }
0x6c: {  	_ =	shalt  }

// kernel: kernel.25.cloned.1.call-start
scs
__scs_entry_jumppad:
0x0: {  	(pc) =	sbr.rel $0x88, $3  }
0x1: {  	(tag) =	ssettag $0x0;
	lr =	simm.s32 $0x1  }
0x2: {  	[smem:$0x3F92] =	sst lr;
	_ =	strace $0xD0000000  }
0x3: {  	_ = 	snop  }
0x4: {  	_ = 	snop  }
0x5: {  	_ = 	snop  }
0x6: {  	_ = 	snop  }
0x7: {  	_ = 	snop  }
__scs_overlays_trampoline_lowered:
0x8: {  	[smem:$0x3FA1] =	sst s0  }
0x9: {  	[smem:$0x3FA2] =	sst s1  }
0xa: {  	[smem:$0x3FA3] =	sst s2  }
0xb: {  	[smem:$0x3FA4] =	sst s3  }
0xc: {  	[smem:$0x3FA5] =	sst s4  }
0xd: {  	[smem:$0x3FA6] =	sst s5  }
0xe: {  	[smem:$0x3FA7] =	sst s6  }
0xf: {  	[smem:$0x3FA8] =	sst s7  }
0x10: {  	[smem:$0x3FA9] =	sst s8  }
0x11: {  	[smem:$0x3FAA] =	sst s9;
	s0 =	simm.s32 @!p0 $0x0  }
0x12: {  	s1 =	sld [smem:$0x3F90];
	s0 =	simm.s32 @p0 $0x1  }
0x13: {  	[smem:$0x3FAB] =	sst s0;
	s0 =	simm.s32 @!p1 $0x0  }
0x14: {  	s2 =	sld [smem:$0x3F8F];
	s0 =	simm.s32 @p1 $0x1  }
0x15: {  	[smem:$0x3FAC] =	sst s0;
	s0 =	simm.s32 @!p2 $0x0  }
0x16: {  	s3 =	sld [smem:$0x3FDB];
	s0 =	simm.s32 @p2 $0x1  }
0x17: {  	s4 =	simm.s32 $0x1BF5;
	[smem:$0x3FAE] =	sst s0  }
0x18: {  	s0 =	sld [smem:$0x3F91];
	_ =	swait.ge [sflag:s4], $0x0  }
0x19: {  	s7 =	sld [smem:$0x3F92]  }
0x1a: {  	s8 =	sadd.s32 $0xFFFFE003, lr  }
0x1b: {  	s9 =	sadd.s32 $0xFFFFFEF7, lr;
	s5 =	simm.s32 $0xFFFFFFFF;
	p2 =	slt.u32 s8, $0xFFFFF086  }
0x1c: {  	p1 =	slt.u32 s9, $0xF7A;
	s5 =	simm.s32 @!p2 $0x0  }
0x1d: {  	s5 =	simm.s32 @p1 $0x1;
	p0 =	seq.s32 s7, s2  }
0x1e: {  	s7 =	smul.u32 @!p0 $0xF7A, s2;
	p2 =	seq.s32 @!p0 s5, $0x0  }
0x1f: {  	s9 =	smul.u32 $0xF7A, s1;
	s8 =	simm.s32 @!p0 $0x1BF5;
	p2 =	por !p2, p0  }
0x20: {  	[sflag:s8] =	ssyncset.s32 @!p0 $0xFFFFF086;
	s6 =	sadd.s32 @!p0 s3, s7;
	s7 =	simm.s32 @!p0 $0x108  }
0x21: {  	s3 =	sadd.s32 s3, s9;
	s6 =	sadd.s32 @!p0 $0x88, s6;
	s7 =	simm.s32 @p2 $0x1082  }
0x22: {  	[simem:s7], [sflag:s8] =	dma.local @!p0 [hbm:s6], $0xF7A  }
0x23: {  	s9 =	sor.u32 $0xD0000000, s2;
	s6 =	simm.s32 $0x108;
	_ =	swait.ge @!p0 [sflag:s8], $0x0  }
0x24: {  	s3 =	sadd.s32 $0x88, s3;
	s6 =	simm.s32 @!p1 $0x1082;
	[sflag:s4] =	ssyncset.s32 $0xFFFFF086  }
0x25: {  	[simem:s6], [sflag:s4] =	dma.local [hbm:s3], $0xF7A  }
0x26: {  	[smem:$0x3F92] =	sst s1;
	(tag) =	ssettag s2;
	_ =	strace s9  }
0x27: {  	s1 =	sld [smem:$0x3FA2]  }
0x28: {  	s2 =	sld [smem:$0x3FA3]  }
0x29: {  	s4 =	sld [smem:$0x3FA5]  }
0x2a: {  	p0 =	seq.s32 s5, $0x0;
	s5 =	sld [smem:$0x3FA6]  }
0x2b: {  	s6 =	sld [smem:$0x3FA7]  }
0x2c: {  	s7 =	sld [smem:$0x3FA8]  }
0x2d: {  	s3 =	simm.s32 $0x108;
	s8 =	sld [smem:$0x3FA9]  }
0x2e: {  	s3 =	simm.s32 @!p0 $0x1082;
	s9 =	sld [smem:$0x3FAA]  }
0x2f: {  	lr =	sadd.s32 s0, s3;
	s0 =	sld [smem:$0x3FA1]  }
0x30: {  	s3 =	sld [smem:$0x3FA4]  }
0x31: {  	[smem:$0x3FAD] =	sst s10  }
0x32: {  	s10 =	sld [smem:$0x3FAB];
	_ =	sdelay $0x3  }
0x33: {  	p0 =	seq.s32 s10, $0x1;
	s10 =	sld [smem:$0x3FAD];
	_ =	sdelay $0x3  }
0x34: {  	[smem:$0x3FAD] =	sst s10  }
0x35: {  	s10 =	sld [smem:$0x3FAC];
	_ =	sdelay $0x3  }
0x36: {  	p1 =	seq.s32 s10, $0x1;
	s10 =	sld [smem:$0x3FAD];
	_ =	sdelay $0x3  }
0x37: {  	[smem:$0x3FAD] =	sst s10  }
0x38: {  	s10 =	sld [smem:$0x3FAE]  }
0x39: {  	_ = 	snop;
	(pc) =	sbr.ind lr, $3  }
0x3a: {  	_ = 	snop  }
0x3b: {  	_ = 	snop  }
0x3c: {  	p2 =	seq.s32 s10, $0x1;
	s10 =	sld [smem:$0x3FAD]  }
0x3d: {  	_ =	shalt  }
0x3e: {  	_ =	shalt  }
0x3f: {  	_ =	shalt  }
0x40: {  	_ =	shalt  }
0x41: {  	_ =	shalt  }
0x42: {  	_ =	shalt  }
0x43: {  	_ =	shalt  }
0x44: {  	_ =	shalt  }
0x45: {  	_ =	shalt  }
0x46: {  	_ =	shalt  }
0x47: {  	_ =	shalt  }
0x48: {  	_ =	shalt  }
0x49: {  	_ =	shalt  }
0x4a: {  	_ =	shalt  }
0x4b: {  	_ =	shalt  }
0x4c: {  	_ =	shalt  }
0x4d: {  	_ =	shalt  }
0x4e: {  	_ =	shalt  }
0x4f: {  	_ =	shalt  }
0x50: {  	_ =	shalt  }
0x51: {  	_ =	shalt  }
0x52: {  	_ =	shalt  }
0x53: {  	_ =	shalt  }
0x54: {  	_ =	shalt  }
0x55: {  	_ =	shalt  }
0x56: {  	_ =	shalt  }
0x57: {  	_ =	shalt  }
0x58: {  	_ =	shalt  }
0x59: {  	_ =	shalt  }
0x5a: {  	_ =	shalt  }
0x5b: {  	_ =	shalt  }
0x5c: {  	_ =	shalt  }
0x5d: {  	_ =	shalt  }
0x5e: {  	_ =	shalt  }
0x5f: {  	_ =	shalt  }
0x60: {  	_ =	shalt  }
0x61: {  	_ =	shalt  }
0x62: {  	_ =	shalt  }
0x63: {  	_ =	shalt  }
0x64: {  	_ =	shalt  }
0x65: {  	_ =	shalt  }
0x66: {  	_ =	shalt  }
0x67: {  	_ =	shalt  }
0x68: {  	_ =	shalt  }
0x69: {  	_ =	shalt  }
0x6a: {  	_ =	shalt  }
0x6b: {  	_ =	shalt  }
0x6c: {  	_ =	shalt  }
0x6d: {  	_ =	shalt  }
0x6e: {  	_ =	shalt  }
0x6f: {  	_ =	shalt  }
0x70: {  	_ =	shalt  }
0x71: {  	_ =	shalt  }
0x72: {  	_ =	shalt  }
0x73: {  	_ =	shalt  }
0x74: {  	_ =	shalt  }
0x75: {  	_ =	shalt  }
0x76: {  	_ =	shalt  }
0x77: {  	_ =	shalt  }
0x78: {  	_ =	shalt  }
0x79: {  	_ =	shalt  }
0x7a: {  	_ =	shalt  }
0x7b: {  	_ =	shalt  }
0x7c: {  	_ =	shalt  }
0x7d: {  	_ =	shalt  }
0x7e: {  	_ =	shalt  }
0x7f: {  	_ =	shalt  }
0x80: {  	_ =	shalt  }
0x81: {  	_ =	shalt  }
0x82: {  	_ =	shalt  }
0x83: {  	_ =	shalt  }
0x84: {  	_ =	shalt  }
0x85: {  	_ =	shalt  }
0x86: {  	_ =	shalt  }
0x87: {  	_ =	shalt  }
.Lfunc_end0:
.L_simem_size_0:
called_computation.4_lowered:
.L_overlay_start_0:
0x88: {  	s2 =	sld [smem:$0x3FD9]  }
0x89: {  	s3 =	sld [smem:$0x3FFE];
	_ =	sdelay $0x1  }
0x8a: {  	s1 =	srdreg.scid  }
0x8b: {  	s0 =	sand.u32 $0x1, s1  }
0x8c: {  	s16 =	sshll.u32 s0, $0xA;
	s2 =	sadd.s32 s3, s2  }
0x8d: {  	s2 =	sadd.s32 s2, s16  }
0x8e: {  	[smem:$0x3FB9] =	sst s2  }
0x8f: {  	_ = 	snop  }
0x90: {  	(tm) =	ssettm $0x1  }
0x91: {  	s17 =	sld [smem:$0x3FFB];
	_ =	sdelay $0x3  }
0x92: {  	_ =	strace s17  }
0x93: {  	s2 =	sld [smem:$0x3FFC];
	_ =	sdelay $0x3  }
0x94: {  	_ =	strace s2  }
0x95: {  	s2 =	sld [smem:$0x3FFD];
	_ =	sdelay $0x3  }
0x96: {  	_ =	strace s2  }
0x97: {  	_ =	strace $0x8FFFFFFF  }
0x98: {  	s18 =	sld [smem:$0x3FDB];
	_ =	sdelay $0x1  }
0x99: {  	s19 =	simm.s32 $_scs_section_size  }
0x9a: {  	s4 =	simm.s32 $_size__tile_overlayer_lowered;
	s5 =	simm.s32 $_tile_overlayer_lowered  }
0x9b: {  	s22 =	simm.s32 $0x1BFF;
	s21 =	sshll.u32 s5, $0x1;
	s2 =	sadd.s32 s19, s18  }
0x9c: {  	s6 =	simm.s32 $0x0;
	s20 =	sshll.u32 s4, $0x1;
	s4 =	sadd.s32 s21, s2  }
0x9d: {  	[timem:s6], [sflag:s22] =	dma.local [hbm:s4], s20  }
0x9e: {  	_ =	swait.ge [sflag:s22], s20  }
0x9f: {  	s3 =	ssub.s32 $0x0, s20;
	[sflag:s22] =	ssyncset.done $0x0  }
0xa0: {  	[sflag:s22] =	ssyncadd.s32 s3;
	_ =	sdelay $0x1  }
0xa1: {  	s23 =	simm.s32 $0x1B8B  }
0xa2: {  	_ =	swait.ge [sflag:s23], $0x1  }
0xa3: {  	[sflag:s23] =	ssyncset.done $0x0  }
0xa4: {  	s25 =	simm.s32 $0x1B8E;
	s24 =	sld [smem:$0x3FFE];
	[sflag:s23] =	ssyncadd.s32 $0xFFFFFFFF  }
0xa5: {  	s26 =	simm.s32 $execute0_lowered;
	[smem:$0x3FD2] =	sst s25  }
0xa6: {  	s4 =	sshll.u32 s26, $0x1;
	_ =	strace $0x8000005E;
	[dreg:$0x1] =	wrdreg $0xFFFFFFFF  }
0xa7: {  	s28 =	simm.s32 $_size_execute0_lowered;
	s2 =	sadd.s32 s2, s4;
	[dreg:$0x0] =	wrdreg $0x0  }
0xa8: {  	s4 =	sshll.u32 s28, $0x1;
	[dreg:$0x2] =	wrdreg s2  }
0xa9: {  	[dreg:$0x3] =	wrdreg s4  }
0xaa: {  	[dreg:$0x4] =	wrdreg $0xC0  }
0xab: {  	_ =	task [dreg:s6], $0x5FFFF  }
0xac: {  	[dreg:$0x1] =	wrdreg $0xFFFFFFFF  }
0xad: {  	[dreg:$0x0] =	wrdreg $0x60  }
0xae: {  	[dreg:$0x2] =	wrdreg s24  }
0xaf: {  	[dreg:$0x3] =	wrdreg $0xB8000  }
0xb0: {  	[dreg:$0x4] =	wrdreg $0x9  }
0xb1: {  	_ =	task.clear_ibuf [dreg:s6], $0x5FFFF;
	_ =	strace $0x9000005E  }
0xb2: {  	s29 =	simm.s32 $0x9;
	_ =	strace $0x80000064  }
0xb3: {  	_ =	swait.ge [sflag:s29], $0x1  }
0xb4: {  	[sflag:s29] =	ssyncadd.s32 $0xFFFFFFFF  }
0xb5: {  	_ =	strace $0x90000064  }
0xb6: {  	_ =	sfence  }
0xb7: {  	s30 =	sld [smem:$0x0];
	_ =	sdelay $0x2  }
0xb8: {  	s31 =	sshll.u32 s1, $0xD;
	s1 =	sshrl.u32 s1, $0x2  }
0xb9: {  	s3 =	sand.u32 $0x4000, s31;
	s1 =	sadd.s32 s1, s30  }
0xba: {  	s0 =	sor.u32 s3, s0;
	s1 =	sshll.u32 s1, $0x11  }
0xbb: {  	s0 =	sor.u32 s1, s0  }
0xbc: {  	s0 =	sadd.s32 $0x8F2B, s0  }
0xbd: {  	[sflag:s0] =	ssyncadd.remote.s32 $0x1  }
0xbe: {  	_ =	sfence.sel $0xFFFF  }
0xbf: {  	[dreg:$0x0] =	wrdreg $0xFFFFFFFF;
	(pc) =	sbr.abs _section_cstart, $3  }
0xc0: {  	[dreg:$0x1] =	wrdreg $0xFFFFFFFF  }
0xc1: {  	_ =	task.clear_ibuf [dreg:s6], $0x2FFFF;
	_ =	strace $0x9FFFFFFF  }
0xc2: {  	(tm) =	ssettm $0x7FFFFFFF  }
0xc3: {  	_ =	shalt  }
tec
execute0_lowered:
.L_overlay_start_1:
0x0: {  	(tag) =	ssettag $0x1  }
0x1: {  	s6 =	rddreg [dreg:$0x0];
	s1 =	srdreg.scid  }
0x2: {  	s0 =	stileid.u32;
	s2 =	rddreg [dreg:$0x1];
	s3 =	simm.s32 $0x0  }
0x3: {  	s13 =	simm.s32 $0x6800;
	s14 =	simm.s32 $0x9000;
	s17 =	simm.s32 $0x1  }
0x4: {  	s18 =	simm.s32 $0x2;
	s19 =	simm.s32 $0x6700;
	s20 =	simm.s32 $0x6780  }
0x5: {  	s21 =	simm.s32 $0x0;
	s7 =	sand.u32 $0x1, s1;
	s1 =	rddreg [dreg:$0x2]  }
0x6: {  	s4 =	sshll.u32 s0, $0x1;
	[smem:$0x7FF] =	sst s3;
	s10 =	smul.u32 $0x2800, s0  }
0x7: {  	s5 =	sadd.s32 $0x7800, s6;
	s12 =	smul.u32 $0x50000, s0;
	s15 =	sshll.u32 s0, $0x6  }
0x8: {  	s8 =	sor.u32 s7, s4;
	_ =	strace $0x8000005F;
	s4 =	sadd.s32 $0x49E00, s6  }
0x9: {  	s11 =	smul.u32 $0x28000, s7;
	s7 =	ssub.s32 $0x2, s7;
	s15 =	sor.u32 $0x1C03, s15  }
0xa: {  	s9 =	smul.u32 $0x500, s8;
	s8 =	sshll.u32 s8, $0xB;
	s31 =	sshrl.u32 s7, $0x1  }
0xb: {  	s12 =	sshrl.u32 s12, $0x2;
	s8 =	sadd.s32 s8, s6;
	s10 =	sadd.s32 s10, s11  }
0xc: {  	s11 =	ssub.s32 s7, s31;
	s16 =	sadd.s32 s12, s2;
	s12 =	simm.s32 $0x50  }
0xd: {  	s9 =	sadd.s32 s9, s6;
	s10 =	sadd.s32 s10, s6;
	s7 =	sadd.s32 $0x39E00, s8  }
0xe: {  	s16 =	sshrl.u32 s16, $0x3;
	s6 =	sadd.s32 $0x2FE00, s9;
	s8 =	sadd.s32 $0x4C600, s10  }
0xf: {  	s9 =	smax.u32 s11, $0x1;
	s10 =	simm.s32 $0x3;
	s11 =	simm.s32 $0x2800  }
.LBB2_1:
0x10: {  	_ =	strace $0x80000060  }
0x11: {  	[tilespmem:s3], [sflag:$0x3] =	stream.linear.gather [hbm4b:s6+s3], $0x2800, $0x200038;
	[tilespmem:$0x1F800] =	vst v63  }
0x12: {  	_ =	swait.ge [sflag:s10], $0x2800  }
0x13: {  	[sflag:s10] =	ssyncset.done $0x0  }
0x14: {  	[sflag:s10] =	ssyncadd.s32 $0xFFFFD800  }
0x15: {  	[tilespmem:s11], [sflag:$0x3] =	stream.linear.gather [hbm4b:s7+s3], $0x4000, $0x200038;
	[tilespmem:$0x1F800] =	vst v63  }
0x16: {  	_ =	swait.ge [sflag:s10], $0x4000  }
0x17: {  	[sflag:s10] =	ssyncset.done $0x0  }
0x18: {  	[sflag:s10] =	ssyncadd.s32 $0xFFFFC000  }
0x19: {  	_ =	strace $0x90000060  }
0x1a: {  	[tilespmem:s13], [sflag:$0x1] =	stream.indirect.gather [hbm4b:s5+s12], $0x80, s3, s12, $0xb8;
	[tilespmem:$0x1F800] =	vst v63  }
0x1b: {  	_ = 	snop  }
0x1c: {  	[tilespmem:s14], [sflag:$0x2] =	stream.indirect.gather [hbm4b:s5+s12], $0x80, s12, s12, $0xb8;
	[tilespmem:$0x1F800] =	vst v63  }
0x1d: {  	_ =	strace $0x80000061  }
0x1e: {  	[spmem:s16], [sflag:s15] =	dma.local [hbm:s4], $0x2800  }
0x1f: {  	_ =	swait.ge [sflag:s10], $0x2800  }
0x20: {  	[sflag:s10] =	ssyncset.done $0x0  }
0x21: {  	[sflag:s10] =	ssyncadd.s32 $0xFFFFD800  }
0x22: {  	[bflag:$0x0] =	sbarrier.arrive $0xFFFF  }
0x23: {  	_ =	strace $0x90000061  }
0x24: {  	_ =	strace $0x80000062  }
0x25: {  	_ =	swait.ge [sflag:s17], $0x2800  }
0x26: {  	[sflag:s17] =	ssyncset.done $0x0  }
0x27: {  	s22 =	simm.s32 $0x2800;
	[sflag:s17] =	ssyncadd.s32 $0xFFFFD800  }
0x28: {  	[spmem:s2] =	stream.indirect.scatter.add.f32 [tilespmem:s13], [sflag:$0x3], $0x80, s22, s12, $0x2000b8;
	[tilespmem:$0x1F800] =	vst v63  }
0x29: {  	_ =	swait.ge [sflag:s10], $0x2800  }
0x2a: {  	[sflag:s10] =	ssyncset.done $0x0  }
0x2b: {  	s30 =	simm.s32 $0xA0;
	[sflag:s10] =	ssyncadd.s32 $0xFFFFD800  }
0x2c: {  	[tilespmem:s13], [sflag:$0x1] =	stream.indirect.gather [hbm4b:s5+s12], $0x80, s30, s12, $0x2000b8;
	[tilespmem:$0x1F800] =	vst v63  }
0x2d: {  	_ =	swait.ge [sflag:s18], $0x2800  }
0x2e: {  	[sflag:s18] =	ssyncset.done $0x0  }
0x2f: {  	s31 =	simm.s32 $0x2880;
	[sflag:s18] =	ssyncadd.s32 $0xFFFFD800  }
0x30: {  	[spmem:s2] =	stream.indirect.scatter.add.f32 [tilespmem:s14], [sflag:$0x3], $0x80, s31, s12, $0x2000b8;
	[tilespmem:$0x1F800] =	vst v63  }
0x31: {  	_ =	swait.ge [sflag:s10], $0x2800  }
0x32: {  	s23 =	simm.s32 $0x400;
	[sflag:s10] =	ssyncset.done $0x0  }
0x33: {  	s24 =	simm.s32 $0x190;
	s22 =	simm.s32 $0xF0;
	[sflag:s10] =	ssyncadd.s32 $0xFFFFD800  }
.LBB2_2:
0x34: {  	[tilespmem:s14], [sflag:$0x2] =	stream.indirect.gather [hbm4b:s5+s12], $0x80, s22, s12, $0x2000b8;
	[tilespmem:$0x1F800] =	vst v63  }
0x35: {  	s25 =	smov.u32 s23;
	s22 =	smov.u32 s24  }
0x36: {  	p0 =	sne.s32 s23, $0xF800;
	s23 =	sadd.s32 $0x400, s23;
	_ =	swait.ge [sflag:s17], $0x2800  }
0x37: {  	s25 =	sshra.s32 s25, $0x2;
	[sflag:s17] =	ssyncset.done $0x0  }
0x38: {  	s26 =	sadd.s32 $0x2800, s25;
	[sflag:s17] =	ssyncadd.s32 $0xFFFFD800  }
0x39: {  	[spmem:s2] =	stream.indirect.scatter.add.f32 [tilespmem:s13], [sflag:$0x3], $0x80, s26, s12, $0x2000b8;
	[tilespmem:$0x1F800] =	vst v63  }
0x3a: {  	_ =	swait.ge [sflag:s10], $0x2800  }
0x3b: {  	[sflag:s10] =	ssyncset.done $0x0  }
0x3c: {  	s26 =	sadd.s32 $0xFFFFFFB0, s24;
	[sflag:s10] =	ssyncadd.s32 $0xFFFFD800  }
0x3d: {  	[tilespmem:s13], [sflag:$0x1] =	stream.indirect.gather [hbm4b:s5+s12], $0x80, s26, s12, $0x2000b8;
	[tilespmem:$0x1F800] =	vst v63  }
0x3e: {  	_ =	swait.ge [sflag:s18], $0x2800  }
0x3f: {  	[sflag:s18] =	ssyncset.done $0x0  }
.Ltmp0:
0x40: {  	s25 =	sadd.s32 $0x2880, s25;
	[sflag:s18] =	ssyncadd.s32 $0xFFFFD800;
	(pc) =	sbr.rel @p0 .LBB2_2-.Ltmp0, $4  }
0x41: {  	[spmem:s2] =	stream.indirect.scatter.add.f32 [tilespmem:s14], [sflag:$0x3], $0x80, s25, s12, $0x2000b8;
	[tilespmem:$0x1F800] =	vst v63  }
0x42: {  	_ =	swait.ge [sflag:s10], $0x2800  }
0x43: {  	[sflag:s10] =	ssyncset.done $0x0  }
0x44: {  	s24 =	sadd.s32 $0xA0, s24;
	[sflag:s10] =	ssyncadd.s32 $0xFFFFD800  }
0x45: {  	[tilespmem:s14], [sflag:$0x2] =	stream.indirect.gather [hbm4b:s5+s12], $0x80, s22, s12, $0x2000b8;
	[tilespmem:$0x1F800] =	vst v63  }
0x46: {  	_ =	swait.ge [sflag:s17], $0x2800  }
0x47: {  	[sflag:s17] =	ssyncset.done $0x0  }
0x48: {  	[sflag:s17] =	ssyncadd.s32 $0xFFFFD800  }
0x49: {  	[spmem:s2] =	stream.indirect.scatter.add.f32 [tilespmem:s13], [sflag:$0x3], $0x80, s19, s12, $0x2000b8;
	[tilespmem:$0x1F800] =	vst v63  }
0x4a: {  	_ =	swait.ge [sflag:s10], $0x2800  }
0x4b: {  	[sflag:s10] =	ssyncset.done $0x0  }
0x4c: {  	[sflag:s10] =	ssyncadd.s32 $0xFFFFD800  }
0x4d: {  	_ =	swait.ge [sflag:s18], $0x2800  }
0x4e: {  	[sflag:s18] =	ssyncset.done $0x0  }
0x4f: {  	[sflag:s18] =	ssyncadd.s32 $0xFFFFD800  }
0x50: {  	[spmem:s2] =	stream.indirect.scatter.add.f32 [tilespmem:s14], [sflag:$0x3], $0x80, s20, s12, $0x2000b8;
	[tilespmem:$0x1F800] =	vst v63  }
0x51: {  	_ =	swait.ge [sflag:s10], $0x2800  }
0x52: {  	[sflag:s10] =	ssyncset.done $0x0  }
0x53: {  	[sflag:s10] =	ssyncadd.s32 $0xFFFFD800  }
0x54: {  	[bflag:$0x0] =	sbarrier.arrive $0xFFFF  }
0x55: {  	s21 =	sadd.s32 $0x1, s21;
	_ =	strace $0x90000062  }
0x56: {  	p0 =	sne.s32 s21, s9;
	_ =	strace $0x80000063  }
0x57: {  	[hbm:s8], [sflag:s15] =	dma.local [spmem:s16], $0x2800  }
.Ltmp1:
0x58: {  	_ = 	snop;
	(pc) =	sbr.rel @p0 .LBB2_1-.Ltmp1, $4  }
0x59: {  	_ =	swait.ge [sflag:s10], $0x2800  }
0x5a: {  	[sflag:s10] =	ssyncset.done $0x0  }
0x5b: {  	[sflag:s10] =	ssyncadd.s32 $0xFFFFD800  }
0x5c: {  	_ =	strace $0x90000063  }
0x5d: {  	_ =	sfence.sel $0x180000  }
0x5e: {  	[bflag:$0x0] =	sbarrier.arrive $0xFFFF  }
0x5f: {  	p0 =	sne.s32 s0, $0x0;
	_ =	strace $0x9000005F  }
0x60: {  	s0 =	sadd.s32 @!p0 $0x100000, s1;
	[bflag:$0x2] =	sbarrier.arrive $0xFFFF  }
0x61: {  	[sflag:s0] =	ssyncadd.tile.s32 @!p0 $0x1;
	_ =	shalt  }
.Lfunc_end2:
_tile_overlayer_lowered:
.L_overlay_start_2:
0x62: {  	(tag) =	ssettag $0x2  }
0x63: {  	s0 =	rddreg [dreg:$0x0];
	s2 =	stileid.u32  }
0x64: {  	s1 =	rddreg [dreg:$0x1];
	p0 =	sne.s32 s2, $0x0  }
0x65: {  	s3 =	rddreg [dreg:$0x2];
	[bflag:$0x3] =	sbarrier.arrive $0xFFFF;
	s2 =	simm.s32 @!p0 $0x1C03  }
0x66: {  	[timem:s3], [sflag:s2] =	dma.local @!p0 [hbm:s0], s1  }
0x67: {  	s0 =	simm.s32 @!p0 $0x3  }
0x68: {  	_ =	swait.ge @!p0 [sflag:s0], s1  }
0x69: {  	s1 =	ssub.s32 @!p0 $0x0, s1;
	[sflag:s0] =	ssyncset.done @!p0 $0x0  }
0x6a: {  	[sflag:s0] =	ssyncadd.s32 @!p0 s1  }
0x6b: {  	[bflag:$0x3] =	sbarrier.arrive $0xFFFF  }
0x6c: {  	_ =	shalt  }

// kernel: kernel.28.cloned.1.call-start
scs
__scs_entry_jumppad:
0x0: {  	(pc) =	sbr.rel $0x88, $3  }
0x1: {  	(tag) =	ssettag $0x0;
	lr =	simm.s32 $0x1  }
0x2: {  	[smem:$0x3F92] =	sst lr;
	_ =	strace $0xD0000000  }
0x3: {  	_ = 	snop  }
0x4: {  	_ = 	snop  }
0x5: {  	_ = 	snop  }
0x6: {  	_ = 	snop  }
0x7: {  	_ = 	snop  }
__scs_overlays_trampoline_lowered:
0x8: {  	[smem:$0x3FA1] =	sst s0  }
0x9: {  	[smem:$0x3FA2] =	sst s1  }
0xa: {  	[smem:$0x3FA3] =	sst s2  }
0xb: {  	[smem:$0x3FA4] =	sst s3  }
0xc: {  	[smem:$0x3FA5] =	sst s4  }
0xd: {  	[smem:$0x3FA6] =	sst s5  }
0xe: {  	[smem:$0x3FA7] =	sst s6  }
0xf: {  	[smem:$0x3FA8] =	sst s7  }
0x10: {  	[smem:$0x3FA9] =	sst s8  }
0x11: {  	[smem:$0x3FAA] =	sst s9;
	s0 =	simm.s32 @!p0 $0x0  }
0x12: {  	s1 =	sld [smem:$0x3F90];
	s0 =	simm.s32 @p0 $0x1  }
0x13: {  	[smem:$0x3FAB] =	sst s0;
	s0 =	simm.s32 @!p1 $0x0  }
0x14: {  	s2 =	sld [smem:$0x3F8F];
	s0 =	simm.s32 @p1 $0x1  }
0x15: {  	[smem:$0x3FAC] =	sst s0;
	s0 =	simm.s32 @!p2 $0x0  }
0x16: {  	s3 =	sld [smem:$0x3FDB];
	s0 =	simm.s32 @p2 $0x1  }
0x17: {  	s4 =	simm.s32 $0x1BF5;
	[smem:$0x3FAE] =	sst s0  }
0x18: {  	s0 =	sld [smem:$0x3F91];
	_ =	swait.ge [sflag:s4], $0x0  }
0x19: {  	s7 =	sld [smem:$0x3F92]  }
0x1a: {  	s8 =	sadd.s32 $0xFFFFE003, lr  }
0x1b: {  	s9 =	sadd.s32 $0xFFFFFEF7, lr;
	s5 =	simm.s32 $0xFFFFFFFF;
	p2 =	slt.u32 s8, $0xFFFFF086  }
0x1c: {  	p1 =	slt.u32 s9, $0xF7A;
	s5 =	simm.s32 @!p2 $0x0  }
0x1d: {  	s5 =	simm.s32 @p1 $0x1;
	p0 =	seq.s32 s7, s2  }
0x1e: {  	s7 =	smul.u32 @!p0 $0xF7A, s2;
	p2 =	seq.s32 @!p0 s5, $0x0  }
0x1f: {  	s9 =	smul.u32 $0xF7A, s1;
	s8 =	simm.s32 @!p0 $0x1BF5;
	p2 =	por !p2, p0  }
0x20: {  	[sflag:s8] =	ssyncset.s32 @!p0 $0xFFFFF086;
	s6 =	sadd.s32 @!p0 s3, s7;
	s7 =	simm.s32 @!p0 $0x108  }
0x21: {  	s3 =	sadd.s32 s3, s9;
	s6 =	sadd.s32 @!p0 $0x88, s6;
	s7 =	simm.s32 @p2 $0x1082  }
0x22: {  	[simem:s7], [sflag:s8] =	dma.local @!p0 [hbm:s6], $0xF7A  }
0x23: {  	s9 =	sor.u32 $0xD0000000, s2;
	s6 =	simm.s32 $0x108;
	_ =	swait.ge @!p0 [sflag:s8], $0x0  }
0x24: {  	s3 =	sadd.s32 $0x88, s3;
	s6 =	simm.s32 @!p1 $0x1082;
	[sflag:s4] =	ssyncset.s32 $0xFFFFF086  }
0x25: {  	[simem:s6], [sflag:s4] =	dma.local [hbm:s3], $0xF7A  }
0x26: {  	[smem:$0x3F92] =	sst s1;
	(tag) =	ssettag s2;
	_ =	strace s9  }
0x27: {  	s1 =	sld [smem:$0x3FA2]  }
0x28: {  	s2 =	sld [smem:$0x3FA3]  }
0x29: {  	s4 =	sld [smem:$0x3FA5]  }
0x2a: {  	p0 =	seq.s32 s5, $0x0;
	s5 =	sld [smem:$0x3FA6]  }
0x2b: {  	s6 =	sld [smem:$0x3FA7]  }
0x2c: {  	s7 =	sld [smem:$0x3FA8]  }
0x2d: {  	s3 =	simm.s32 $0x108;
	s8 =	sld [smem:$0x3FA9]  }
0x2e: {  	s3 =	simm.s32 @!p0 $0x1082;
	s9 =	sld [smem:$0x3FAA]  }
0x2f: {  	lr =	sadd.s32 s0, s3;
	s0 =	sld [smem:$0x3FA1]  }
0x30: {  	s3 =	sld [smem:$0x3FA4]  }
0x31: {  	[smem:$0x3FAD] =	sst s10  }
0x32: {  	s10 =	sld [smem:$0x3FAB];
	_ =	sdelay $0x3  }
0x33: {  	p0 =	seq.s32 s10, $0x1;
	s10 =	sld [smem:$0x3FAD];
	_ =	sdelay $0x3  }
0x34: {  	[smem:$0x3FAD] =	sst s10  }
0x35: {  	s10 =	sld [smem:$0x3FAC];
	_ =	sdelay $0x3  }
0x36: {  	p1 =	seq.s32 s10, $0x1;
	s10 =	sld [smem:$0x3FAD];
	_ =	sdelay $0x3  }
0x37: {  	[smem:$0x3FAD] =	sst s10  }
0x38: {  	s10 =	sld [smem:$0x3FAE]  }
0x39: {  	_ = 	snop;
	(pc) =	sbr.ind lr, $3  }
0x3a: {  	_ = 	snop  }
0x3b: {  	_ = 	snop  }
0x3c: {  	p2 =	seq.s32 s10, $0x1;
	s10 =	sld [smem:$0x3FAD]  }
0x3d: {  	_ =	shalt  }
0x3e: {  	_ =	shalt  }
0x3f: {  	_ =	shalt  }
0x40: {  	_ =	shalt  }
0x41: {  	_ =	shalt  }
0x42: {  	_ =	shalt  }
0x43: {  	_ =	shalt  }
0x44: {  	_ =	shalt  }
0x45: {  	_ =	shalt  }
0x46: {  	_ =	shalt  }
0x47: {  	_ =	shalt  }
0x48: {  	_ =	shalt  }
0x49: {  	_ =	shalt  }
0x4a: {  	_ =	shalt  }
0x4b: {  	_ =	shalt  }
0x4c: {  	_ =	shalt  }
0x4d: {  	_ =	shalt  }
0x4e: {  	_ =	shalt  }
0x4f: {  	_ =	shalt  }
0x50: {  	_ =	shalt  }
0x51: {  	_ =	shalt  }
0x52: {  	_ =	shalt  }
0x53: {  	_ =	shalt  }
0x54: {  	_ =	shalt  }
0x55: {  	_ =	shalt  }
0x56: {  	_ =	shalt  }
0x57: {  	_ =	shalt  }
0x58: {  	_ =	shalt  }
0x59: {  	_ =	shalt  }
0x5a: {  	_ =	shalt  }
0x5b: {  	_ =	shalt  }
0x5c: {  	_ =	shalt  }
0x5d: {  	_ =	shalt  }
0x5e: {  	_ =	shalt  }
0x5f: {  	_ =	shalt  }
0x60: {  	_ =	shalt  }
0x61: {  	_ =	shalt  }
0x62: {  	_ =	shalt  }
0x63: {  	_ =	shalt  }
0x64: {  	_ =	shalt  }
0x65: {  	_ =	shalt  }
0x66: {  	_ =	shalt  }
0x67: {  	_ =	shalt  }
0x68: {  	_ =	shalt  }
0x69: {  	_ =	shalt  }
0x6a: {  	_ =	shalt  }
0x6b: {  	_ =	shalt  }
0x6c: {  	_ =	shalt  }
0x6d: {  	_ =	shalt  }
0x6e: {  	_ =	shalt  }
0x6f: {  	_ =	shalt  }
0x70: {  	_ =	shalt  }
0x71: {  	_ =	shalt  }
0x72: {  	_ =	shalt  }
0x73: {  	_ =	shalt  }
0x74: {  	_ =	shalt  }
0x75: {  	_ =	shalt  }
0x76: {  	_ =	shalt  }
0x77: {  	_ =	shalt  }
0x78: {  	_ =	shalt  }
0x79: {  	_ =	shalt  }
0x7a: {  	_ =	shalt  }
0x7b: {  	_ =	shalt  }
0x7c: {  	_ =	shalt  }
0x7d: {  	_ =	shalt  }
0x7e: {  	_ =	shalt  }
0x7f: {  	_ =	shalt  }
0x80: {  	_ =	shalt  }
0x81: {  	_ =	shalt  }
0x82: {  	_ =	shalt  }
0x83: {  	_ =	shalt  }
0x84: {  	_ =	shalt  }
0x85: {  	_ =	shalt  }
0x86: {  	_ =	shalt  }
0x87: {  	_ =	shalt  }
.Lfunc_end0:
.L_simem_size_0:
called_computation.5_lowered:
.L_overlay_start_0:
0x88: {  	s2 =	sld [smem:$0x3FD9]  }
0x89: {  	s3 =	sld [smem:$0x3FFE];
	_ =	sdelay $0x1  }
0x8a: {  	s1 =	srdreg.scid  }
0x8b: {  	s0 =	sand.u32 $0x1, s1  }
0x8c: {  	s16 =	sshll.u32 s0, $0xA;
	s2 =	sadd.s32 s3, s2  }
0x8d: {  	s2 =	sadd.s32 s2, s16  }
0x8e: {  	[smem:$0x3FB9] =	sst s2  }
0x8f: {  	_ = 	snop  }
0x90: {  	(tm) =	ssettm $0x1  }
0x91: {  	s17 =	sld [smem:$0x3FFB];
	_ =	sdelay $0x3  }
0x92: {  	_ =	strace s17  }
0x93: {  	s2 =	sld [smem:$0x3FFC];
	_ =	sdelay $0x3  }
0x94: {  	_ =	strace s2  }
0x95: {  	s2 =	sld [smem:$0x3FFD];
	_ =	sdelay $0x3  }
0x96: {  	_ =	strace s2  }
0x97: {  	_ =	strace $0x8FFFFFFF  }
0x98: {  	s18 =	sld [smem:$0x3FDB];
	_ =	sdelay $0x1  }
0x99: {  	s19 =	simm.s32 $_scs_section_size  }
0x9a: {  	s4 =	simm.s32 $_size__tile_overlayer_lowered;
	s5 =	simm.s32 $_tile_overlayer_lowered  }
0x9b: {  	s22 =	simm.s32 $0x1BFF;
	s21 =	sshll.u32 s5, $0x1;
	s2 =	sadd.s32 s19, s18  }
0x9c: {  	s6 =	simm.s32 $0x0;
	s20 =	sshll.u32 s4, $0x1;
	s4 =	sadd.s32 s21, s2  }
0x9d: {  	[timem:s6], [sflag:s22] =	dma.local [hbm:s4], s20  }
0x9e: {  	_ =	swait.ge [sflag:s22], s20  }
0x9f: {  	s3 =	ssub.s32 $0x0, s20;
	[sflag:s22] =	ssyncset.done $0x0  }
0xa0: {  	[sflag:s22] =	ssyncadd.s32 s3;
	_ =	sdelay $0x1  }
0xa1: {  	s23 =	simm.s32 $0x1B8B  }
0xa2: {  	_ =	swait.ge [sflag:s23], $0x1  }
0xa3: {  	[sflag:s23] =	ssyncset.done $0x0  }
0xa4: {  	s25 =	simm.s32 $0x1B8E;
	s24 =	sld [smem:$0x3FFE];
	[sflag:s23] =	ssyncadd.s32 $0xFFFFFFFF  }
0xa5: {  	s26 =	simm.s32 $execute0_lowered;
	[smem:$0x3FD2] =	sst s25  }
0xa6: {  	s4 =	sshll.u32 s26, $0x1;
	_ =	strace $0x80000065;
	[dreg:$0x1] =	wrdreg $0xFFFFFFFF  }
0xa7: {  	s28 =	simm.s32 $_size_execute0_lowered;
	s2 =	sadd.s32 s2, s4;
	[dreg:$0x0] =	wrdreg $0x0  }
0xa8: {  	s4 =	sshll.u32 s28, $0x1;
	[dreg:$0x2] =	wrdreg s2  }
0xa9: {  	[dreg:$0x3] =	wrdreg s4  }
0xaa: {  	[dreg:$0x4] =	wrdreg $0xC0  }
0xab: {  	_ =	task [dreg:s6], $0x5FFFF  }
0xac: {  	[dreg:$0x1] =	wrdreg $0xFFFFFFFF  }
0xad: {  	[dreg:$0x0] =	wrdreg $0x60  }
0xae: {  	[dreg:$0x2] =	wrdreg s24  }
0xaf: {  	[dreg:$0x3] =	wrdreg $0xB8000  }
0xb0: {  	[dreg:$0x4] =	wrdreg $0x9  }
0xb1: {  	_ =	task.clear_ibuf [dreg:s6], $0x5FFFF;
	_ =	strace $0x90000065  }
0xb2: {  	s29 =	simm.s32 $0x9;
	_ =	strace $0x8000006B  }
0xb3: {  	_ =	swait.ge [sflag:s29], $0x1  }
0xb4: {  	[sflag:s29] =	ssyncadd.s32 $0xFFFFFFFF  }
0xb5: {  	_ =	strace $0x9000006B  }
0xb6: {  	_ =	sfence  }
0xb7: {  	s30 =	sld [smem:$0x0];
	_ =	sdelay $0x2  }
0xb8: {  	s31 =	sshll.u32 s1, $0xD;
	s1 =	sshrl.u32 s1, $0x2  }
0xb9: {  	s3 =	sand.u32 $0x4000, s31;
	s1 =	sadd.s32 s1, s30  }
0xba: {  	s0 =	sor.u32 s3, s0;
	s1 =	sshll.u32 s1, $0x11  }
0xbb: {  	s0 =	sor.u32 s1, s0  }
0xbc: {  	s0 =	sadd.s32 $0x8F2B, s0  }
0xbd: {  	[sflag:s0] =	ssyncadd.remote.s32 $0x1  }
0xbe: {  	_ =	sfence.sel $0xFFFF  }
0xbf: {  	[dreg:$0x0] =	wrdreg $0xFFFFFFFF;
	(pc) =	sbr.abs _section_cstart, $3  }
0xc0: {  	[dreg:$0x1] =	wrdreg $0xFFFFFFFF  }
0xc1: {  	_ =	task.clear_ibuf [dreg:s6], $0x2FFFF;
	_ =	strace $0x9FFFFFFF  }
0xc2: {  	(tm) =	ssettm $0x7FFFFFFF  }
0xc3: {  	_ =	shalt  }
tec
execute0_lowered:
.L_overlay_start_1:
0x0: {  	(tag) =	ssettag $0x1  }
0x1: {  	s6 =	rddreg [dreg:$0x0];
	s1 =	srdreg.scid  }
0x2: {  	s0 =	stileid.u32;
	s2 =	rddreg [dreg:$0x1];
	s3 =	simm.s32 $0x0  }
0x3: {  	s13 =	simm.s32 $0x6800;
	s14 =	simm.s32 $0x9000;
	s17 =	simm.s32 $0x1  }
0x4: {  	s18 =	simm.s32 $0x2;
	s19 =	simm.s32 $0x6700;
	s20 =	simm.s32 $0x6780  }
0x5: {  	s21 =	simm.s32 $0x0;
	s7 =	sand.u32 $0x1, s1;
	s1 =	rddreg [dreg:$0x2]  }
0x6: {  	s4 =	sshll.u32 s0, $0x1;
	[smem:$0x7FF] =	sst s3;
	s10 =	smul.u32 $0x2800, s0  }
0x7: {  	s5 =	sadd.s32 $0x7800, s6;
	s12 =	smul.u32 $0x50000, s0;
	s15 =	sshll.u32 s0, $0x6  }
0x8: {  	s8 =	sor.u32 s7, s4;
	_ =	strace $0x80000066;
	s4 =	sadd.s32 $0x49E00, s6  }
0x9: {  	s11 =	smul.u32 $0x28000, s7;
	s7 =	ssub.s32 $0x2, s7;
	s15 =	sor.u32 $0x1C03, s15  }
0xa: {  	s9 =	smul.u32 $0x500, s8;
	s8 =	sshll.u32 s8, $0xB;
	s31 =	sshrl.u32 s7, $0x1  }
0xb: {  	s12 =	sshrl.u32 s12, $0x2;
	s8 =	sadd.s32 s8, s6;
	s10 =	sadd.s32 s10, s11  }
0xc: {  	s11 =	ssub.s32 s7, s31;
	s16 =	sadd.s32 s12, s2;
	s12 =	simm.s32 $0x50  }
0xd: {  	s9 =	sadd.s32 s9, s6;
	s10 =	sadd.s32 s10, s6;
	s7 =	sadd.s32 $0x39E00, s8  }
0xe: {  	s16 =	sshrl.u32 s16, $0x3;
	s6 =	sadd.s32 $0x2FE00, s9;
	s8 =	sadd.s32 $0x4C600, s10  }
0xf: {  	s9 =	smax.u32 s11, $0x1;
	s10 =	simm.s32 $0x3;
	s11 =	simm.s32 $0x2800  }
.LBB2_1:
0x10: {  	_ =	strace $0x80000067  }
0x11: {  	[tilespmem:s3], [sflag:$0x3] =	stream.linear.gather [hbm4b:s6+s3], $0x2800, $0x200038;
	[tilespmem:$0x1F800] =	vst v63  }
0x12: {  	_ =	swait.ge [sflag:s10], $0x2800  }
0x13: {  	[sflag:s10] =	ssyncset.done $0x0  }
0x14: {  	[sflag:s10] =	ssyncadd.s32 $0xFFFFD800  }
0x15: {  	[tilespmem:s11], [sflag:$0x3] =	stream.linear.gather [hbm4b:s7+s3], $0x4000, $0x200038;
	[tilespmem:$0x1F800] =	vst v63  }
0x16: {  	_ =	swait.ge [sflag:s10], $0x4000  }
0x17: {  	[sflag:s10] =	ssyncset.done $0x0  }
0x18: {  	[sflag:s10] =	ssyncadd.s32 $0xFFFFC000  }
0x19: {  	_ =	strace $0x90000067  }
0x1a: {  	[tilespmem:s13], [sflag:$0x1] =	stream.indirect.gather [hbm4b:s5+s12], $0x80, s3, s12, $0xb8;
	[tilespmem:$0x1F800] =	vst v63  }
0x1b: {  	_ = 	snop  }
0x1c: {  	[tilespmem:s14], [sflag:$0x2] =	stream.indirect.gather [hbm4b:s5+s12], $0x80, s12, s12, $0xb8;
	[tilespmem:$0x1F800] =	vst v63  }
0x1d: {  	_ =	strace $0x80000068  }
0x1e: {  	[spmem:s16], [sflag:s15] =	dma.local [hbm:s4], $0x2800  }
0x1f: {  	_ =	swait.ge [sflag:s10], $0x2800  }
0x20: {  	[sflag:s10] =	ssyncset.done $0x0  }
0x21: {  	[sflag:s10] =	ssyncadd.s32 $0xFFFFD800  }
0x22: {  	[bflag:$0x0] =	sbarrier.arrive $0xFFFF  }
0x23: {  	_ =	strace $0x90000068  }
0x24: {  	_ =	strace $0x80000069  }
0x25: {  	_ =	swait.ge [sflag:s17], $0x2800  }
0x26: {  	[sflag:s17] =	ssyncset.done $0x0  }
0x27: {  	s22 =	simm.s32 $0x2800;
	[sflag:s17] =	ssyncadd.s32 $0xFFFFD800  }
0x28: {  	[spmem:s2] =	stream.indirect.scatter.add.f32 [tilespmem:s13], [sflag:$0x3], $0x80, s22, s12, $0x2000b8;
	[tilespmem:$0x1F800] =	vst v63  }
0x29: {  	_ =	swait.ge [sflag:s10], $0x2800  }
0x2a: {  	[sflag:s10] =	ssyncset.done $0x0  }
0x2b: {  	s30 =	simm.s32 $0xA0;
	[sflag:s10] =	ssyncadd.s32 $0xFFFFD800  }
0x2c: {  	[tilespmem:s13], [sflag:$0x1] =	stream.indirect.gather [hbm4b:s5+s12], $0x80, s30, s12, $0x2000b8;
	[tilespmem:$0x1F800] =	vst v63  }
0x2d: {  	_ =	swait.ge [sflag:s18], $0x2800  }
0x2e: {  	[sflag:s18] =	ssyncset.done $0x0  }
0x2f: {  	s31 =	simm.s32 $0x2880;
	[sflag:s18] =	ssyncadd.s32 $0xFFFFD800  }
0x30: {  	[spmem:s2] =	stream.indirect.scatter.add.f32 [tilespmem:s14], [sflag:$0x3], $0x80, s31, s12, $0x2000b8;
	[tilespmem:$0x1F800] =	vst v63  }
0x31: {  	_ =	swait.ge [sflag:s10], $0x2800  }
0x32: {  	s23 =	simm.s32 $0x400;
	[sflag:s10] =	ssyncset.done $0x0  }
0x33: {  	s24 =	simm.s32 $0x190;
	s22 =	simm.s32 $0xF0;
	[sflag:s10] =	ssyncadd.s32 $0xFFFFD800  }
.LBB2_2:
0x34: {  	[tilespmem:s14], [sflag:$0x2] =	stream.indirect.gather [hbm4b:s5+s12], $0x80, s22, s12, $0x2000b8;
	[tilespmem:$0x1F800] =	vst v63  }
0x35: {  	s25 =	smov.u32 s23;
	s22 =	smov.u32 s24  }
0x36: {  	p0 =	sne.s32 s23, $0xF800;
	s23 =	sadd.s32 $0x400, s23;
	_ =	swait.ge [sflag:s17], $0x2800  }
0x37: {  	s25 =	sshra.s32 s25, $0x2;
	[sflag:s17] =	ssyncset.done $0x0  }
0x38: {  	s26 =	sadd.s32 $0x2800, s25;
	[sflag:s17] =	ssyncadd.s32 $0xFFFFD800  }
0x39: {  	[spmem:s2] =	stream.indirect.scatter.add.f32 [tilespmem:s13], [sflag:$0x3], $0x80, s26, s12, $0x2000b8;
	[tilespmem:$0x1F800] =	vst v63  }
0x3a: {  	_ =	swait.ge [sflag:s10], $0x2800  }
0x3b: {  	[sflag:s10] =	ssyncset.done $0x0  }
0x3c: {  	s26 =	sadd.s32 $0xFFFFFFB0, s24;
	[sflag:s10] =	ssyncadd.s32 $0xFFFFD800  }
0x3d: {  	[tilespmem:s13], [sflag:$0x1] =	stream.indirect.gather [hbm4b:s5+s12], $0x80, s26, s12, $0x2000b8;
	[tilespmem:$0x1F800] =	vst v63  }
0x3e: {  	_ =	swait.ge [sflag:s18], $0x2800  }
0x3f: {  	[sflag:s18] =	ssyncset.done $0x0  }
.Ltmp0:
0x40: {  	s25 =	sadd.s32 $0x2880, s25;
	[sflag:s18] =	ssyncadd.s32 $0xFFFFD800;
	(pc) =	sbr.rel @p0 .LBB2_2-.Ltmp0, $4  }
0x41: {  	[spmem:s2] =	stream.indirect.scatter.add.f32 [tilespmem:s14], [sflag:$0x3], $0x80, s25, s12, $0x2000b8;
	[tilespmem:$0x1F800] =	vst v63  }
0x42: {  	_ =	swait.ge [sflag:s10], $0x2800  }
0x43: {  	[sflag:s10] =	ssyncset.done $0x0  }
0x44: {  	s24 =	sadd.s32 $0xA0, s24;
	[sflag:s10] =	ssyncadd.s32 $0xFFFFD800  }
0x45: {  	[tilespmem:s14], [sflag:$0x2] =	stream.indirect.gather [hbm4b:s5+s12], $0x80, s22, s12, $0x2000b8;
	[tilespmem:$0x1F800] =	vst v63  }
0x46: {  	_ =	swait.ge [sflag:s17], $0x2800  }
0x47: {  	[sflag:s17] =	ssyncset.done $0x0  }
0x48: {  	[sflag:s17] =	ssyncadd.s32 $0xFFFFD800  }
0x49: {  	[spmem:s2] =	stream.indirect.scatter.add.f32 [tilespmem:s13], [sflag:$0x3], $0x80, s19, s12, $0x2000b8;
	[tilespmem:$0x1F800] =	vst v63  }
0x4a: {  	_ =	swait.ge [sflag:s10], $0x2800  }
0x4b: {  	[sflag:s10] =	ssyncset.done $0x0  }
0x4c: {  	[sflag:s10] =	ssyncadd.s32 $0xFFFFD800  }
0x4d: {  	_ =	swait.ge [sflag:s18], $0x2800  }
0x4e: {  	[sflag:s18] =	ssyncset.done $0x0  }
0x4f: {  	[sflag:s18] =	ssyncadd.s32 $0xFFFFD800  }
0x50: {  	[spmem:s2] =	stream.indirect.scatter.add.f32 [tilespmem:s14], [sflag:$0x3], $0x80, s20, s12, $0x2000b8;
	[tilespmem:$0x1F800] =	vst v63  }
0x51: {  	_ =	swait.ge [sflag:s10], $0x2800  }
0x52: {  	[sflag:s10] =	ssyncset.done $0x0  }
0x53: {  	[sflag:s10] =	ssyncadd.s32 $0xFFFFD800  }
0x54: {  	[bflag:$0x0] =	sbarrier.arrive $0xFFFF  }
0x55: {  	s21 =	sadd.s32 $0x1, s21;
	_ =	strace $0x90000069  }
0x56: {  	p0 =	sne.s32 s21, s9;
	_ =	strace $0x8000006A  }
0x57: {  	[hbm:s8], [sflag:s15] =	dma.local [spmem:s16], $0x2800  }
.Ltmp1:
0x58: {  	_ = 	snop;
	(pc) =	sbr.rel @p0 .LBB2_1-.Ltmp1, $4  }
0x59: {  	_ =	swait.ge [sflag:s10], $0x2800  }
0x5a: {  	[sflag:s10] =	ssyncset.done $0x0  }
0x5b: {  	[sflag:s10] =	ssyncadd.s32 $0xFFFFD800  }
0x5c: {  	_ =	strace $0x9000006A  }
0x5d: {  	_ =	sfence.sel $0x180000  }
0x5e: {  	[bflag:$0x0] =	sbarrier.arrive $0xFFFF  }
0x5f: {  	p0 =	sne.s32 s0, $0x0;
	_ =	strace $0x90000066  }
0x60: {  	s0 =	sadd.s32 @!p0 $0x100000, s1;
	[bflag:$0x2] =	sbarrier.arrive $0xFFFF  }
0x61: {  	[sflag:s0] =	ssyncadd.tile.s32 @!p0 $0x1;
	_ =	shalt  }
.Lfunc_end2:
_tile_overlayer_lowered:
.L_overlay_start_2:
0x62: {  	(tag) =	ssettag $0x2  }
0x63: {  	s0 =	rddreg [dreg:$0x0];
	s2 =	stileid.u32  }
0x64: {  	s1 =	rddreg [dreg:$0x1];
	p0 =	sne.s32 s2, $0x0  }
0x65: {  	s3 =	rddreg [dreg:$0x2];
	[bflag:$0x3] =	sbarrier.arrive $0xFFFF;
	s2 =	simm.s32 @!p0 $0x1C03  }
0x66: {  	[timem:s3], [sflag:s2] =	dma.local @!p0 [hbm:s0], s1  }
0x67: {  	s0 =	simm.s32 @!p0 $0x3  }
0x68: {  	_ =	swait.ge @!p0 [sflag:s0], s1  }
0x69: {  	s1 =	ssub.s32 @!p0 $0x0, s1;
	[sflag:s0] =	ssyncset.done @!p0 $0x0  }
0x6a: {  	[sflag:s0] =	ssyncadd.s32 @!p0 s1  }
0x6b: {  	[bflag:$0x3] =	sbarrier.arrive $0xFFFF  }
0x6c: {  	_ =	shalt  }

</sc_bundles>
